<compile_context>
chip_gen: v7x
topology: tpu7x:2x2x1
jax: 0.10.2.dev20260603
libtpu: 0.0.44.dev20260713+nightly
codegen_flags: <defaults>
</compile_context>

<pallas_src>
import functools

import jax
import jax.numpy as jnp
from jax import lax
from jax.experimental import pallas as pl
from jax.experimental.pallas import tpu as pltpu
from jax.experimental.pallas import tpu_sc as plsc

D = 128
SEQ = 50
NBATCH = 4096
B = NBATCH * SEQ
NC, NS = 2, 16
NW = NC * NS
PER_W = B // NW
CH = 64
NCHUNK = PER_W // CH
NBUF = 10
NG = NCHUNK // NBUF

_mesh = plsc.VectorSubcoreMesh(core_axis_name="c", subcore_axis_name="s")


@functools.partial(
    pl.kernel,
    mesh=_mesh,
    out_type=jax.ShapeDtypeStruct((B, D), jnp.float32),
    scratch_types=[
        pltpu.VMEM((NCHUNK, CH), jnp.int32),
        pltpu.VMEM((NBUF, CH, D), jnp.float32),
        pltpu.SemaphoreType.DMA((NBUF,)),
        pltpu.SemaphoreType.DMA((NBUF,)),
    ],
)
def _embed_gather(table_hbm, idx_hbm, out_hbm, idx_v, rows_v, gsem, osem):
    wid = lax.axis_index("s") * NC + lax.axis_index("c")
    base = wid * PER_W
    pltpu.sync_copy(idx_hbm.at[wid], idx_v)

    def _gather(b, c):
        pltpu.async_copy(table_hbm.at[idx_v.at[c]], rows_v.at[b], gsem.at[b])

    def _gather_wait(b):
        pltpu.make_async_copy(
            table_hbm.at[idx_v.at[0]], rows_v.at[b], gsem.at[b]).wait()

    def _write(b, c):
        pltpu.async_copy(
            rows_v.at[b], out_hbm.at[pl.ds(base + c * CH, CH)], osem.at[b])

    def _write_wait(b):
        pltpu.make_async_copy(
            rows_v.at[b], out_hbm.at[pl.ds(base, CH)], osem.at[b]).wait()

    for b in range(NBUF):
        _gather(b, b)

    def _group(g, carry):
        for b in range(NBUF):
            _gather_wait(b)
            _write(b, g * NBUF + b)
        for b in range(NBUF):
            _write_wait(b)
            _gather(b, (g + 1) * NBUF + b)
        return carry

    lax.fori_loop(0, NG - 1, _group, 0)

    for b in range(NBUF):
        _gather_wait(b)
        _write(b, (NG - 1) * NBUF + b)
    for b in range(NBUF):
        _write_wait(b)


def kernel(token_ids, weight):
    idx = token_ids.T.reshape(NW, NCHUNK, CH).astype(jnp.int32)
    out = _embed_gather(weight, idx)
    return out.reshape(SEQ, NBATCH, D).transpose(1, 0, 2)

# --- scband reference (transcript-rebuilt; emitter-appended) ---
"""Pipeline reference for scband-embedding-75050258530440 (READ-ONLY COPY).

The authoritative reference and input builder live on the scoring server;
editing this copy changes nothing except your own understanding.
"""

import jax, jax.numpy as jnp
import numpy as np

VOCAB = 100000
D_MODEL = 128

def setup_inputs(seed: int = 0) -> dict:
    key = jax.random.key(seed)
    k_idx, k_w = jax.random.split(key)
    token_ids = jax.random.randint(k_idx, (4096, 50), 0, VOCAB, dtype=jnp.int64 if jax.config.jax_enable_x64 else jnp.int32)
    weight = jax.random.normal(k_w, (VOCAB, D_MODEL), dtype=jnp.float32) * 0.02
    return {"token_ids": token_ids, "weight": weight}

def reference(token_ids, weight):
    # Faithful translation of torch: self.weight[token_ids]
    return jnp.take(weight, token_ids, axis=0)

if __name__ == "__main__":
    import jax
    _d = setup_inputs()
    print(jax.jit(kernel)(*tuple(_d.values())))

</pallas_src>

<mosaic_0001>
#map = affine_map<(d0, d1) -> (0, 0)>
#map1 = affine_map<(d0, d1) -> (0, 0, 0)>
module attributes {stable_mosaic.version = 14 : i64} {
  func.func @_embed_gather(%arg0: i32, %arg1: i32, %arg2: memref<100000x128xf32, #tpu.memory_space<hbm>>, %arg3: memref<32x100x64xi32, #tpu.memory_space<hbm>>, %arg4: memref<204800x128xf32, #tpu.memory_space<hbm>>, %arg5: memref<100x64xi32, #tpu.memory_space<vmem>>, %arg6: memref<10x64x128xf32, #tpu.memory_space<vmem>>, %arg7: memref<10x!tpu.dma_semaphore, #tpu.memory_space<semaphore_mem>>, %arg8: memref<10x!tpu.dma_semaphore, #tpu.memory_space<semaphore_mem>>) attributes {dimension_semantics = [#tpu.dimension_semantics<core_parallel>, #tpu.dimension_semantics<subcore_parallel>], iteration_bounds = array<i64: 2, 16>, scalar_prefetch = 0 : i64, scratch_operands = 4 : i64, tpu.core_type = #tpu.core_type<sc_vector_subcore>, window_params = [{transform_indices = #map}, {transform_indices = #map1}, {transform_indices = #map}]} {
    %mul3A = arith.constant 2 : i32
    %mul3A_0 = arith.muli %arg1, %mul3A : i32
    %add3A = arith.addi %mul3A_0, %arg0 : i32
    %mul3A_1 = arith.constant 6400 : i32
    %mul3A_2 = arith.muli %add3A, %mul3A_1 : i32
    "tpu.region"() ({
      %run_scoped3A = tpu.sem_alloc : memref<!tpu.dma_semaphore, #tpu.memory_space<semaphore_mem>>
      %dma_start3A_646 = arith.constant 0 : i32
      %dma_start3A_647 = arith.constant 0 : i32
      %dma_start3A_648 = tpu.memref_slice %arg3[%add3A, %dma_start3A_646, %dma_start3A_647] : memref<32x100x64xi32, #tpu.memory_space<hbm>> -> memref<1x100x64xi32, #tpu.memory_space<hbm>>
      %dma_start3A_649 = tpu.memref_squeeze %dma_start3A_648 : memref<1x100x64xi32, #tpu.memory_space<hbm>> -> memref<100x64xi32, #tpu.memory_space<hbm>>
      %dma_start3A_650 = arith.constant 0 : i32
      %dma_start3A_651 = arith.constant 0 : i32
      %dma_start3A_652 = tpu.memref_slice %arg3[%add3A, %dma_start3A_650, %dma_start3A_651] : memref<32x100x64xi32, #tpu.memory_space<hbm>> -> memref<1x100x64xi32, #tpu.memory_space<hbm>>
      %dma_start3A_653 = tpu.memref_squeeze %dma_start3A_652 : memref<1x100x64xi32, #tpu.memory_space<hbm>> -> memref<100x64xi32, #tpu.memory_space<hbm>>
      tpu.enqueue_dma source(%dma_start3A_653 : memref<100x64xi32, #tpu.memory_space<hbm>>) target(%arg5 : memref<100x64xi32, #tpu.memory_space<vmem>>) target_semaphore(%run_scoped3A : memref<!tpu.dma_semaphore, #tpu.memory_space<semaphore_mem>>)
      %dma_wait3A_654 = arith.constant 0 : i32
      %dma_wait3A_655 = arith.constant 0 : i32
      %dma_wait3A_656 = tpu.memref_slice %arg3[%add3A, %dma_wait3A_654, %dma_wait3A_655] : memref<32x100x64xi32, #tpu.memory_space<hbm>> -> memref<1x100x64xi32, #tpu.memory_space<hbm>>
      %dma_wait3A_657 = tpu.memref_squeeze %dma_wait3A_656 : memref<1x100x64xi32, #tpu.memory_space<hbm>> -> memref<100x64xi32, #tpu.memory_space<hbm>>
      %dma_wait3A_658 = arith.constant 0 : i32
      %dma_wait3A_659 = arith.constant 0 : i32
      %dma_wait3A_660 = tpu.memref_slice %arg3[%add3A, %dma_wait3A_658, %dma_wait3A_659] : memref<32x100x64xi32, #tpu.memory_space<hbm>> -> memref<1x100x64xi32, #tpu.memory_space<hbm>>
      %dma_wait3A_661 = tpu.memref_squeeze %dma_wait3A_660 : memref<1x100x64xi32, #tpu.memory_space<hbm>> -> memref<100x64xi32, #tpu.memory_space<hbm>>
      tpu.wait_dma2 semaphore(%run_scoped3A : memref<!tpu.dma_semaphore, #tpu.memory_space<semaphore_mem>>) src(%dma_wait3A_661 : memref<100x64xi32, #tpu.memory_space<hbm>>) dst(%arg5 : memref<100x64xi32, #tpu.memory_space<vmem>>)
      tpu.yield
    }) : () -> ()
    %dma_start3A = arith.constant 0 : i32
    %dma_start3A_3 = arith.constant 0 : i32
    %dma_start3A_4 = arith.constant 0 : i32
    %dma_start3A_5 = arith.constant 0 : i32
    %dma_start3A_6 = arith.constant 0 : i32
    %dma_start3A_7 = tpu.memref_slice %arg6[%dma_start3A_3, %dma_start3A_5, %dma_start3A_6] : memref<10x64x128xf32, #tpu.memory_space<vmem>> -> memref<1x64x128xf32, #tpu.memory_space<vmem>>
    %dma_start3A_8 = tpu.memref_squeeze %dma_start3A_7 : memref<1x64x128xf32, #tpu.memory_space<vmem>> -> memref<64x128xf32, #tpu.memory_space<vmem>>
    %dma_start3A_9 = arith.constant 0 : i32
    %dma_start3A_10 = tpu.memref_slice %arg5[%dma_start3A, %dma_start3A_9] : memref<100x64xi32, #tpu.memory_space<vmem>> -> memref<1x64xi32, #tpu.memory_space<vmem>>
    %dma_start3A_11 = tpu.memref_squeeze %dma_start3A_10 : memref<1x64xi32, #tpu.memory_space<vmem>> -> memref<64xi32, #tpu.memory_space<vmem>>
    %dma_start3A_12 = arith.constant 0 : i32
    %dma_start3A_13 = arith.constant 0 : i32
    %dma_start3A_14 = tpu.memref_slice %arg2[%dma_start3A_12, %dma_start3A_13] : memref<100000x128xf32, #tpu.memory_space<hbm>> -> memref<100000x128xf32, #tpu.memory_space<hbm>>
    %dma_start3A_15 = tpu.memref_slice %arg7[%dma_start3A_4] : memref<10x!tpu.dma_semaphore, #tpu.memory_space<semaphore_mem>> -> memref<1x!tpu.dma_semaphore, #tpu.memory_space<semaphore_mem>>
    %dma_start3A_16 = tpu.memref_squeeze %dma_start3A_15 : memref<1x!tpu.dma_semaphore, #tpu.memory_space<semaphore_mem>> -> memref<!tpu.dma_semaphore, #tpu.memory_space<semaphore_mem>>
    tpu.enqueue_indirect_dma source(%dma_start3A_14 : memref<100000x128xf32, #tpu.memory_space<hbm>>) target(%dma_start3A_8 : memref<64x128xf32, #tpu.memory_space<vmem>>) offsets(%dma_start3A_11 : memref<64xi32, #tpu.memory_space<vmem>>) semaphore(%dma_start3A_16 : memref<!tpu.dma_semaphore, #tpu.memory_space<semaphore_mem>>)
    %dma_start3A_17 = arith.constant 1 : i32
    %dma_start3A_18 = arith.constant 1 : i32
    %dma_start3A_19 = arith.constant 1 : i32
    %dma_start3A_20 = arith.constant 0 : i32
    %dma_start3A_21 = arith.constant 0 : i32
    %dma_start3A_22 = tpu.memref_slice %arg6[%dma_start3A_18, %dma_start3A_20, %dma_start3A_21] : memref<10x64x128xf32, #tpu.memory_space<vmem>> -> memref<1x64x128xf32, #tpu.memory_space<vmem>>
    %dma_start3A_23 = tpu.memref_squeeze %dma_start3A_22 : memref<1x64x128xf32, #tpu.memory_space<vmem>> -> memref<64x128xf32, #tpu.memory_space<vmem>>
    %dma_start3A_24 = arith.constant 0 : i32
    %dma_start3A_25 = tpu.memref_slice %arg5[%dma_start3A_17, %dma_start3A_24] : memref<100x64xi32, #tpu.memory_space<vmem>> -> memref<1x64xi32, #tpu.memory_space<vmem>>
    %dma_start3A_26 = tpu.memref_squeeze %dma_start3A_25 : memref<1x64xi32, #tpu.memory_space<vmem>> -> memref<64xi32, #tpu.memory_space<vmem>>
    %dma_start3A_27 = arith.constant 0 : i32
    %dma_start3A_28 = arith.constant 0 : i32
    %dma_start3A_29 = tpu.memref_slice %arg2[%dma_start3A_27, %dma_start3A_28] : memref<100000x128xf32, #tpu.memory_space<hbm>> -> memref<100000x128xf32, #tpu.memory_space<hbm>>
    %dma_start3A_30 = tpu.memref_slice %arg7[%dma_start3A_19] : memref<10x!tpu.dma_semaphore, #tpu.memory_space<semaphore_mem>> -> memref<1x!tpu.dma_semaphore, #tpu.memory_space<semaphore_mem>>
    %dma_start3A_31 = tpu.memref_squeeze %dma_start3A_30 : memref<1x!tpu.dma_semaphore, #tpu.memory_space<semaphore_mem>> -> memref<!tpu.dma_semaphore, #tpu.memory_space<semaphore_mem>>
    tpu.enqueue_indirect_dma source(%dma_start3A_29 : memref<100000x128xf32, #tpu.memory_space<hbm>>) target(%dma_start3A_23 : memref<64x128xf32, #tpu.memory_space<vmem>>) offsets(%dma_start3A_26 : memref<64xi32, #tpu.memory_space<vmem>>) semaphore(%dma_start3A_31 : memref<!tpu.dma_semaphore, #tpu.memory_space<semaphore_mem>>)
    %dma_start3A_32 = arith.constant 2 : i32
    %dma_start3A_33 = arith.constant 2 : i32
    %dma_start3A_34 = arith.constant 2 : i32
    %dma_start3A_35 = arith.constant 0 : i32
    %dma_start3A_36 = arith.constant 0 : i32
    %dma_start3A_37 = tpu.memref_slice %arg6[%dma_start3A_33, %dma_start3A_35, %dma_start3A_36] : memref<10x64x128xf32, #tpu.memory_space<vmem>> -> memref<1x64x128xf32, #tpu.memory_space<vmem>>
    %dma_start3A_38 = tpu.memref_squeeze %dma_start3A_37 : memref<1x64x128xf32, #tpu.memory_space<vmem>> -> memref<64x128xf32, #tpu.memory_space<vmem>>
    %dma_start3A_39 = arith.constant 0 : i32
    %dma_start3A_40 = tpu.memref_slice %arg5[%dma_start3A_32, %dma_start3A_39] : memref<100x64xi32, #tpu.memory_space<vmem>> -> memref<1x64xi32, #tpu.memory_space<vmem>>
    %dma_start3A_41 = tpu.memref_squeeze %dma_start3A_40 : memref<1x64xi32, #tpu.memory_space<vmem>> -> memref<64xi32, #tpu.memory_space<vmem>>
    %dma_start3A_42 = arith.constant 0 : i32
    %dma_start3A_43 = arith.constant 0 : i32
    %dma_start3A_44 = tpu.memref_slice %arg2[%dma_start3A_42, %dma_start3A_43] : memref<100000x128xf32, #tpu.memory_space<hbm>> -> memref<100000x128xf32, #tpu.memory_space<hbm>>
    %dma_start3A_45 = tpu.memref_slice %arg7[%dma_start3A_34] : memref<10x!tpu.dma_semaphore, #tpu.memory_space<semaphore_mem>> -> memref<1x!tpu.dma_semaphore, #tpu.memory_space<semaphore_mem>>
    %dma_start3A_46 = tpu.memref_squeeze %dma_start3A_45 : memref<1x!tpu.dma_semaphore, #tpu.memory_space<semaphore_mem>> -> memref<!tpu.dma_semaphore, #tpu.memory_space<semaphore_mem>>
    tpu.enqueue_indirect_dma source(%dma_start3A_44 : memref<100000x128xf32, #tpu.memory_space<hbm>>) target(%dma_start3A_38 : memref<64x128xf32, #tpu.memory_space<vmem>>) offsets(%dma_start3A_41 : memref<64xi32, #tpu.memory_space<vmem>>) semaphore(%dma_start3A_46 : memref<!tpu.dma_semaphore, #tpu.memory_space<semaphore_mem>>)
    %dma_start3A_47 = arith.constant 3 : i32
    %dma_start3A_48 = arith.constant 3 : i32
    %dma_start3A_49 = arith.constant 3 : i32
    %dma_start3A_50 = arith.constant 0 : i32
    %dma_start3A_51 = arith.constant 0 : i32
    %dma_start3A_52 = tpu.memref_slice %arg6[%dma_start3A_48, %dma_start3A_50, %dma_start3A_51] : memref<10x64x128xf32, #tpu.memory_space<vmem>> -> memref<1x64x128xf32, #tpu.memory_space<vmem>>
    %dma_start3A_53 = tpu.memref_squeeze %dma_start3A_52 : memref<1x64x128xf32, #tpu.memory_space<vmem>> -> memref<64x128xf32, #tpu.memory_space<vmem>>
    %dma_start3A_54 = arith.constant 0 : i32
    %dma_start3A_55 = tpu.memref_slice %arg5[%dma_start3A_47, %dma_start3A_54] : memref<100x64xi32, #tpu.memory_space<vmem>> -> memref<1x64xi32, #tpu.memory_space<vmem>>
    %dma_start3A_56 = tpu.memref_squeeze %dma_start3A_55 : memref<1x64xi32, #tpu.memory_space<vmem>> -> memref<64xi32, #tpu.memory_space<vmem>>
    %dma_start3A_57 = arith.constant 0 : i32
    %dma_start3A_58 = arith.constant 0 : i32
    %dma_start3A_59 = tpu.memref_slice %arg2[%dma_start3A_57, %dma_start3A_58] : memref<100000x128xf32, #tpu.memory_space<hbm>> -> memref<100000x128xf32, #tpu.memory_space<hbm>>
    %dma_start3A_60 = tpu.memref_slice %arg7[%dma_start3A_49] : memref<10x!tpu.dma_semaphore, #tpu.memory_space<semaphore_mem>> -> memref<1x!tpu.dma_semaphore, #tpu.memory_space<semaphore_mem>>
    %dma_start3A_61 = tpu.memref_squeeze %dma_start3A_60 : memref<1x!tpu.dma_semaphore, #tpu.memory_space<semaphore_mem>> -> memref<!tpu.dma_semaphore, #tpu.memory_space<semaphore_mem>>
    tpu.enqueue_indirect_dma source(%dma_start3A_59 : memref<100000x128xf32, #tpu.memory_space<hbm>>) target(%dma_start3A_53 : memref<64x128xf32, #tpu.memory_space<vmem>>) offsets(%dma_start3A_56 : memref<64xi32, #tpu.memory_space<vmem>>) semaphore(%dma_start3A_61 : memref<!tpu.dma_semaphore, #tpu.memory_space<semaphore_mem>>)
    %dma_start3A_62 = arith.constant 4 : i32
    %dma_start3A_63 = arith.constant 4 : i32
    %dma_start3A_64 = arith.constant 4 : i32
    %dma_start3A_65 = arith.constant 0 : i32
    %dma_start3A_66 = arith.constant 0 : i32
    %dma_start3A_67 = tpu.memref_slice %arg6[%dma_start3A_63, %dma_start3A_65, %dma_start3A_66] : memref<10x64x128xf32, #tpu.memory_space<vmem>> -> memref<1x64x128xf32, #tpu.memory_space<vmem>>
    %dma_start3A_68 = tpu.memref_squeeze %dma_start3A_67 : memref<1x64x128xf32, #tpu.memory_space<vmem>> -> memref<64x128xf32, #tpu.memory_space<vmem>>
    %dma_start3A_69 = arith.constant 0 : i32
    %dma_start3A_70 = tpu.memref_slice %arg5[%dma_start3A_62, %dma_start3A_69] : memref<100x64xi32, #tpu.memory_space<vmem>> -> memref<1x64xi32, #tpu.memory_space<vmem>>
    %dma_start3A_71 = tpu.memref_squeeze %dma_start3A_70 : memref<1x64xi32, #tpu.memory_space<vmem>> -> memref<64xi32, #tpu.memory_space<vmem>>
    %dma_start3A_72 = arith.constant 0 : i32
    %dma_start3A_73 = arith.constant 0 : i32
    %dma_start3A_74 = tpu.memref_slice %arg2[%dma_start3A_72, %dma_start3A_73] : memref<100000x128xf32, #tpu.memory_space<hbm>> -> memref<100000x128xf32, #tpu.memory_space<hbm>>
    %dma_start3A_75 = tpu.memref_slice %arg7[%dma_start3A_64] : memref<10x!tpu.dma_semaphore, #tpu.memory_space<semaphore_mem>> -> memref<1x!tpu.dma_semaphore, #tpu.memory_space<semaphore_mem>>
    %dma_start3A_76 = tpu.memref_squeeze %dma_start3A_75 : memref<1x!tpu.dma_semaphore, #tpu.memory_space<semaphore_mem>> -> memref<!tpu.dma_semaphore, #tpu.memory_space<semaphore_mem>>
    tpu.enqueue_indirect_dma source(%dma_start3A_74 : memref<100000x128xf32, #tpu.memory_space<hbm>>) target(%dma_start3A_68 : memref<64x128xf32, #tpu.memory_space<vmem>>) offsets(%dma_start3A_71 : memref<64xi32, #tpu.memory_space<vmem>>) semaphore(%dma_start3A_76 : memref<!tpu.dma_semaphore, #tpu.memory_space<semaphore_mem>>)
    %dma_start3A_77 = arith.constant 5 : i32
    %dma_start3A_78 = arith.constant 5 : i32
    %dma_start3A_79 = arith.constant 5 : i32
    %dma_start3A_80 = arith.constant 0 : i32
    %dma_start3A_81 = arith.constant 0 : i32
    %dma_start3A_82 = tpu.memref_slice %arg6[%dma_start3A_78, %dma_start3A_80, %dma_start3A_81] : memref<10x64x128xf32, #tpu.memory_space<vmem>> -> memref<1x64x128xf32, #tpu.memory_space<vmem>>
    %dma_start3A_83 = tpu.memref_squeeze %dma_start3A_82 : memref<1x64x128xf32, #tpu.memory_space<vmem>> -> memref<64x128xf32, #tpu.memory_space<vmem>>
    %dma_start3A_84 = arith.constant 0 : i32
    %dma_start3A_85 = tpu.memref_slice %arg5[%dma_start3A_77, %dma_start3A_84] : memref<100x64xi32, #tpu.memory_space<vmem>> -> memref<1x64xi32, #tpu.memory_space<vmem>>
    %dma_start3A_86 = tpu.memref_squeeze %dma_start3A_85 : memref<1x64xi32, #tpu.memory_space<vmem>> -> memref<64xi32, #tpu.memory_space<vmem>>
    %dma_start3A_87 = arith.constant 0 : i32
    %dma_start3A_88 = arith.constant 0 : i32
    %dma_start3A_89 = tpu.memref_slice %arg2[%dma_start3A_87, %dma_start3A_88] : memref<100000x128xf32, #tpu.memory_space<hbm>> -> memref<100000x128xf32, #tpu.memory_space<hbm>>
    %dma_start3A_90 = tpu.memref_slice %arg7[%dma_start3A_79] : memref<10x!tpu.dma_semaphore, #tpu.memory_space<semaphore_mem>> -> memref<1x!tpu.dma_semaphore, #tpu.memory_space<semaphore_mem>>
    %dma_start3A_91 = tpu.memref_squeeze %dma_start3A_90 : memref<1x!tpu.dma_semaphore, #tpu.memory_space<semaphore_mem>> -> memref<!tpu.dma_semaphore, #tpu.memory_space<semaphore_mem>>
    tpu.enqueue_indirect_dma source(%dma_start3A_89 : memref<100000x128xf32, #tpu.memory_space<hbm>>) target(%dma_start3A_83 : memref<64x128xf32, #tpu.memory_space<vmem>>) offsets(%dma_start3A_86 : memref<64xi32, #tpu.memory_space<vmem>>) semaphore(%dma_start3A_91 : memref<!tpu.dma_semaphore, #tpu.memory_space<semaphore_mem>>)
    %dma_start3A_92 = arith.constant 6 : i32
    %dma_start3A_93 = arith.constant 6 : i32
    %dma_start3A_94 = arith.constant 6 : i32
    %dma_start3A_95 = arith.constant 0 : i32
    %dma_start3A_96 = arith.constant 0 : i32
    %dma_start3A_97 = tpu.memref_slice %arg6[%dma_start3A_93, %dma_start3A_95, %dma_start3A_96] : memref<10x64x128xf32, #tpu.memory_space<vmem>> -> memref<1x64x128xf32, #tpu.memory_space<vmem>>
    %dma_start3A_98 = tpu.memref_squeeze %dma_start3A_97 : memref<1x64x128xf32, #tpu.memory_space<vmem>> -> memref<64x128xf32, #tpu.memory_space<vmem>>
    %dma_start3A_99 = arith.constant 0 : i32
    %dma_start3A_100 = tpu.memref_slice %arg5[%dma_start3A_92, %dma_start3A_99] : memref<100x64xi32, #tpu.memory_space<vmem>> -> memref<1x64xi32, #tpu.memory_space<vmem>>
    %dma_start3A_101 = tpu.memref_squeeze %dma_start3A_100 : memref<1x64xi32, #tpu.memory_space<vmem>> -> memref<64xi32, #tpu.memory_space<vmem>>
    %dma_start3A_102 = arith.constant 0 : i32
    %dma_start3A_103 = arith.constant 0 : i32
    %dma_start3A_104 = tpu.memref_slice %arg2[%dma_start3A_102, %dma_start3A_103] : memref<100000x128xf32, #tpu.memory_space<hbm>> -> memref<100000x128xf32, #tpu.memory_space<hbm>>
    %dma_start3A_105 = tpu.memref_slice %arg7[%dma_start3A_94] : memref<10x!tpu.dma_semaphore, #tpu.memory_space<semaphore_mem>> -> memref<1x!tpu.dma_semaphore, #tpu.memory_space<semaphore_mem>>
    %dma_start3A_106 = tpu.memref_squeeze %dma_start3A_105 : memref<1x!tpu.dma_semaphore, #tpu.memory_space<semaphore_mem>> -> memref<!tpu.dma_semaphore, #tpu.memory_space<semaphore_mem>>
    tpu.enqueue_indirect_dma source(%dma_start3A_104 : memref<100000x128xf32, #tpu.memory_space<hbm>>) target(%dma_start3A_98 : memref<64x128xf32, #tpu.memory_space<vmem>>) offsets(%dma_start3A_101 : memref<64xi32, #tpu.memory_space<vmem>>) semaphore(%dma_start3A_106 : memref<!tpu.dma_semaphore, #tpu.memory_space<semaphore_mem>>)
    %dma_start3A_107 = arith.constant 7 : i32
    %dma_start3A_108 = arith.constant 7 : i32
    %dma_start3A_109 = arith.constant 7 : i32
    %dma_start3A_110 = arith.constant 0 : i32
    %dma_start3A_111 = arith.constant 0 : i32
    %dma_start3A_112 = tpu.memref_slice %arg6[%dma_start3A_108, %dma_start3A_110, %dma_start3A_111] : memref<10x64x128xf32, #tpu.memory_space<vmem>> -> memref<1x64x128xf32, #tpu.memory_space<vmem>>
    %dma_start3A_113 = tpu.memref_squeeze %dma_start3A_112 : memref<1x64x128xf32, #tpu.memory_space<vmem>> -> memref<64x128xf32, #tpu.memory_space<vmem>>
    %dma_start3A_114 = arith.constant 0 : i32
    %dma_start3A_115 = tpu.memref_slice %arg5[%dma_start3A_107, %dma_start3A_114] : memref<100x64xi32, #tpu.memory_space<vmem>> -> memref<1x64xi32, #tpu.memory_space<vmem>>
    %dma_start3A_116 = tpu.memref_squeeze %dma_start3A_115 : memref<1x64xi32, #tpu.memory_space<vmem>> -> memref<64xi32, #tpu.memory_space<vmem>>
    %dma_start3A_117 = arith.constant 0 : i32
    %dma_start3A_118 = arith.constant 0 : i32
    %dma_start3A_119 = tpu.memref_slice %arg2[%dma_start3A_117, %dma_start3A_118] : memref<100000x128xf32, #tpu.memory_space<hbm>> -> memref<100000x128xf32, #tpu.memory_space<hbm>>
    %dma_start3A_120 = tpu.memref_slice %arg7[%dma_start3A_109] : memref<10x!tpu.dma_semaphore, #tpu.memory_space<semaphore_mem>> -> memref<1x!tpu.dma_semaphore, #tpu.memory_space<semaphore_mem>>
    %dma_start3A_121 = tpu.memref_squeeze %dma_start3A_120 : memref<1x!tpu.dma_semaphore, #tpu.memory_space<semaphore_mem>> -> memref<!tpu.dma_semaphore, #tpu.memory_space<semaphore_mem>>
    tpu.enqueue_indirect_dma source(%dma_start3A_119 : memref<100000x128xf32, #tpu.memory_space<hbm>>) target(%dma_start3A_113 : memref<64x128xf32, #tpu.memory_space<vmem>>) offsets(%dma_start3A_116 : memref<64xi32, #tpu.memory_space<vmem>>) semaphore(%dma_start3A_121 : memref<!tpu.dma_semaphore, #tpu.memory_space<semaphore_mem>>)
    %dma_start3A_122 = arith.constant 8 : i32
    %dma_start3A_123 = arith.constant 8 : i32
    %dma_start3A_124 = arith.constant 8 : i32
    %dma_start3A_125 = arith.constant 0 : i32
    %dma_start3A_126 = arith.constant 0 : i32
    %dma_start3A_127 = tpu.memref_slice %arg6[%dma_start3A_123, %dma_start3A_125, %dma_start3A_126] : memref<10x64x128xf32, #tpu.memory_space<vmem>> -> memref<1x64x128xf32, #tpu.memory_space<vmem>>
    %dma_start3A_128 = tpu.memref_squeeze %dma_start3A_127 : memref<1x64x128xf32, #tpu.memory_space<vmem>> -> memref<64x128xf32, #tpu.memory_space<vmem>>
    %dma_start3A_129 = arith.constant 0 : i32
    %dma_start3A_130 = tpu.memref_slice %arg5[%dma_start3A_122, %dma_start3A_129] : memref<100x64xi32, #tpu.memory_space<vmem>> -> memref<1x64xi32, #tpu.memory_space<vmem>>
    %dma_start3A_131 = tpu.memref_squeeze %dma_start3A_130 : memref<1x64xi32, #tpu.memory_space<vmem>> -> memref<64xi32, #tpu.memory_space<vmem>>
    %dma_start3A_132 = arith.constant 0 : i32
    %dma_start3A_133 = arith.constant 0 : i32
    %dma_start3A_134 = tpu.memref_slice %arg2[%dma_start3A_132, %dma_start3A_133] : memref<100000x128xf32, #tpu.memory_space<hbm>> -> memref<100000x128xf32, #tpu.memory_space<hbm>>
    %dma_start3A_135 = tpu.memref_slice %arg7[%dma_start3A_124] : memref<10x!tpu.dma_semaphore, #tpu.memory_space<semaphore_mem>> -> memref<1x!tpu.dma_semaphore, #tpu.memory_space<semaphore_mem>>
    %dma_start3A_136 = tpu.memref_squeeze %dma_start3A_135 : memref<1x!tpu.dma_semaphore, #tpu.memory_space<semaphore_mem>> -> memref<!tpu.dma_semaphore, #tpu.memory_space<semaphore_mem>>
    tpu.enqueue_indirect_dma source(%dma_start3A_134 : memref<100000x128xf32, #tpu.memory_space<hbm>>) target(%dma_start3A_128 : memref<64x128xf32, #tpu.memory_space<vmem>>) offsets(%dma_start3A_131 : memref<64xi32, #tpu.memory_space<vmem>>) semaphore(%dma_start3A_136 : memref<!tpu.dma_semaphore, #tpu.memory_space<semaphore_mem>>)
    %dma_start3A_137 = arith.constant 9 : i32
    %dma_start3A_138 = arith.constant 9 : i32
    %dma_start3A_139 = arith.constant 9 : i32
    %dma_start3A_140 = arith.constant 0 : i32
    %dma_start3A_141 = arith.constant 0 : i32
    %dma_start3A_142 = tpu.memref_slice %arg6[%dma_start3A_138, %dma_start3A_140, %dma_start3A_141] : memref<10x64x128xf32, #tpu.memory_space<vmem>> -> memref<1x64x128xf32, #tpu.memory_space<vmem>>
    %dma_start3A_143 = tpu.memref_squeeze %dma_start3A_142 : memref<1x64x128xf32, #tpu.memory_space<vmem>> -> memref<64x128xf32, #tpu.memory_space<vmem>>
    %dma_start3A_144 = arith.constant 0 : i32
    %dma_start3A_145 = tpu.memref_slice %arg5[%dma_start3A_137, %dma_start3A_144] : memref<100x64xi32, #tpu.memory_space<vmem>> -> memref<1x64xi32, #tpu.memory_space<vmem>>
    %dma_start3A_146 = tpu.memref_squeeze %dma_start3A_145 : memref<1x64xi32, #tpu.memory_space<vmem>> -> memref<64xi32, #tpu.memory_space<vmem>>
    %dma_start3A_147 = arith.constant 0 : i32
    %dma_start3A_148 = arith.constant 0 : i32
    %dma_start3A_149 = tpu.memref_slice %arg2[%dma_start3A_147, %dma_start3A_148] : memref<100000x128xf32, #tpu.memory_space<hbm>> -> memref<100000x128xf32, #tpu.memory_space<hbm>>
    %dma_start3A_150 = tpu.memref_slice %arg7[%dma_start3A_139] : memref<10x!tpu.dma_semaphore, #tpu.memory_space<semaphore_mem>> -> memref<1x!tpu.dma_semaphore, #tpu.memory_space<semaphore_mem>>
    %dma_start3A_151 = tpu.memref_squeeze %dma_start3A_150 : memref<1x!tpu.dma_semaphore, #tpu.memory_space<semaphore_mem>> -> memref<!tpu.dma_semaphore, #tpu.memory_space<semaphore_mem>>
    tpu.enqueue_indirect_dma source(%dma_start3A_149 : memref<100000x128xf32, #tpu.memory_space<hbm>>) target(%dma_start3A_143 : memref<64x128xf32, #tpu.memory_space<vmem>>) offsets(%dma_start3A_146 : memref<64xi32, #tpu.memory_space<vmem>>) semaphore(%dma_start3A_151 : memref<!tpu.dma_semaphore, #tpu.memory_space<semaphore_mem>>)
    %scan3A = arith.constant 0 : i32
    %scan3A_152 = arith.constant 0 : i32
    %scan3A_153 = arith.constant 9 : i32
    %scan3A_154 = arith.addi %scan3A_152, %scan3A_153 : i32
    %scan3A_155 = arith.constant 1 : i32
    scf.for %scan3A_646 = %scan3A_152 to %scan3A_154 step %scan3A_155  : i32 {
      %dma_wait3A_647 = arith.constant 0 : i32
      %dma_wait3A_648 = arith.constant 0 : i32
      %dma_wait3A_649 = arith.constant 0 : i32
      %dma_wait3A_650 = arith.constant 0 : i32
      %dma_wait3A_651 = arith.constant 0 : i32
      %dma_wait3A_652 = tpu.memref_slice %arg6[%dma_wait3A_648, %dma_wait3A_650, %dma_wait3A_651] : memref<10x64x128xf32, #tpu.memory_space<vmem>> -> memref<1x64x128xf32, #tpu.memory_space<vmem>>
      %dma_wait3A_653 = tpu.memref_squeeze %dma_wait3A_652 : memref<1x64x128xf32, #tpu.memory_space<vmem>> -> memref<64x128xf32, #tpu.memory_space<vmem>>
      %dma_wait3A_654 = arith.constant 0 : i32
      %dma_wait3A_655 = tpu.memref_slice %arg5[%dma_wait3A_647, %dma_wait3A_654] : memref<100x64xi32, #tpu.memory_space<vmem>> -> memref<1x64xi32, #tpu.memory_space<vmem>>
      %dma_wait3A_656 = tpu.memref_squeeze %dma_wait3A_655 : memref<1x64xi32, #tpu.memory_space<vmem>> -> memref<64xi32, #tpu.memory_space<vmem>>
      %dma_wait3A_657 = arith.constant 0 : i32
      %dma_wait3A_658 = arith.constant 0 : i32
      %dma_wait3A_659 = tpu.memref_slice %arg2[%dma_wait3A_657, %dma_wait3A_658] : memref<100000x128xf32, #tpu.memory_space<hbm>> -> memref<100000x128xf32, #tpu.memory_space<hbm>>
      %dma_wait3A_660 = tpu.memref_slice %arg7[%dma_wait3A_649] : memref<10x!tpu.dma_semaphore, #tpu.memory_space<semaphore_mem>> -> memref<1x!tpu.dma_semaphore, #tpu.memory_space<semaphore_mem>>
      %dma_wait3A_661 = tpu.memref_squeeze %dma_wait3A_660 : memref<1x!tpu.dma_semaphore, #tpu.memory_space<semaphore_mem>> -> memref<!tpu.dma_semaphore, #tpu.memory_space<semaphore_mem>>
      tpu.wait_indirect_dma semaphore(%dma_wait3A_661 : memref<!tpu.dma_semaphore, #tpu.memory_space<semaphore_mem>>) src(%dma_wait3A_659 : memref<100000x128xf32, #tpu.memory_space<hbm>>) dst(%dma_wait3A_653 : memref<64x128xf32, #tpu.memory_space<vmem>>)
      %mul3A_662 = arith.constant 10 : i32
      %mul3A_663 = arith.muli %scan3A_646, %mul3A_662 : i32
      %add3A_664 = arith.constant 0 : i32
      %add3A_665 = arith.addi %mul3A_663, %add3A_664 : i32
      %mul3A_666 = arith.constant 64 : i32
      %mul3A_667 = arith.muli %add3A_665, %mul3A_666 : i32
      %add3A_668 = arith.addi %mul3A_2, %mul3A_667 : i32
      %dma_start3A_669 = arith.constant 0 : i32
      %dma_start3A_670 = arith.constant 0 : i32
      %dma_start3A_671 = arith.constant 0 : i32
      %dma_start3A_672 = arith.constant 0 : i32
      %dma_start3A_673 = tpu.memref_slice %arg6[%dma_start3A_669, %dma_start3A_671, %dma_start3A_672] : memref<10x64x128xf32, #tpu.memory_space<vmem>> -> memref<1x64x128xf32, #tpu.memory_space<vmem>>
      %dma_start3A_674 = tpu.memref_squeeze %dma_start3A_673 : memref<1x64x128xf32, #tpu.memory_space<vmem>> -> memref<64x128xf32, #tpu.memory_space<vmem>>
      %dma_start3A_675 = arith.constant 0 : i32
      %dma_start3A_676 = tpu.memref_slice %arg4[%add3A_668, %dma_start3A_675] : memref<204800x128xf32, #tpu.memory_space<hbm>> -> memref<64x128xf32, #tpu.memory_space<hbm>>
      %dma_start3A_677 = tpu.memref_slice %arg8[%dma_start3A_670] : memref<10x!tpu.dma_semaphore, #tpu.memory_space<semaphore_mem>> -> memref<1x!tpu.dma_semaphore, #tpu.memory_space<semaphore_mem>>
      %dma_start3A_678 = tpu.memref_squeeze %dma_start3A_677 : memref<1x!tpu.dma_semaphore, #tpu.memory_space<semaphore_mem>> -> memref<!tpu.dma_semaphore, #tpu.memory_space<semaphore_mem>>
      %dma_start3A_679 = arith.constant 0 : i32
      %dma_start3A_680 = tpu.memref_slice %arg4[%add3A_668, %dma_start3A_679] : memref<204800x128xf32, #tpu.memory_space<hbm>> -> memref<64x128xf32, #tpu.memory_space<hbm>>
      %dma_start3A_681 = arith.constant 0 : i32
      %dma_start3A_682 = arith.constant 0 : i32
      %dma_start3A_683 = tpu.memref_slice %arg6[%dma_start3A_669, %dma_start3A_681, %dma_start3A_682] : memref<10x64x128xf32, #tpu.memory_space<vmem>> -> memref<1x64x128xf32, #tpu.memory_space<vmem>>
      %dma_start3A_684 = tpu.memref_squeeze %dma_start3A_683 : memref<1x64x128xf32, #tpu.memory_space<vmem>> -> memref<64x128xf32, #tpu.memory_space<vmem>>
      tpu.enqueue_dma source(%dma_start3A_684 : memref<64x128xf32, #tpu.memory_space<vmem>>) target(%dma_start3A_680 : memref<64x128xf32, #tpu.memory_space<hbm>>) target_semaphore(%dma_start3A_678 : memref<!tpu.dma_semaphore, #tpu.memory_space<semaphore_mem>>)
      %dma_wait3A_685 = arith.constant 0 : i32
      %dma_wait3A_686 = arith.constant 1 : i32
      %dma_wait3A_687 = arith.constant 1 : i32
      %dma_wait3A_688 = arith.constant 0 : i32
      %dma_wait3A_689 = arith.constant 0 : i32
      %dma_wait3A_690 = tpu.memref_slice %arg6[%dma_wait3A_686, %dma_wait3A_688, %dma_wait3A_689] : memref<10x64x128xf32, #tpu.memory_space<vmem>> -> memref<1x64x128xf32, #tpu.memory_space<vmem>>
      %dma_wait3A_691 = tpu.memref_squeeze %dma_wait3A_690 : memref<1x64x128xf32, #tpu.memory_space<vmem>> -> memref<64x128xf32, #tpu.memory_space<vmem>>
      %dma_wait3A_692 = arith.constant 0 : i32
      %dma_wait3A_693 = tpu.memref_slice %arg5[%dma_wait3A_685, %dma_wait3A_692] : memref<100x64xi32, #tpu.memory_space<vmem>> -> memref<1x64xi32, #tpu.memory_space<vmem>>
      %dma_wait3A_694 = tpu.memref_squeeze %dma_wait3A_693 : memref<1x64xi32, #tpu.memory_space<vmem>> -> memref<64xi32, #tpu.memory_space<vmem>>
      %dma_wait3A_695 = arith.constant 0 : i32
      %dma_wait3A_696 = arith.constant 0 : i32
      %dma_wait3A_697 = tpu.memref_slice %arg2[%dma_wait3A_695, %dma_wait3A_696] : memref<100000x128xf32, #tpu.memory_space<hbm>> -> memref<100000x128xf32, #tpu.memory_space<hbm>>
      %dma_wait3A_698 = tpu.memref_slice %arg7[%dma_wait3A_687] : memref<10x!tpu.dma_semaphore, #tpu.memory_space<semaphore_mem>> -> memref<1x!tpu.dma_semaphore, #tpu.memory_space<semaphore_mem>>
      %dma_wait3A_699 = tpu.memref_squeeze %dma_wait3A_698 : memref<1x!tpu.dma_semaphore, #tpu.memory_space<semaphore_mem>> -> memref<!tpu.dma_semaphore, #tpu.memory_space<semaphore_mem>>
      tpu.wait_indirect_dma semaphore(%dma_wait3A_699 : memref<!tpu.dma_semaphore, #tpu.memory_space<semaphore_mem>>) src(%dma_wait3A_697 : memref<100000x128xf32, #tpu.memory_space<hbm>>) dst(%dma_wait3A_691 : memref<64x128xf32, #tpu.memory_space<vmem>>)
      %mul3A_700 = arith.constant 10 : i32
      %mul3A_701 = arith.muli %scan3A_646, %mul3A_700 : i32
      %add3A_702 = arith.constant 1 : i32
      %add3A_703 = arith.addi %mul3A_701, %add3A_702 : i32
      %mul3A_704 = arith.constant 64 : i32
      %mul3A_705 = arith.muli %add3A_703, %mul3A_704 : i32
      %add3A_706 = arith.addi %mul3A_2, %mul3A_705 : i32
      %dma_start3A_707 = arith.constant 1 : i32
      %dma_start3A_708 = arith.constant 1 : i32
      %dma_start3A_709 = arith.constant 0 : i32
      %dma_start3A_710 = arith.constant 0 : i32
      %dma_start3A_711 = tpu.memref_slice %arg6[%dma_start3A_707, %dma_start3A_709, %dma_start3A_710] : memref<10x64x128xf32, #tpu.memory_space<vmem>> -> memref<1x64x128xf32, #tpu.memory_space<vmem>>
      %dma_start3A_712 = tpu.memref_squeeze %dma_start3A_711 : memref<1x64x128xf32, #tpu.memory_space<vmem>> -> memref<64x128xf32, #tpu.memory_space<vmem>>
      %dma_start3A_713 = arith.constant 0 : i32
      %dma_start3A_714 = tpu.memref_slice %arg4[%add3A_706, %dma_start3A_713] : memref<204800x128xf32, #tpu.memory_space<hbm>> -> memref<64x128xf32, #tpu.memory_space<hbm>>
      %dma_start3A_715 = tpu.memref_slice %arg8[%dma_start3A_708] : memref<10x!tpu.dma_semaphore, #tpu.memory_space<semaphore_mem>> -> memref<1x!tpu.dma_semaphore, #tpu.memory_space<semaphore_mem>>
      %dma_start3A_716 = tpu.memref_squeeze %dma_start3A_715 : memref<1x!tpu.dma_semaphore, #tpu.memory_space<semaphore_mem>> -> memref<!tpu.dma_semaphore, #tpu.memory_space<semaphore_mem>>
      %dma_start3A_717 = arith.constant 0 : i32
      %dma_start3A_718 = tpu.memref_slice %arg4[%add3A_706, %dma_start3A_717] : memref<204800x128xf32, #tpu.memory_space<hbm>> -> memref<64x128xf32, #tpu.memory_space<hbm>>
      %dma_start3A_719 = arith.constant 0 : i32
      %dma_start3A_720 = arith.constant 0 : i32
      %dma_start3A_721 = tpu.memref_slice %arg6[%dma_start3A_707, %dma_start3A_719, %dma_start3A_720] : memref<10x64x128xf32, #tpu.memory_space<vmem>> -> memref<1x64x128xf32, #tpu.memory_space<vmem>>
      %dma_start3A_722 = tpu.memref_squeeze %dma_start3A_721 : memref<1x64x128xf32, #tpu.memory_space<vmem>> -> memref<64x128xf32, #tpu.memory_space<vmem>>
      tpu.enqueue_dma source(%dma_start3A_722 : memref<64x128xf32, #tpu.memory_space<vmem>>) target(%dma_start3A_718 : memref<64x128xf32, #tpu.memory_space<hbm>>) target_semaphore(%dma_start3A_716 : memref<!tpu.dma_semaphore, #tpu.memory_space<semaphore_mem>>)
      %dma_wait3A_723 = arith.constant 0 : i32
      %dma_wait3A_724 = arith.constant 2 : i32
      %dma_wait3A_725 = arith.constant 2 : i32
      %dma_wait3A_726 = arith.constant 0 : i32
      %dma_wait3A_727 = arith.constant 0 : i32
      %dma_wait3A_728 = tpu.memref_slice %arg6[%dma_wait3A_724, %dma_wait3A_726, %dma_wait3A_727] : memref<10x64x128xf32, #tpu.memory_space<vmem>> -> memref<1x64x128xf32, #tpu.memory_space<vmem>>
      %dma_wait3A_729 = tpu.memref_squeeze %dma_wait3A_728 : memref<1x64x128xf32, #tpu.memory_space<vmem>> -> memref<64x128xf32, #tpu.memory_space<vmem>>
      %dma_wait3A_730 = arith.constant 0 : i32
      %dma_wait3A_731 = tpu.memref_slice %arg5[%dma_wait3A_723, %dma_wait3A_730] : memref<100x64xi32, #tpu.memory_space<vmem>> -> memref<1x64xi32, #tpu.memory_space<vmem>>
      %dma_wait3A_732 = tpu.memref_squeeze %dma_wait3A_731 : memref<1x64xi32, #tpu.memory_space<vmem>> -> memref<64xi32, #tpu.memory_space<vmem>>
      %dma_wait3A_733 = arith.constant 0 : i32
      %dma_wait3A_734 = arith.constant 0 : i32
      %dma_wait3A_735 = tpu.memref_slice %arg2[%dma_wait3A_733, %dma_wait3A_734] : memref<100000x128xf32, #tpu.memory_space<hbm>> -> memref<100000x128xf32, #tpu.memory_space<hbm>>
      %dma_wait3A_736 = tpu.memref_slice %arg7[%dma_wait3A_725] : memref<10x!tpu.dma_semaphore, #tpu.memory_space<semaphore_mem>> -> memref<1x!tpu.dma_semaphore, #tpu.memory_space<semaphore_mem>>
      %dma_wait3A_737 = tpu.memref_squeeze %dma_wait3A_736 : memref<1x!tpu.dma_semaphore, #tpu.memory_space<semaphore_mem>> -> memref<!tpu.dma_semaphore, #tpu.memory_space<semaphore_mem>>
      tpu.wait_indirect_dma semaphore(%dma_wait3A_737 : memref<!tpu.dma_semaphore, #tpu.memory_space<semaphore_mem>>) src(%dma_wait3A_735 : memref<100000x128xf32, #tpu.memory_space<hbm>>) dst(%dma_wait3A_729 : memref<64x128xf32, #tpu.memory_space<vmem>>)
      %mul3A_738 = arith.constant 10 : i32
      %mul3A_739 = arith.muli %scan3A_646, %mul3A_738 : i32
      %add3A_740 = arith.constant 2 : i32
      %add3A_741 = arith.addi %mul3A_739, %add3A_740 : i32
      %mul3A_742 = arith.constant 64 : i32
      %mul3A_743 = arith.muli %add3A_741, %mul3A_742 : i32
      %add3A_744 = arith.addi %mul3A_2, %mul3A_743 : i32
      %dma_start3A_745 = arith.constant 2 : i32
      %dma_start3A_746 = arith.constant 2 : i32
      %dma_start3A_747 = arith.constant 0 : i32
      %dma_start3A_748 = arith.constant 0 : i32
      %dma_start3A_749 = tpu.memref_slice %arg6[%dma_start3A_745, %dma_start3A_747, %dma_start3A_748] : memref<10x64x128xf32, #tpu.memory_space<vmem>> -> memref<1x64x128xf32, #tpu.memory_space<vmem>>
      %dma_start3A_750 = tpu.memref_squeeze %dma_start3A_749 : memref<1x64x128xf32, #tpu.memory_space<vmem>> -> memref<64x128xf32, #tpu.memory_space<vmem>>
      %dma_start3A_751 = arith.constant 0 : i32
      %dma_start3A_752 = tpu.memref_slice %arg4[%add3A_744, %dma_start3A_751] : memref<204800x128xf32, #tpu.memory_space<hbm>> -> memref<64x128xf32, #tpu.memory_space<hbm>>
      %dma_start3A_753 = tpu.memref_slice %arg8[%dma_start3A_746] : memref<10x!tpu.dma_semaphore, #tpu.memory_space<semaphore_mem>> -> memref<1x!tpu.dma_semaphore, #tpu.memory_space<semaphore_mem>>
      %dma_start3A_754 = tpu.memref_squeeze %dma_start3A_753 : memref<1x!tpu.dma_semaphore, #tpu.memory_space<semaphore_mem>> -> memref<!tpu.dma_semaphore, #tpu.memory_space<semaphore_mem>>
      %dma_start3A_755 = arith.constant 0 : i32
      %dma_start3A_756 = tpu.memref_slice %arg4[%add3A_744, %dma_start3A_755] : memref<204800x128xf32, #tpu.memory_space<hbm>> -> memref<64x128xf32, #tpu.memory_space<hbm>>
      %dma_start3A_757 = arith.constant 0 : i32
      %dma_start3A_758 = arith.constant 0 : i32
      %dma_start3A_759 = tpu.memref_slice %arg6[%dma_start3A_745, %dma_start3A_757, %dma_start3A_758] : memref<10x64x128xf32, #tpu.memory_space<vmem>> -> memref<1x64x128xf32, #tpu.memory_space<vmem>>
      %dma_start3A_760 = tpu.memref_squeeze %dma_start3A_759 : memref<1x64x128xf32, #tpu.memory_space<vmem>> -> memref<64x128xf32, #tpu.memory_space<vmem>>
      tpu.enqueue_dma source(%dma_start3A_760 : memref<64x128xf32, #tpu.memory_space<vmem>>) target(%dma_start3A_756 : memref<64x128xf32, #tpu.memory_space<hbm>>) target_semaphore(%dma_start3A_754 : memref<!tpu.dma_semaphore, #tpu.memory_space<semaphore_mem>>)
      %dma_wait3A_761 = arith.constant 0 : i32
      %dma_wait3A_762 = arith.constant 3 : i32
      %dma_wait3A_763 = arith.constant 3 : i32
      %dma_wait3A_764 = arith.constant 0 : i32
      %dma_wait3A_765 = arith.constant 0 : i32
      %dma_wait3A_766 = tpu.memref_slice %arg6[%dma_wait3A_762, %dma_wait3A_764, %dma_wait3A_765] : memref<10x64x128xf32, #tpu.memory_space<vmem>> -> memref<1x64x128xf32, #tpu.memory_space<vmem>>
      %dma_wait3A_767 = tpu.memref_squeeze %dma_wait3A_766 : memref<1x64x128xf32, #tpu.memory_space<vmem>> -> memref<64x128xf32, #tpu.memory_space<vmem>>
      %dma_wait3A_768 = arith.constant 0 : i32
      %dma_wait3A_769 = tpu.memref_slice %arg5[%dma_wait3A_761, %dma_wait3A_768] : memref<100x64xi32, #tpu.memory_space<vmem>> -> memref<1x64xi32, #tpu.memory_space<vmem>>
      %dma_wait3A_770 = tpu.memref_squeeze %dma_wait3A_769 : memref<1x64xi32, #tpu.memory_space<vmem>> -> memref<64xi32, #tpu.memory_space<vmem>>
      %dma_wait3A_771 = arith.constant 0 : i32
      %dma_wait3A_772 = arith.constant 0 : i32
      %dma_wait3A_773 = tpu.memref_slice %arg2[%dma_wait3A_771, %dma_wait3A_772] : memref<100000x128xf32, #tpu.memory_space<hbm>> -> memref<100000x128xf32, #tpu.memory_space<hbm>>
      %dma_wait3A_774 = tpu.memref_slice %arg7[%dma_wait3A_763] : memref<10x!tpu.dma_semaphore, #tpu.memory_space<semaphore_mem>> -> memref<1x!tpu.dma_semaphore, #tpu.memory_space<semaphore_mem>>
      %dma_wait3A_775 = tpu.memref_squeeze %dma_wait3A_774 : memref<1x!tpu.dma_semaphore, #tpu.memory_space<semaphore_mem>> -> memref<!tpu.dma_semaphore, #tpu.memory_space<semaphore_mem>>
      tpu.wait_indirect_dma semaphore(%dma_wait3A_775 : memref<!tpu.dma_semaphore, #tpu.memory_space<semaphore_mem>>) src(%dma_wait3A_773 : memref<100000x128xf32, #tpu.memory_space<hbm>>) dst(%dma_wait3A_767 : memref<64x128xf32, #tpu.memory_space<vmem>>)
      %mul3A_776 = arith.constant 10 : i32
      %mul3A_777 = arith.muli %scan3A_646, %mul3A_776 : i32
      %add3A_778 = arith.constant 3 : i32
      %add3A_779 = arith.addi %mul3A_777, %add3A_778 : i32
      %mul3A_780 = arith.constant 64 : i32
      %mul3A_781 = arith.muli %add3A_779, %mul3A_780 : i32
      %add3A_782 = arith.addi %mul3A_2, %mul3A_781 : i32
      %dma_start3A_783 = arith.constant 3 : i32
      %dma_start3A_784 = arith.constant 3 : i32
      %dma_start3A_785 = arith.constant 0 : i32
      %dma_start3A_786 = arith.constant 0 : i32
      %dma_start3A_787 = tpu.memref_slice %arg6[%dma_start3A_783, %dma_start3A_785, %dma_start3A_786] : memref<10x64x128xf32, #tpu.memory_space<vmem>> -> memref<1x64x128xf32, #tpu.memory_space<vmem>>
      %dma_start3A_788 = tpu.memref_squeeze %dma_start3A_787 : memref<1x64x128xf32, #tpu.memory_space<vmem>> -> memref<64x128xf32, #tpu.memory_space<vmem>>
      %dma_start3A_789 = arith.constant 0 : i32
      %dma_start3A_790 = tpu.memref_slice %arg4[%add3A_782, %dma_start3A_789] : memref<204800x128xf32, #tpu.memory_space<hbm>> -> memref<64x128xf32, #tpu.memory_space<hbm>>
      %dma_start3A_791 = tpu.memref_slice %arg8[%dma_start3A_784] : memref<10x!tpu.dma_semaphore, #tpu.memory_space<semaphore_mem>> -> memref<1x!tpu.dma_semaphore, #tpu.memory_space<semaphore_mem>>
      %dma_start3A_792 = tpu.memref_squeeze %dma_start3A_791 : memref<1x!tpu.dma_semaphore, #tpu.memory_space<semaphore_mem>> -> memref<!tpu.dma_semaphore, #tpu.memory_space<semaphore_mem>>
      %dma_start3A_793 = arith.constant 0 : i32
      %dma_start3A_794 = tpu.memref_slice %arg4[%add3A_782, %dma_start3A_793] : memref<204800x128xf32, #tpu.memory_space<hbm>> -> memref<64x128xf32, #tpu.memory_space<hbm>>
      %dma_start3A_795 = arith.constant 0 : i32
      %dma_start3A_796 = arith.constant 0 : i32
      %dma_start3A_797 = tpu.memref_slice %arg6[%dma_start3A_783, %dma_start3A_795, %dma_start3A_796] : memref<10x64x128xf32, #tpu.memory_space<vmem>> -> memref<1x64x128xf32, #tpu.memory_space<vmem>>
      %dma_start3A_798 = tpu.memref_squeeze %dma_start3A_797 : memref<1x64x128xf32, #tpu.memory_space<vmem>> -> memref<64x128xf32, #tpu.memory_space<vmem>>
      tpu.enqueue_dma source(%dma_start3A_798 : memref<64x128xf32, #tpu.memory_space<vmem>>) target(%dma_start3A_794 : memref<64x128xf32, #tpu.memory_space<hbm>>) target_semaphore(%dma_start3A_792 : memref<!tpu.dma_semaphore, #tpu.memory_space<semaphore_mem>>)
      %dma_wait3A_799 = arith.constant 0 : i32
      %dma_wait3A_800 = arith.constant 4 : i32
      %dma_wait3A_801 = arith.constant 4 : i32
      %dma_wait3A_802 = arith.constant 0 : i32
      %dma_wait3A_803 = arith.constant 0 : i32
      %dma_wait3A_804 = tpu.memref_slice %arg6[%dma_wait3A_800, %dma_wait3A_802, %dma_wait3A_803] : memref<10x64x128xf32, #tpu.memory_space<vmem>> -> memref<1x64x128xf32, #tpu.memory_space<vmem>>
      %dma_wait3A_805 = tpu.memref_squeeze %dma_wait3A_804 : memref<1x64x128xf32, #tpu.memory_space<vmem>> -> memref<64x128xf32, #tpu.memory_space<vmem>>
      %dma_wait3A_806 = arith.constant 0 : i32
      %dma_wait3A_807 = tpu.memref_slice %arg5[%dma_wait3A_799, %dma_wait3A_806] : memref<100x64xi32, #tpu.memory_space<vmem>> -> memref<1x64xi32, #tpu.memory_space<vmem>>
      %dma_wait3A_808 = tpu.memref_squeeze %dma_wait3A_807 : memref<1x64xi32, #tpu.memory_space<vmem>> -> memref<64xi32, #tpu.memory_space<vmem>>
      %dma_wait3A_809 = arith.constant 0 : i32
      %dma_wait3A_810 = arith.constant 0 : i32
      %dma_wait3A_811 = tpu.memref_slice %arg2[%dma_wait3A_809, %dma_wait3A_810] : memref<100000x128xf32, #tpu.memory_space<hbm>> -> memref<100000x128xf32, #tpu.memory_space<hbm>>
      %dma_wait3A_812 = tpu.memref_slice %arg7[%dma_wait3A_801] : memref<10x!tpu.dma_semaphore, #tpu.memory_space<semaphore_mem>> -> memref<1x!tpu.dma_semaphore, #tpu.memory_space<semaphore_mem>>
      %dma_wait3A_813 = tpu.memref_squeeze %dma_wait3A_812 : memref<1x!tpu.dma_semaphore, #tpu.memory_space<semaphore_mem>> -> memref<!tpu.dma_semaphore, #tpu.memory_space<semaphore_mem>>
      tpu.wait_indirect_dma semaphore(%dma_wait3A_813 : memref<!tpu.dma_semaphore, #tpu.memory_space<semaphore_mem>>) src(%dma_wait3A_811 : memref<100000x128xf32, #tpu.memory_space<hbm>>) dst(%dma_wait3A_805 : memref<64x128xf32, #tpu.memory_space<vmem>>)
      %mul3A_814 = arith.constant 10 : i32
      %mul3A_815 = arith.muli %scan3A_646, %mul3A_814 : i32
      %add3A_816 = arith.constant 4 : i32
      %add3A_817 = arith.addi %mul3A_815, %add3A_816 : i32
      %mul3A_818 = arith.constant 64 : i32
      %mul3A_819 = arith.muli %add3A_817, %mul3A_818 : i32
      %add3A_820 = arith.addi %mul3A_2, %mul3A_819 : i32
      %dma_start3A_821 = arith.constant 4 : i32
      %dma_start3A_822 = arith.constant 4 : i32
      %dma_start3A_823 = arith.constant 0 : i32
      %dma_start3A_824 = arith.constant 0 : i32
      %dma_start3A_825 = tpu.memref_slice %arg6[%dma_start3A_821, %dma_start3A_823, %dma_start3A_824] : memref<10x64x128xf32, #tpu.memory_space<vmem>> -> memref<1x64x128xf32, #tpu.memory_space<vmem>>
      %dma_start3A_826 = tpu.memref_squeeze %dma_start3A_825 : memref<1x64x128xf32, #tpu.memory_space<vmem>> -> memref<64x128xf32, #tpu.memory_space<vmem>>
      %dma_start3A_827 = arith.constant 0 : i32
      %dma_start3A_828 = tpu.memref_slice %arg4[%add3A_820, %dma_start3A_827] : memref<204800x128xf32, #tpu.memory_space<hbm>> -> memref<64x128xf32, #tpu.memory_space<hbm>>
      %dma_start3A_829 = tpu.memref_slice %arg8[%dma_start3A_822] : memref<10x!tpu.dma_semaphore, #tpu.memory_space<semaphore_mem>> -> memref<1x!tpu.dma_semaphore, #tpu.memory_space<semaphore_mem>>
      %dma_start3A_830 = tpu.memref_squeeze %dma_start3A_829 : memref<1x!tpu.dma_semaphore, #tpu.memory_space<semaphore_mem>> -> memref<!tpu.dma_semaphore, #tpu.memory_space<semaphore_mem>>
      %dma_start3A_831 = arith.constant 0 : i32
      %dma_start3A_832 = tpu.memref_slice %arg4[%add3A_820, %dma_start3A_831] : memref<204800x128xf32, #tpu.memory_space<hbm>> -> memref<64x128xf32, #tpu.memory_space<hbm>>
      %dma_start3A_833 = arith.constant 0 : i32
      %dma_start3A_834 = arith.constant 0 : i32
      %dma_start3A_835 = tpu.memref_slice %arg6[%dma_start3A_821, %dma_start3A_833, %dma_start3A_834] : memref<10x64x128xf32, #tpu.memory_space<vmem>> -> memref<1x64x128xf32, #tpu.memory_space<vmem>>
      %dma_start3A_836 = tpu.memref_squeeze %dma_start3A_835 : memref<1x64x128xf32, #tpu.memory_space<vmem>> -> memref<64x128xf32, #tpu.memory_space<vmem>>
      tpu.enqueue_dma source(%dma_start3A_836 : memref<64x128xf32, #tpu.memory_space<vmem>>) target(%dma_start3A_832 : memref<64x128xf32, #tpu.memory_space<hbm>>) target_semaphore(%dma_start3A_830 : memref<!tpu.dma_semaphore, #tpu.memory_space<semaphore_mem>>)
      %dma_wait3A_837 = arith.constant 0 : i32
      %dma_wait3A_838 = arith.constant 5 : i32
      %dma_wait3A_839 = arith.constant 5 : i32
      %dma_wait3A_840 = arith.constant 0 : i32
      %dma_wait3A_841 = arith.constant 0 : i32
      %dma_wait3A_842 = tpu.memref_slice %arg6[%dma_wait3A_838, %dma_wait3A_840, %dma_wait3A_841] : memref<10x64x128xf32, #tpu.memory_space<vmem>> -> memref<1x64x128xf32, #tpu.memory_space<vmem>>
      %dma_wait3A_843 = tpu.memref_squeeze %dma_wait3A_842 : memref<1x64x128xf32, #tpu.memory_space<vmem>> -> memref<64x128xf32, #tpu.memory_space<vmem>>
      %dma_wait3A_844 = arith.constant 0 : i32
      %dma_wait3A_845 = tpu.memref_slice %arg5[%dma_wait3A_837, %dma_wait3A_844] : memref<100x64xi32, #tpu.memory_space<vmem>> -> memref<1x64xi32, #tpu.memory_space<vmem>>
      %dma_wait3A_846 = tpu.memref_squeeze %dma_wait3A_845 : memref<1x64xi32, #tpu.memory_space<vmem>> -> memref<64xi32, #tpu.memory_space<vmem>>
      %dma_wait3A_847 = arith.constant 0 : i32
      %dma_wait3A_848 = arith.constant 0 : i32
      %dma_wait3A_849 = tpu.memref_slice %arg2[%dma_wait3A_847, %dma_wait3A_848] : memref<100000x128xf32, #tpu.memory_space<hbm>> -> memref<100000x128xf32, #tpu.memory_space<hbm>>
      %dma_wait3A_850 = tpu.memref_slice %arg7[%dma_wait3A_839] : memref<10x!tpu.dma_semaphore, #tpu.memory_space<semaphore_mem>> -> memref<1x!tpu.dma_semaphore, #tpu.memory_space<semaphore_mem>>
      %dma_wait3A_851 = tpu.memref_squeeze %dma_wait3A_850 : memref<1x!tpu.dma_semaphore, #tpu.memory_space<semaphore_mem>> -> memref<!tpu.dma_semaphore, #tpu.memory_space<semaphore_mem>>
      tpu.wait_indirect_dma semaphore(%dma_wait3A_851 : memref<!tpu.dma_semaphore, #tpu.memory_space<semaphore_mem>>) src(%dma_wait3A_849 : memref<100000x128xf32, #tpu.memory_space<hbm>>) dst(%dma_wait3A_843 : memref<64x128xf32, #tpu.memory_space<vmem>>)
      %mul3A_852 = arith.constant 10 : i32
      %mul3A_853 = arith.muli %scan3A_646, %mul3A_852 : i32
      %add3A_854 = arith.constant 5 : i32
      %add3A_855 = arith.addi %mul3A_853, %add3A_854 : i32
      %mul3A_856 = arith.constant 64 : i32
      %mul3A_857 = arith.muli %add3A_855, %mul3A_856 : i32
      %add3A_858 = arith.addi %mul3A_2, %mul3A_857 : i32
      %dma_start3A_859 = arith.constant 5 : i32
      %dma_start3A_860 = arith.constant 5 : i32
      %dma_start3A_861 = arith.constant 0 : i32
      %dma_start3A_862 = arith.constant 0 : i32
      %dma_start3A_863 = tpu.memref_slice %arg6[%dma_start3A_859, %dma_start3A_861, %dma_start3A_862] : memref<10x64x128xf32, #tpu.memory_space<vmem>> -> memref<1x64x128xf32, #tpu.memory_space<vmem>>
      %dma_start3A_864 = tpu.memref_squeeze %dma_start3A_863 : memref<1x64x128xf32, #tpu.memory_space<vmem>> -> memref<64x128xf32, #tpu.memory_space<vmem>>
      %dma_start3A_865 = arith.constant 0 : i32
      %dma_start3A_866 = tpu.memref_slice %arg4[%add3A_858, %dma_start3A_865] : memref<204800x128xf32, #tpu.memory_space<hbm>> -> memref<64x128xf32, #tpu.memory_space<hbm>>
      %dma_start3A_867 = tpu.memref_slice %arg8[%dma_start3A_860] : memref<10x!tpu.dma_semaphore, #tpu.memory_space<semaphore_mem>> -> memref<1x!tpu.dma_semaphore, #tpu.memory_space<semaphore_mem>>
      %dma_start3A_868 = tpu.memref_squeeze %dma_start3A_867 : memref<1x!tpu.dma_semaphore, #tpu.memory_space<semaphore_mem>> -> memref<!tpu.dma_semaphore, #tpu.memory_space<semaphore_mem>>
      %dma_start3A_869 = arith.constant 0 : i32
      %dma_start3A_870 = tpu.memref_slice %arg4[%add3A_858, %dma_start3A_869] : memref<204800x128xf32, #tpu.memory_space<hbm>> -> memref<64x128xf32, #tpu.memory_space<hbm>>
      %dma_start3A_871 = arith.constant 0 : i32
      %dma_start3A_872 = arith.constant 0 : i32
      %dma_start3A_873 = tpu.memref_slice %arg6[%dma_start3A_859, %dma_start3A_871, %dma_start3A_872] : memref<10x64x128xf32, #tpu.memory_space<vmem>> -> memref<1x64x128xf32, #tpu.memory_space<vmem>>
      %dma_start3A_874 = tpu.memref_squeeze %dma_start3A_873 : memref<1x64x128xf32, #tpu.memory_space<vmem>> -> memref<64x128xf32, #tpu.memory_space<vmem>>
      tpu.enqueue_dma source(%dma_start3A_874 : memref<64x128xf32, #tpu.memory_space<vmem>>) target(%dma_start3A_870 : memref<64x128xf32, #tpu.memory_space<hbm>>) target_semaphore(%dma_start3A_868 : memref<!tpu.dma_semaphore, #tpu.memory_space<semaphore_mem>>)
      %dma_wait3A_875 = arith.constant 0 : i32
      %dma_wait3A_876 = arith.constant 6 : i32
      %dma_wait3A_877 = arith.constant 6 : i32
      %dma_wait3A_878 = arith.constant 0 : i32
      %dma_wait3A_879 = arith.constant 0 : i32
      %dma_wait3A_880 = tpu.memref_slice %arg6[%dma_wait3A_876, %dma_wait3A_878, %dma_wait3A_879] : memref<10x64x128xf32, #tpu.memory_space<vmem>> -> memref<1x64x128xf32, #tpu.memory_space<vmem>>
      %dma_wait3A_881 = tpu.memref_squeeze %dma_wait3A_880 : memref<1x64x128xf32, #tpu.memory_space<vmem>> -> memref<64x128xf32, #tpu.memory_space<vmem>>
      %dma_wait3A_882 = arith.constant 0 : i32
      %dma_wait3A_883 = tpu.memref_slice %arg5[%dma_wait3A_875, %dma_wait3A_882] : memref<100x64xi32, #tpu.memory_space<vmem>> -> memref<1x64xi32, #tpu.memory_space<vmem>>
      %dma_wait3A_884 = tpu.memref_squeeze %dma_wait3A_883 : memref<1x64xi32, #tpu.memory_space<vmem>> -> memref<64xi32, #tpu.memory_space<vmem>>
      %dma_wait3A_885 = arith.constant 0 : i32
      %dma_wait3A_886 = arith.constant 0 : i32
      %dma_wait3A_887 = tpu.memref_slice %arg2[%dma_wait3A_885, %dma_wait3A_886] : memref<100000x128xf32, #tpu.memory_space<hbm>> -> memref<100000x128xf32, #tpu.memory_space<hbm>>
      %dma_wait3A_888 = tpu.memref_slice %arg7[%dma_wait3A_877] : memref<10x!tpu.dma_semaphore, #tpu.memory_space<semaphore_mem>> -> memref<1x!tpu.dma_semaphore, #tpu.memory_space<semaphore_mem>>
      %dma_wait3A_889 = tpu.memref_squeeze %dma_wait3A_888 : memref<1x!tpu.dma_semaphore, #tpu.memory_space<semaphore_mem>> -> memref<!tpu.dma_semaphore, #tpu.memory_space<semaphore_mem>>
      tpu.wait_indirect_dma semaphore(%dma_wait3A_889 : memref<!tpu.dma_semaphore, #tpu.memory_space<semaphore_mem>>) src(%dma_wait3A_887 : memref<100000x128xf32, #tpu.memory_space<hbm>>) dst(%dma_wait3A_881 : memref<64x128xf32, #tpu.memory_space<vmem>>)
      %mul3A_890 = arith.constant 10 : i32
      %mul3A_891 = arith.muli %scan3A_646, %mul3A_890 : i32
      %add3A_892 = arith.constant 6 : i32
      %add3A_893 = arith.addi %mul3A_891, %add3A_892 : i32
      %mul3A_894 = arith.constant 64 : i32
      %mul3A_895 = arith.muli %add3A_893, %mul3A_894 : i32
      %add3A_896 = arith.addi %mul3A_2, %mul3A_895 : i32
      %dma_start3A_897 = arith.constant 6 : i32
      %dma_start3A_898 = arith.constant 6 : i32
      %dma_start3A_899 = arith.constant 0 : i32
      %dma_start3A_900 = arith.constant 0 : i32
      %dma_start3A_901 = tpu.memref_slice %arg6[%dma_start3A_897, %dma_start3A_899, %dma_start3A_900] : memref<10x64x128xf32, #tpu.memory_space<vmem>> -> memref<1x64x128xf32, #tpu.memory_space<vmem>>
      %dma_start3A_902 = tpu.memref_squeeze %dma_start3A_901 : memref<1x64x128xf32, #tpu.memory_space<vmem>> -> memref<64x128xf32, #tpu.memory_space<vmem>>
      %dma_start3A_903 = arith.constant 0 : i32
      %dma_start3A_904 = tpu.memref_slice %arg4[%add3A_896, %dma_start3A_903] : memref<204800x128xf32, #tpu.memory_space<hbm>> -> memref<64x128xf32, #tpu.memory_space<hbm>>
      %dma_start3A_905 = tpu.memref_slice %arg8[%dma_start3A_898] : memref<10x!tpu.dma_semaphore, #tpu.memory_space<semaphore_mem>> -> memref<1x!tpu.dma_semaphore, #tpu.memory_space<semaphore_mem>>
      %dma_start3A_906 = tpu.memref_squeeze %dma_start3A_905 : memref<1x!tpu.dma_semaphore, #tpu.memory_space<semaphore_mem>> -> memref<!tpu.dma_semaphore, #tpu.memory_space<semaphore_mem>>
      %dma_start3A_907 = arith.constant 0 : i32
      %dma_start3A_908 = tpu.memref_slice %arg4[%add3A_896, %dma_start3A_907] : memref<204800x128xf32, #tpu.memory_space<hbm>> -> memref<64x128xf32, #tpu.memory_space<hbm>>
      %dma_start3A_909 = arith.constant 0 : i32
      %dma_start3A_910 = arith.constant 0 : i32
      %dma_start3A_911 = tpu.memref_slice %arg6[%dma_start3A_897, %dma_start3A_909, %dma_start3A_910] : memref<10x64x128xf32, #tpu.memory_space<vmem>> -> memref<1x64x128xf32, #tpu.memory_space<vmem>>
      %dma_start3A_912 = tpu.memref_squeeze %dma_start3A_911 : memref<1x64x128xf32, #tpu.memory_space<vmem>> -> memref<64x128xf32, #tpu.memory_space<vmem>>
      tpu.enqueue_dma source(%dma_start3A_912 : memref<64x128xf32, #tpu.memory_space<vmem>>) target(%dma_start3A_908 : memref<64x128xf32, #tpu.memory_space<hbm>>) target_semaphore(%dma_start3A_906 : memref<!tpu.dma_semaphore, #tpu.memory_space<semaphore_mem>>)
      %dma_wait3A_913 = arith.constant 0 : i32
      %dma_wait3A_914 = arith.constant 7 : i32
      %dma_wait3A_915 = arith.constant 7 : i32
      %dma_wait3A_916 = arith.constant 0 : i32
      %dma_wait3A_917 = arith.constant 0 : i32
      %dma_wait3A_918 = tpu.memref_slice %arg6[%dma_wait3A_914, %dma_wait3A_916, %dma_wait3A_917] : memref<10x64x128xf32, #tpu.memory_space<vmem>> -> memref<1x64x128xf32, #tpu.memory_space<vmem>>
      %dma_wait3A_919 = tpu.memref_squeeze %dma_wait3A_918 : memref<1x64x128xf32, #tpu.memory_space<vmem>> -> memref<64x128xf32, #tpu.memory_space<vmem>>
      %dma_wait3A_920 = arith.constant 0 : i32
      %dma_wait3A_921 = tpu.memref_slice %arg5[%dma_wait3A_913, %dma_wait3A_920] : memref<100x64xi32, #tpu.memory_space<vmem>> -> memref<1x64xi32, #tpu.memory_space<vmem>>
      %dma_wait3A_922 = tpu.memref_squeeze %dma_wait3A_921 : memref<1x64xi32, #tpu.memory_space<vmem>> -> memref<64xi32, #tpu.memory_space<vmem>>
      %dma_wait3A_923 = arith.constant 0 : i32
      %dma_wait3A_924 = arith.constant 0 : i32
      %dma_wait3A_925 = tpu.memref_slice %arg2[%dma_wait3A_923, %dma_wait3A_924] : memref<100000x128xf32, #tpu.memory_space<hbm>> -> memref<100000x128xf32, #tpu.memory_space<hbm>>
      %dma_wait3A_926 = tpu.memref_slice %arg7[%dma_wait3A_915] : memref<10x!tpu.dma_semaphore, #tpu.memory_space<semaphore_mem>> -> memref<1x!tpu.dma_semaphore, #tpu.memory_space<semaphore_mem>>
      %dma_wait3A_927 = tpu.memref_squeeze %dma_wait3A_926 : memref<1x!tpu.dma_semaphore, #tpu.memory_space<semaphore_mem>> -> memref<!tpu.dma_semaphore, #tpu.memory_space<semaphore_mem>>
      tpu.wait_indirect_dma semaphore(%dma_wait3A_927 : memref<!tpu.dma_semaphore, #tpu.memory_space<semaphore_mem>>) src(%dma_wait3A_925 : memref<100000x128xf32, #tpu.memory_space<hbm>>) dst(%dma_wait3A_919 : memref<64x128xf32, #tpu.memory_space<vmem>>)
      %mul3A_928 = arith.constant 10 : i32
      %mul3A_929 = arith.muli %scan3A_646, %mul3A_928 : i32
      %add3A_930 = arith.constant 7 : i32
      %add3A_931 = arith.addi %mul3A_929, %add3A_930 : i32
      %mul3A_932 = arith.constant 64 : i32
      %mul3A_933 = arith.muli %add3A_931, %mul3A_932 : i32
      %add3A_934 = arith.addi %mul3A_2, %mul3A_933 : i32
      %dma_start3A_935 = arith.constant 7 : i32
      %dma_start3A_936 = arith.constant 7 : i32
      %dma_start3A_937 = arith.constant 0 : i32
      %dma_start3A_938 = arith.constant 0 : i32
      %dma_start3A_939 = tpu.memref_slice %arg6[%dma_start3A_935, %dma_start3A_937, %dma_start3A_938] : memref<10x64x128xf32, #tpu.memory_space<vmem>> -> memref<1x64x128xf32, #tpu.memory_space<vmem>>
      %dma_start3A_940 = tpu.memref_squeeze %dma_start3A_939 : memref<1x64x128xf32, #tpu.memory_space<vmem>> -> memref<64x128xf32, #tpu.memory_space<vmem>>
      %dma_start3A_941 = arith.constant 0 : i32
      %dma_start3A_942 = tpu.memref_slice %arg4[%add3A_934, %dma_start3A_941] : memref<204800x128xf32, #tpu.memory_space<hbm>> -> memref<64x128xf32, #tpu.memory_space<hbm>>
      %dma_start3A_943 = tpu.memref_slice %arg8[%dma_start3A_936] : memref<10x!tpu.dma_semaphore, #tpu.memory_space<semaphore_mem>> -> memref<1x!tpu.dma_semaphore, #tpu.memory_space<semaphore_mem>>
      %dma_start3A_944 = tpu.memref_squeeze %dma_start3A_943 : memref<1x!tpu.dma_semaphore, #tpu.memory_space<semaphore_mem>> -> memref<!tpu.dma_semaphore, #tpu.memory_space<semaphore_mem>>
      %dma_start3A_945 = arith.constant 0 : i32
      %dma_start3A_946 = tpu.memref_slice %arg4[%add3A_934, %dma_start3A_945] : memref<204800x128xf32, #tpu.memory_space<hbm>> -> memref<64x128xf32, #tpu.memory_space<hbm>>
      %dma_start3A_947 = arith.constant 0 : i32
      %dma_start3A_948 = arith.constant 0 : i32
      %dma_start3A_949 = tpu.memref_slice %arg6[%dma_start3A_935, %dma_start3A_947, %dma_start3A_948] : memref<10x64x128xf32, #tpu.memory_space<vmem>> -> memref<1x64x128xf32, #tpu.memory_space<vmem>>
      %dma_start3A_950 = tpu.memref_squeeze %dma_start3A_949 : memref<1x64x128xf32, #tpu.memory_space<vmem>> -> memref<64x128xf32, #tpu.memory_space<vmem>>
      tpu.enqueue_dma source(%dma_start3A_950 : memref<64x128xf32, #tpu.memory_space<vmem>>) target(%dma_start3A_946 : memref<64x128xf32, #tpu.memory_space<hbm>>) target_semaphore(%dma_start3A_944 : memref<!tpu.dma_semaphore, #tpu.memory_space<semaphore_mem>>)
      %dma_wait3A_951 = arith.constant 0 : i32
      %dma_wait3A_952 = arith.constant 8 : i32
      %dma_wait3A_953 = arith.constant 8 : i32
      %dma_wait3A_954 = arith.constant 0 : i32
      %dma_wait3A_955 = arith.constant 0 : i32
      %dma_wait3A_956 = tpu.memref_slice %arg6[%dma_wait3A_952, %dma_wait3A_954, %dma_wait3A_955] : memref<10x64x128xf32, #tpu.memory_space<vmem>> -> memref<1x64x128xf32, #tpu.memory_space<vmem>>
      %dma_wait3A_957 = tpu.memref_squeeze %dma_wait3A_956 : memref<1x64x128xf32, #tpu.memory_space<vmem>> -> memref<64x128xf32, #tpu.memory_space<vmem>>
      %dma_wait3A_958 = arith.constant 0 : i32
      %dma_wait3A_959 = tpu.memref_slice %arg5[%dma_wait3A_951, %dma_wait3A_958] : memref<100x64xi32, #tpu.memory_space<vmem>> -> memref<1x64xi32, #tpu.memory_space<vmem>>
      %dma_wait3A_960 = tpu.memref_squeeze %dma_wait3A_959 : memref<1x64xi32, #tpu.memory_space<vmem>> -> memref<64xi32, #tpu.memory_space<vmem>>
      %dma_wait3A_961 = arith.constant 0 : i32
      %dma_wait3A_962 = arith.constant 0 : i32
      %dma_wait3A_963 = tpu.memref_slice %arg2[%dma_wait3A_961, %dma_wait3A_962] : memref<100000x128xf32, #tpu.memory_space<hbm>> -> memref<100000x128xf32, #tpu.memory_space<hbm>>
      %dma_wait3A_964 = tpu.memref_slice %arg7[%dma_wait3A_953] : memref<10x!tpu.dma_semaphore, #tpu.memory_space<semaphore_mem>> -> memref<1x!tpu.dma_semaphore, #tpu.memory_space<semaphore_mem>>
      %dma_wait3A_965 = tpu.memref_squeeze %dma_wait3A_964 : memref<1x!tpu.dma_semaphore, #tpu.memory_space<semaphore_mem>> -> memref<!tpu.dma_semaphore, #tpu.memory_space<semaphore_mem>>
      tpu.wait_indirect_dma semaphore(%dma_wait3A_965 : memref<!tpu.dma_semaphore, #tpu.memory_space<semaphore_mem>>) src(%dma_wait3A_963 : memref<100000x128xf32, #tpu.memory_space<hbm>>) dst(%dma_wait3A_957 : memref<64x128xf32, #tpu.memory_space<vmem>>)
      %mul3A_966 = arith.constant 10 : i32
      %mul3A_967 = arith.muli %scan3A_646, %mul3A_966 : i32
      %add3A_968 = arith.constant 8 : i32
      %add3A_969 = arith.addi %mul3A_967, %add3A_968 : i32
      %mul3A_970 = arith.constant 64 : i32
      %mul3A_971 = arith.muli %add3A_969, %mul3A_970 : i32
      %add3A_972 = arith.addi %mul3A_2, %mul3A_971 : i32
      %dma_start3A_973 = arith.constant 8 : i32
      %dma_start3A_974 = arith.constant 8 : i32
      %dma_start3A_975 = arith.constant 0 : i32
      %dma_start3A_976 = arith.constant 0 : i32
      %dma_start3A_977 = tpu.memref_slice %arg6[%dma_start3A_973, %dma_start3A_975, %dma_start3A_976] : memref<10x64x128xf32, #tpu.memory_space<vmem>> -> memref<1x64x128xf32, #tpu.memory_space<vmem>>
      %dma_start3A_978 = tpu.memref_squeeze %dma_start3A_977 : memref<1x64x128xf32, #tpu.memory_space<vmem>> -> memref<64x128xf32, #tpu.memory_space<vmem>>
      %dma_start3A_979 = arith.constant 0 : i32
      %dma_start3A_980 = tpu.memref_slice %arg4[%add3A_972, %dma_start3A_979] : memref<204800x128xf32, #tpu.memory_space<hbm>> -> memref<64x128xf32, #tpu.memory_space<hbm>>
      %dma_start3A_981 = tpu.memref_slice %arg8[%dma_start3A_974] : memref<10x!tpu.dma_semaphore, #tpu.memory_space<semaphore_mem>> -> memref<1x!tpu.dma_semaphore, #tpu.memory_space<semaphore_mem>>
      %dma_start3A_982 = tpu.memref_squeeze %dma_start3A_981 : memref<1x!tpu.dma_semaphore, #tpu.memory_space<semaphore_mem>> -> memref<!tpu.dma_semaphore, #tpu.memory_space<semaphore_mem>>
      %dma_start3A_983 = arith.constant 0 : i32
      %dma_start3A_984 = tpu.memref_slice %arg4[%add3A_972, %dma_start3A_983] : memref<204800x128xf32, #tpu.memory_space<hbm>> -> memref<64x128xf32, #tpu.memory_space<hbm>>
      %dma_start3A_985 = arith.constant 0 : i32
      %dma_start3A_986 = arith.constant 0 : i32
      %dma_start3A_987 = tpu.memref_slice %arg6[%dma_start3A_973, %dma_start3A_985, %dma_start3A_986] : memref<10x64x128xf32, #tpu.memory_space<vmem>> -> memref<1x64x128xf32, #tpu.memory_space<vmem>>
      %dma_start3A_988 = tpu.memref_squeeze %dma_start3A_987 : memref<1x64x128xf32, #tpu.memory_space<vmem>> -> memref<64x128xf32, #tpu.memory_space<vmem>>
      tpu.enqueue_dma source(%dma_start3A_988 : memref<64x128xf32, #tpu.memory_space<vmem>>) target(%dma_start3A_984 : memref<64x128xf32, #tpu.memory_space<hbm>>) target_semaphore(%dma_start3A_982 : memref<!tpu.dma_semaphore, #tpu.memory_space<semaphore_mem>>)
      %dma_wait3A_989 = arith.constant 0 : i32
      %dma_wait3A_990 = arith.constant 9 : i32
      %dma_wait3A_991 = arith.constant 9 : i32
      %dma_wait3A_992 = arith.constant 0 : i32
      %dma_wait3A_993 = arith.constant 0 : i32
      %dma_wait3A_994 = tpu.memref_slice %arg6[%dma_wait3A_990, %dma_wait3A_992, %dma_wait3A_993] : memref<10x64x128xf32, #tpu.memory_space<vmem>> -> memref<1x64x128xf32, #tpu.memory_space<vmem>>
      %dma_wait3A_995 = tpu.memref_squeeze %dma_wait3A_994 : memref<1x64x128xf32, #tpu.memory_space<vmem>> -> memref<64x128xf32, #tpu.memory_space<vmem>>
      %dma_wait3A_996 = arith.constant 0 : i32
      %dma_wait3A_997 = tpu.memref_slice %arg5[%dma_wait3A_989, %dma_wait3A_996] : memref<100x64xi32, #tpu.memory_space<vmem>> -> memref<1x64xi32, #tpu.memory_space<vmem>>
      %dma_wait3A_998 = tpu.memref_squeeze %dma_wait3A_997 : memref<1x64xi32, #tpu.memory_space<vmem>> -> memref<64xi32, #tpu.memory_space<vmem>>
      %dma_wait3A_999 = arith.constant 0 : i32
      %dma_wait3A_1000 = arith.constant 0 : i32
      %dma_wait3A_1001 = tpu.memref_slice %arg2[%dma_wait3A_999, %dma_wait3A_1000] : memref<100000x128xf32, #tpu.memory_space<hbm>> -> memref<100000x128xf32, #tpu.memory_space<hbm>>
      %dma_wait3A_1002 = tpu.memref_slice %arg7[%dma_wait3A_991] : memref<10x!tpu.dma_semaphore, #tpu.memory_space<semaphore_mem>> -> memref<1x!tpu.dma_semaphore, #tpu.memory_space<semaphore_mem>>
      %dma_wait3A_1003 = tpu.memref_squeeze %dma_wait3A_1002 : memref<1x!tpu.dma_semaphore, #tpu.memory_space<semaphore_mem>> -> memref<!tpu.dma_semaphore, #tpu.memory_space<semaphore_mem>>
      tpu.wait_indirect_dma semaphore(%dma_wait3A_1003 : memref<!tpu.dma_semaphore, #tpu.memory_space<semaphore_mem>>) src(%dma_wait3A_1001 : memref<100000x128xf32, #tpu.memory_space<hbm>>) dst(%dma_wait3A_995 : memref<64x128xf32, #tpu.memory_space<vmem>>)
      %mul3A_1004 = arith.constant 10 : i32
      %mul3A_1005 = arith.muli %scan3A_646, %mul3A_1004 : i32
      %add3A_1006 = arith.constant 9 : i32
      %add3A_1007 = arith.addi %mul3A_1005, %add3A_1006 : i32
      %mul3A_1008 = arith.constant 64 : i32
      %mul3A_1009 = arith.muli %add3A_1007, %mul3A_1008 : i32
      %add3A_1010 = arith.addi %mul3A_2, %mul3A_1009 : i32
      %dma_start3A_1011 = arith.constant 9 : i32
      %dma_start3A_1012 = arith.constant 9 : i32
      %dma_start3A_1013 = arith.constant 0 : i32
      %dma_start3A_1014 = arith.constant 0 : i32
      %dma_start3A_1015 = tpu.memref_slice %arg6[%dma_start3A_1011, %dma_start3A_1013, %dma_start3A_1014] : memref<10x64x128xf32, #tpu.memory_space<vmem>> -> memref<1x64x128xf32, #tpu.memory_space<vmem>>
      %dma_start3A_1016 = tpu.memref_squeeze %dma_start3A_1015 : memref<1x64x128xf32, #tpu.memory_space<vmem>> -> memref<64x128xf32, #tpu.memory_space<vmem>>
      %dma_start3A_1017 = arith.constant 0 : i32
      %dma_start3A_1018 = tpu.memref_slice %arg4[%add3A_1010, %dma_start3A_1017] : memref<204800x128xf32, #tpu.memory_space<hbm>> -> memref<64x128xf32, #tpu.memory_space<hbm>>
      %dma_start3A_1019 = tpu.memref_slice %arg8[%dma_start3A_1012] : memref<10x!tpu.dma_semaphore, #tpu.memory_space<semaphore_mem>> -> memref<1x!tpu.dma_semaphore, #tpu.memory_space<semaphore_mem>>
      %dma_start3A_1020 = tpu.memref_squeeze %dma_start3A_1019 : memref<1x!tpu.dma_semaphore, #tpu.memory_space<semaphore_mem>> -> memref<!tpu.dma_semaphore, #tpu.memory_space<semaphore_mem>>
      %dma_start3A_1021 = arith.constant 0 : i32
      %dma_start3A_1022 = tpu.memref_slice %arg4[%add3A_1010, %dma_start3A_1021] : memref<204800x128xf32, #tpu.memory_space<hbm>> -> memref<64x128xf32, #tpu.memory_space<hbm>>
      %dma_start3A_1023 = arith.constant 0 : i32
      %dma_start3A_1024 = arith.constant 0 : i32
      %dma_start3A_1025 = tpu.memref_slice %arg6[%dma_start3A_1011, %dma_start3A_1023, %dma_start3A_1024] : memref<10x64x128xf32, #tpu.memory_space<vmem>> -> memref<1x64x128xf32, #tpu.memory_space<vmem>>
      %dma_start3A_1026 = tpu.memref_squeeze %dma_start3A_1025 : memref<1x64x128xf32, #tpu.memory_space<vmem>> -> memref<64x128xf32, #tpu.memory_space<vmem>>
      tpu.enqueue_dma source(%dma_start3A_1026 : memref<64x128xf32, #tpu.memory_space<vmem>>) target(%dma_start3A_1022 : memref<64x128xf32, #tpu.memory_space<hbm>>) target_semaphore(%dma_start3A_1020 : memref<!tpu.dma_semaphore, #tpu.memory_space<semaphore_mem>>)
      %dma_wait3A_1027 = arith.constant 0 : i32
      %dma_wait3A_1028 = arith.constant 0 : i32
      %dma_wait3A_1029 = arith.constant 0 : i32
      %dma_wait3A_1030 = arith.constant 0 : i32
      %dma_wait3A_1031 = tpu.memref_slice %arg6[%dma_wait3A_1027, %dma_wait3A_1029, %dma_wait3A_1030] : memref<10x64x128xf32, #tpu.memory_space<vmem>> -> memref<1x64x128xf32, #tpu.memory_space<vmem>>
      %dma_wait3A_1032 = tpu.memref_squeeze %dma_wait3A_1031 : memref<1x64x128xf32, #tpu.memory_space<vmem>> -> memref<64x128xf32, #tpu.memory_space<vmem>>
      %dma_wait3A_1033 = arith.constant 0 : i32
      %dma_wait3A_1034 = tpu.memref_slice %arg4[%mul3A_2, %dma_wait3A_1033] : memref<204800x128xf32, #tpu.memory_space<hbm>> -> memref<64x128xf32, #tpu.memory_space<hbm>>
      %dma_wait3A_1035 = tpu.memref_slice %arg8[%dma_wait3A_1028] : memref<10x!tpu.dma_semaphore, #tpu.memory_space<semaphore_mem>> -> memref<1x!tpu.dma_semaphore, #tpu.memory_space<semaphore_mem>>
      %dma_wait3A_1036 = tpu.memref_squeeze %dma_wait3A_1035 : memref<1x!tpu.dma_semaphore, #tpu.memory_space<semaphore_mem>> -> memref<!tpu.dma_semaphore, #tpu.memory_space<semaphore_mem>>
      %dma_wait3A_1037 = arith.constant 0 : i32
      %dma_wait3A_1038 = tpu.memref_slice %arg4[%mul3A_2, %dma_wait3A_1037] : memref<204800x128xf32, #tpu.memory_space<hbm>> -> memref<64x128xf32, #tpu.memory_space<hbm>>
      %dma_wait3A_1039 = arith.constant 0 : i32
      %dma_wait3A_1040 = arith.constant 0 : i32
      %dma_wait3A_1041 = tpu.memref_slice %arg6[%dma_wait3A_1027, %dma_wait3A_1039, %dma_wait3A_1040] : memref<10x64x128xf32, #tpu.memory_space<vmem>> -> memref<1x64x128xf32, #tpu.memory_space<vmem>>
      %dma_wait3A_1042 = tpu.memref_squeeze %dma_wait3A_1041 : memref<1x64x128xf32, #tpu.memory_space<vmem>> -> memref<64x128xf32, #tpu.memory_space<vmem>>
      tpu.wait_dma2 semaphore(%dma_wait3A_1036 : memref<!tpu.dma_semaphore, #tpu.memory_space<semaphore_mem>>) src(%dma_wait3A_1042 : memref<64x128xf32, #tpu.memory_space<vmem>>) dst(%dma_wait3A_1038 : memref<64x128xf32, #tpu.memory_space<hbm>>)
      %add3A_1043 = arith.constant 1 : i32
      %add3A_1044 = arith.addi %scan3A_646, %add3A_1043 : i32
      %mul3A_1045 = arith.constant 10 : i32
      %mul3A_1046 = arith.muli %add3A_1044, %mul3A_1045 : i32
      %add3A_1047 = arith.constant 0 : i32
      %add3A_1048 = arith.addi %mul3A_1046, %add3A_1047 : i32
      %dma_start3A_1049 = arith.constant 0 : i32
      %dma_start3A_1050 = arith.constant 0 : i32
      %dma_start3A_1051 = arith.constant 0 : i32
      %dma_start3A_1052 = arith.constant 0 : i32
      %dma_start3A_1053 = tpu.memref_slice %arg6[%dma_start3A_1049, %dma_start3A_1051, %dma_start3A_1052] : memref<10x64x128xf32, #tpu.memory_space<vmem>> -> memref<1x64x128xf32, #tpu.memory_space<vmem>>
      %dma_start3A_1054 = tpu.memref_squeeze %dma_start3A_1053 : memref<1x64x128xf32, #tpu.memory_space<vmem>> -> memref<64x128xf32, #tpu.memory_space<vmem>>
      %dma_start3A_1055 = arith.constant 0 : i32
      %dma_start3A_1056 = tpu.memref_slice %arg5[%add3A_1048, %dma_start3A_1055] : memref<100x64xi32, #tpu.memory_space<vmem>> -> memref<1x64xi32, #tpu.memory_space<vmem>>
      %dma_start3A_1057 = tpu.memref_squeeze %dma_start3A_1056 : memref<1x64xi32, #tpu.memory_space<vmem>> -> memref<64xi32, #tpu.memory_space<vmem>>
      %dma_start3A_1058 = arith.constant 0 : i32
      %dma_start3A_1059 = arith.constant 0 : i32
      %dma_start3A_1060 = tpu.memref_slice %arg2[%dma_start3A_1058, %dma_start3A_1059] : memref<100000x128xf32, #tpu.memory_space<hbm>> -> memref<100000x128xf32, #tpu.memory_space<hbm>>
      %dma_start3A_1061 = tpu.memref_slice %arg7[%dma_start3A_1050] : memref<10x!tpu.dma_semaphore, #tpu.memory_space<semaphore_mem>> -> memref<1x!tpu.dma_semaphore, #tpu.memory_space<semaphore_mem>>
      %dma_start3A_1062 = tpu.memref_squeeze %dma_start3A_1061 : memref<1x!tpu.dma_semaphore, #tpu.memory_space<semaphore_mem>> -> memref<!tpu.dma_semaphore, #tpu.memory_space<semaphore_mem>>
      tpu.enqueue_indirect_dma source(%dma_start3A_1060 : memref<100000x128xf32, #tpu.memory_space<hbm>>) target(%dma_start3A_1054 : memref<64x128xf32, #tpu.memory_space<vmem>>) offsets(%dma_start3A_1057 : memref<64xi32, #tpu.memory_space<vmem>>) semaphore(%dma_start3A_1062 : memref<!tpu.dma_semaphore, #tpu.memory_space<semaphore_mem>>)
      %dma_wait3A_1063 = arith.constant 1 : i32
      %dma_wait3A_1064 = arith.constant 1 : i32
      %dma_wait3A_1065 = arith.constant 0 : i32
      %dma_wait3A_1066 = arith.constant 0 : i32
      %dma_wait3A_1067 = tpu.memref_slice %arg6[%dma_wait3A_1063, %dma_wait3A_1065, %dma_wait3A_1066] : memref<10x64x128xf32, #tpu.memory_space<vmem>> -> memref<1x64x128xf32, #tpu.memory_space<vmem>>
      %dma_wait3A_1068 = tpu.memref_squeeze %dma_wait3A_1067 : memref<1x64x128xf32, #tpu.memory_space<vmem>> -> memref<64x128xf32, #tpu.memory_space<vmem>>
      %dma_wait3A_1069 = arith.constant 0 : i32
      %dma_wait3A_1070 = tpu.memref_slice %arg4[%mul3A_2, %dma_wait3A_1069] : memref<204800x128xf32, #tpu.memory_space<hbm>> -> memref<64x128xf32, #tpu.memory_space<hbm>>
      %dma_wait3A_1071 = tpu.memref_slice %arg8[%dma_wait3A_1064] : memref<10x!tpu.dma_semaphore, #tpu.memory_space<semaphore_mem>> -> memref<1x!tpu.dma_semaphore, #tpu.memory_space<semaphore_mem>>
      %dma_wait3A_1072 = tpu.memref_squeeze %dma_wait3A_1071 : memref<1x!tpu.dma_semaphore, #tpu.memory_space<semaphore_mem>> -> memref<!tpu.dma_semaphore, #tpu.memory_space<semaphore_mem>>
      %dma_wait3A_1073 = arith.constant 0 : i32
      %dma_wait3A_1074 = tpu.memref_slice %arg4[%mul3A_2, %dma_wait3A_1073] : memref<204800x128xf32, #tpu.memory_space<hbm>> -> memref<64x128xf32, #tpu.memory_space<hbm>>
      %dma_wait3A_1075 = arith.constant 0 : i32
      %dma_wait3A_1076 = arith.constant 0 : i32
      %dma_wait3A_1077 = tpu.memref_slice %arg6[%dma_wait3A_1063, %dma_wait3A_1075, %dma_wait3A_1076] : memref<10x64x128xf32, #tpu.memory_space<vmem>> -> memref<1x64x128xf32, #tpu.memory_space<vmem>>
      %dma_wait3A_1078 = tpu.memref_squeeze %dma_wait3A_1077 : memref<1x64x128xf32, #tpu.memory_space<vmem>> -> memref<64x128xf32, #tpu.memory_space<vmem>>
      tpu.wait_dma2 semaphore(%dma_wait3A_1072 : memref<!tpu.dma_semaphore, #tpu.memory_space<semaphore_mem>>) src(%dma_wait3A_1078 : memref<64x128xf32, #tpu.memory_space<vmem>>) dst(%dma_wait3A_1074 : memref<64x128xf32, #tpu.memory_space<hbm>>)
      %add3A_1079 = arith.constant 1 : i32
      %add3A_1080 = arith.addi %scan3A_646, %add3A_1079 : i32
      %mul3A_1081 = arith.constant 10 : i32
      %mul3A_1082 = arith.muli %add3A_1080, %mul3A_1081 : i32
      %add3A_1083 = arith.constant 1 : i32
      %add3A_1084 = arith.addi %mul3A_1082, %add3A_1083 : i32
      %dma_start3A_1085 = arith.constant 1 : i32
      %dma_start3A_1086 = arith.constant 1 : i32
      %dma_start3A_1087 = arith.constant 0 : i32
      %dma_start3A_1088 = arith.constant 0 : i32
      %dma_start3A_1089 = tpu.memref_slice %arg6[%dma_start3A_1085, %dma_start3A_1087, %dma_start3A_1088] : memref<10x64x128xf32, #tpu.memory_space<vmem>> -> memref<1x64x128xf32, #tpu.memory_space<vmem>>
      %dma_start3A_1090 = tpu.memref_squeeze %dma_start3A_1089 : memref<1x64x128xf32, #tpu.memory_space<vmem>> -> memref<64x128xf32, #tpu.memory_space<vmem>>
      %dma_start3A_1091 = arith.constant 0 : i32
      %dma_start3A_1092 = tpu.memref_slice %arg5[%add3A_1084, %dma_start3A_1091] : memref<100x64xi32, #tpu.memory_space<vmem>> -> memref<1x64xi32, #tpu.memory_space<vmem>>
      %dma_start3A_1093 = tpu.memref_squeeze %dma_start3A_1092 : memref<1x64xi32, #tpu.memory_space<vmem>> -> memref<64xi32, #tpu.memory_space<vmem>>
      %dma_start3A_1094 = arith.constant 0 : i32
      %dma_start3A_1095 = arith.constant 0 : i32
      %dma_start3A_1096 = tpu.memref_slice %arg2[%dma_start3A_1094, %dma_start3A_1095] : memref<100000x128xf32, #tpu.memory_space<hbm>> -> memref<100000x128xf32, #tpu.memory_space<hbm>>
      %dma_start3A_1097 = tpu.memref_slice %arg7[%dma_start3A_1086] : memref<10x!tpu.dma_semaphore, #tpu.memory_space<semaphore_mem>> -> memref<1x!tpu.dma_semaphore, #tpu.memory_space<semaphore_mem>>
      %dma_start3A_1098 = tpu.memref_squeeze %dma_start3A_1097 : memref<1x!tpu.dma_semaphore, #tpu.memory_space<semaphore_mem>> -> memref<!tpu.dma_semaphore, #tpu.memory_space<semaphore_mem>>
      tpu.enqueue_indirect_dma source(%dma_start3A_1096 : memref<100000x128xf32, #tpu.memory_space<hbm>>) target(%dma_start3A_1090 : memref<64x128xf32, #tpu.memory_space<vmem>>) offsets(%dma_start3A_1093 : memref<64xi32, #tpu.memory_space<vmem>>) semaphore(%dma_start3A_1098 : memref<!tpu.dma_semaphore, #tpu.memory_space<semaphore_mem>>)
      %dma_wait3A_1099 = arith.constant 2 : i32
      %dma_wait3A_1100 = arith.constant 2 : i32
      %dma_wait3A_1101 = arith.constant 0 : i32
      %dma_wait3A_1102 = arith.constant 0 : i32
      %dma_wait3A_1103 = tpu.memref_slice %arg6[%dma_wait3A_1099, %dma_wait3A_1101, %dma_wait3A_1102] : memref<10x64x128xf32, #tpu.memory_space<vmem>> -> memref<1x64x128xf32, #tpu.memory_space<vmem>>
      %dma_wait3A_1104 = tpu.memref_squeeze %dma_wait3A_1103 : memref<1x64x128xf32, #tpu.memory_space<vmem>> -> memref<64x128xf32, #tpu.memory_space<vmem>>
      %dma_wait3A_1105 = arith.constant 0 : i32
      %dma_wait3A_1106 = tpu.memref_slice %arg4[%mul3A_2, %dma_wait3A_1105] : memref<204800x128xf32, #tpu.memory_space<hbm>> -> memref<64x128xf32, #tpu.memory_space<hbm>>
      %dma_wait3A_1107 = tpu.memref_slice %arg8[%dma_wait3A_1100] : memref<10x!tpu.dma_semaphore, #tpu.memory_space<semaphore_mem>> -> memref<1x!tpu.dma_semaphore, #tpu.memory_space<semaphore_mem>>
      %dma_wait3A_1108 = tpu.memref_squeeze %dma_wait3A_1107 : memref<1x!tpu.dma_semaphore, #tpu.memory_space<semaphore_mem>> -> memref<!tpu.dma_semaphore, #tpu.memory_space<semaphore_mem>>
      %dma_wait3A_1109 = arith.constant 0 : i32
      %dma_wait3A_1110 = tpu.memref_slice %arg4[%mul3A_2, %dma_wait3A_1109] : memref<204800x128xf32, #tpu.memory_space<hbm>> -> memref<64x128xf32, #tpu.memory_space<hbm>>
      %dma_wait3A_1111 = arith.constant 0 : i32
      %dma_wait3A_1112 = arith.constant 0 : i32
      %dma_wait3A_1113 = tpu.memref_slice %arg6[%dma_wait3A_1099, %dma_wait3A_1111, %dma_wait3A_1112] : memref<10x64x128xf32, #tpu.memory_space<vmem>> -> memref<1x64x128xf32, #tpu.memory_space<vmem>>
      %dma_wait3A_1114 = tpu.memref_squeeze %dma_wait3A_1113 : memref<1x64x128xf32, #tpu.memory_space<vmem>> -> memref<64x128xf32, #tpu.memory_space<vmem>>
      tpu.wait_dma2 semaphore(%dma_wait3A_1108 : memref<!tpu.dma_semaphore, #tpu.memory_space<semaphore_mem>>) src(%dma_wait3A_1114 : memref<64x128xf32, #tpu.memory_space<vmem>>) dst(%dma_wait3A_1110 : memref<64x128xf32, #tpu.memory_space<hbm>>)
      %add3A_1115 = arith.constant 1 : i32
      %add3A_1116 = arith.addi %scan3A_646, %add3A_1115 : i32
      %mul3A_1117 = arith.constant 10 : i32
      %mul3A_1118 = arith.muli %add3A_1116, %mul3A_1117 : i32
      %add3A_1119 = arith.constant 2 : i32
      %add3A_1120 = arith.addi %mul3A_1118, %add3A_1119 : i32
      %dma_start3A_1121 = arith.constant 2 : i32
      %dma_start3A_1122 = arith.constant 2 : i32
      %dma_start3A_1123 = arith.constant 0 : i32
      %dma_start3A_1124 = arith.constant 0 : i32
      %dma_start3A_1125 = tpu.memref_slice %arg6[%dma_start3A_1121, %dma_start3A_1123, %dma_start3A_1124] : memref<10x64x128xf32, #tpu.memory_space<vmem>> -> memref<1x64x128xf32, #tpu.memory_space<vmem>>
      %dma_start3A_1126 = tpu.memref_squeeze %dma_start3A_1125 : memref<1x64x128xf32, #tpu.memory_space<vmem>> -> memref<64x128xf32, #tpu.memory_space<vmem>>
      %dma_start3A_1127 = arith.constant 0 : i32
      %dma_start3A_1128 = tpu.memref_slice %arg5[%add3A_1120, %dma_start3A_1127] : memref<100x64xi32, #tpu.memory_space<vmem>> -> memref<1x64xi32, #tpu.memory_space<vmem>>
      %dma_start3A_1129 = tpu.memref_squeeze %dma_start3A_1128 : memref<1x64xi32, #tpu.memory_space<vmem>> -> memref<64xi32, #tpu.memory_space<vmem>>
      %dma_start3A_1130 = arith.constant 0 : i32
      %dma_start3A_1131 = arith.constant 0 : i32
      %dma_start3A_1132 = tpu.memref_slice %arg2[%dma_start3A_1130, %dma_start3A_1131] : memref<100000x128xf32, #tpu.memory_space<hbm>> -> memref<100000x128xf32, #tpu.memory_space<hbm>>
      %dma_start3A_1133 = tpu.memref_slice %arg7[%dma_start3A_1122] : memref<10x!tpu.dma_semaphore, #tpu.memory_space<semaphore_mem>> -> memref<1x!tpu.dma_semaphore, #tpu.memory_space<semaphore_mem>>
      %dma_start3A_1134 = tpu.memref_squeeze %dma_start3A_1133 : memref<1x!tpu.dma_semaphore, #tpu.memory_space<semaphore_mem>> -> memref<!tpu.dma_semaphore, #tpu.memory_space<semaphore_mem>>
      tpu.enqueue_indirect_dma source(%dma_start3A_1132 : memref<100000x128xf32, #tpu.memory_space<hbm>>) target(%dma_start3A_1126 : memref<64x128xf32, #tpu.memory_space<vmem>>) offsets(%dma_start3A_1129 : memref<64xi32, #tpu.memory_space<vmem>>) semaphore(%dma_start3A_1134 : memref<!tpu.dma_semaphore, #tpu.memory_space<semaphore_mem>>)
      %dma_wait3A_1135 = arith.constant 3 : i32
      %dma_wait3A_1136 = arith.constant 3 : i32
      %dma_wait3A_1137 = arith.constant 0 : i32
      %dma_wait3A_1138 = arith.constant 0 : i32
      %dma_wait3A_1139 = tpu.memref_slice %arg6[%dma_wait3A_1135, %dma_wait3A_1137, %dma_wait3A_1138] : memref<10x64x128xf32, #tpu.memory_space<vmem>> -> memref<1x64x128xf32, #tpu.memory_space<vmem>>
      %dma_wait3A_1140 = tpu.memref_squeeze %dma_wait3A_1139 : memref<1x64x128xf32, #tpu.memory_space<vmem>> -> memref<64x128xf32, #tpu.memory_space<vmem>>
      %dma_wait3A_1141 = arith.constant 0 : i32
      %dma_wait3A_1142 = tpu.memref_slice %arg4[%mul3A_2, %dma_wait3A_1141] : memref<204800x128xf32, #tpu.memory_space<hbm>> -> memref<64x128xf32, #tpu.memory_space<hbm>>
      %dma_wait3A_1143 = tpu.memref_slice %arg8[%dma_wait3A_1136] : memref<10x!tpu.dma_semaphore, #tpu.memory_space<semaphore_mem>> -> memref<1x!tpu.dma_semaphore, #tpu.memory_space<semaphore_mem>>
      %dma_wait3A_1144 = tpu.memref_squeeze %dma_wait3A_1143 : memref<1x!tpu.dma_semaphore, #tpu.memory_space<semaphore_mem>> -> memref<!tpu.dma_semaphore, #tpu.memory_space<semaphore_mem>>
      %dma_wait3A_1145 = arith.constant 0 : i32
      %dma_wait3A_1146 = tpu.memref_slice %arg4[%mul3A_2, %dma_wait3A_1145] : memref<204800x128xf32, #tpu.memory_space<hbm>> -> memref<64x128xf32, #tpu.memory_space<hbm>>
      %dma_wait3A_1147 = arith.constant 0 : i32
      %dma_wait3A_1148 = arith.constant 0 : i32
      %dma_wait3A_1149 = tpu.memref_slice %arg6[%dma_wait3A_1135, %dma_wait3A_1147, %dma_wait3A_1148] : memref<10x64x128xf32, #tpu.memory_space<vmem>> -> memref<1x64x128xf32, #tpu.memory_space<vmem>>
      %dma_wait3A_1150 = tpu.memref_squeeze %dma_wait3A_1149 : memref<1x64x128xf32, #tpu.memory_space<vmem>> -> memref<64x128xf32, #tpu.memory_space<vmem>>
      tpu.wait_dma2 semaphore(%dma_wait3A_1144 : memref<!tpu.dma_semaphore, #tpu.memory_space<semaphore_mem>>) src(%dma_wait3A_1150 : memref<64x128xf32, #tpu.memory_space<vmem>>) dst(%dma_wait3A_1146 : memref<64x128xf32, #tpu.memory_space<hbm>>)
      %add3A_1151 = arith.constant 1 : i32
      %add3A_1152 = arith.addi %scan3A_646, %add3A_1151 : i32
      %mul3A_1153 = arith.constant 10 : i32
      %mul3A_1154 = arith.muli %add3A_1152, %mul3A_1153 : i32
      %add3A_1155 = arith.constant 3 : i32
      %add3A_1156 = arith.addi %mul3A_1154, %add3A_1155 : i32
      %dma_start3A_1157 = arith.constant 3 : i32
      %dma_start3A_1158 = arith.constant 3 : i32
      %dma_start3A_1159 = arith.constant 0 : i32
      %dma_start3A_1160 = arith.constant 0 : i32
      %dma_start3A_1161 = tpu.memref_slice %arg6[%dma_start3A_1157, %dma_start3A_1159, %dma_start3A_1160] : memref<10x64x128xf32, #tpu.memory_space<vmem>> -> memref<1x64x128xf32, #tpu.memory_space<vmem>>
      %dma_start3A_1162 = tpu.memref_squeeze %dma_start3A_1161 : memref<1x64x128xf32, #tpu.memory_space<vmem>> -> memref<64x128xf32, #tpu.memory_space<vmem>>
      %dma_start3A_1163 = arith.constant 0 : i32
      %dma_start3A_1164 = tpu.memref_slice %arg5[%add3A_1156, %dma_start3A_1163] : memref<100x64xi32, #tpu.memory_space<vmem>> -> memref<1x64xi32, #tpu.memory_space<vmem>>
      %dma_start3A_1165 = tpu.memref_squeeze %dma_start3A_1164 : memref<1x64xi32, #tpu.memory_space<vmem>> -> memref<64xi32, #tpu.memory_space<vmem>>
      %dma_start3A_1166 = arith.constant 0 : i32
      %dma_start3A_1167 = arith.constant 0 : i32
      %dma_start3A_1168 = tpu.memref_slice %arg2[%dma_start3A_1166, %dma_start3A_1167] : memref<100000x128xf32, #tpu.memory_space<hbm>> -> memref<100000x128xf32, #tpu.memory_space<hbm>>
      %dma_start3A_1169 = tpu.memref_slice %arg7[%dma_start3A_1158] : memref<10x!tpu.dma_semaphore, #tpu.memory_space<semaphore_mem>> -> memref<1x!tpu.dma_semaphore, #tpu.memory_space<semaphore_mem>>
      %dma_start3A_1170 = tpu.memref_squeeze %dma_start3A_1169 : memref<1x!tpu.dma_semaphore, #tpu.memory_space<semaphore_mem>> -> memref<!tpu.dma_semaphore, #tpu.memory_space<semaphore_mem>>
      tpu.enqueue_indirect_dma source(%dma_start3A_1168 : memref<100000x128xf32, #tpu.memory_space<hbm>>) target(%dma_start3A_1162 : memref<64x128xf32, #tpu.memory_space<vmem>>) offsets(%dma_start3A_1165 : memref<64xi32, #tpu.memory_space<vmem>>) semaphore(%dma_start3A_1170 : memref<!tpu.dma_semaphore, #tpu.memory_space<semaphore_mem>>)
      %dma_wait3A_1171 = arith.constant 4 : i32
      %dma_wait3A_1172 = arith.constant 4 : i32
      %dma_wait3A_1173 = arith.constant 0 : i32
      %dma_wait3A_1174 = arith.constant 0 : i32
      %dma_wait3A_1175 = tpu.memref_slice %arg6[%dma_wait3A_1171, %dma_wait3A_1173, %dma_wait3A_1174] : memref<10x64x128xf32, #tpu.memory_space<vmem>> -> memref<1x64x128xf32, #tpu.memory_space<vmem>>
      %dma_wait3A_1176 = tpu.memref_squeeze %dma_wait3A_1175 : memref<1x64x128xf32, #tpu.memory_space<vmem>> -> memref<64x128xf32, #tpu.memory_space<vmem>>
      %dma_wait3A_1177 = arith.constant 0 : i32
      %dma_wait3A_1178 = tpu.memref_slice %arg4[%mul3A_2, %dma_wait3A_1177] : memref<204800x128xf32, #tpu.memory_space<hbm>> -> memref<64x128xf32, #tpu.memory_space<hbm>>
      %dma_wait3A_1179 = tpu.memref_slice %arg8[%dma_wait3A_1172] : memref<10x!tpu.dma_semaphore, #tpu.memory_space<semaphore_mem>> -> memref<1x!tpu.dma_semaphore, #tpu.memory_space<semaphore_mem>>
      %dma_wait3A_1180 = tpu.memref_squeeze %dma_wait3A_1179 : memref<1x!tpu.dma_semaphore, #tpu.memory_space<semaphore_mem>> -> memref<!tpu.dma_semaphore, #tpu.memory_space<semaphore_mem>>
      %dma_wait3A_1181 = arith.constant 0 : i32
      %dma_wait3A_1182 = tpu.memref_slice %arg4[%mul3A_2, %dma_wait3A_1181] : memref<204800x128xf32, #tpu.memory_space<hbm>> -> memref<64x128xf32, #tpu.memory_space<hbm>>
      %dma_wait3A_1183 = arith.constant 0 : i32
      %dma_wait3A_1184 = arith.constant 0 : i32
      %dma_wait3A_1185 = tpu.memref_slice %arg6[%dma_wait3A_1171, %dma_wait3A_1183, %dma_wait3A_1184] : memref<10x64x128xf32, #tpu.memory_space<vmem>> -> memref<1x64x128xf32, #tpu.memory_space<vmem>>
      %dma_wait3A_1186 = tpu.memref_squeeze %dma_wait3A_1185 : memref<1x64x128xf32, #tpu.memory_space<vmem>> -> memref<64x128xf32, #tpu.memory_space<vmem>>
      tpu.wait_dma2 semaphore(%dma_wait3A_1180 : memref<!tpu.dma_semaphore, #tpu.memory_space<semaphore_mem>>) src(%dma_wait3A_1186 : memref<64x128xf32, #tpu.memory_space<vmem>>) dst(%dma_wait3A_1182 : memref<64x128xf32, #tpu.memory_space<hbm>>)
      %add3A_1187 = arith.constant 1 : i32
      %add3A_1188 = arith.addi %scan3A_646, %add3A_1187 : i32
      %mul3A_1189 = arith.constant 10 : i32
      %mul3A_1190 = arith.muli %add3A_1188, %mul3A_1189 : i32
      %add3A_1191 = arith.constant 4 : i32
      %add3A_1192 = arith.addi %mul3A_1190, %add3A_1191 : i32
      %dma_start3A_1193 = arith.constant 4 : i32
      %dma_start3A_1194 = arith.constant 4 : i32
      %dma_start3A_1195 = arith.constant 0 : i32
      %dma_start3A_1196 = arith.constant 0 : i32
      %dma_start3A_1197 = tpu.memref_slice %arg6[%dma_start3A_1193, %dma_start3A_1195, %dma_start3A_1196] : memref<10x64x128xf32, #tpu.memory_space<vmem>> -> memref<1x64x128xf32, #tpu.memory_space<vmem>>
      %dma_start3A_1198 = tpu.memref_squeeze %dma_start3A_1197 : memref<1x64x128xf32, #tpu.memory_space<vmem>> -> memref<64x128xf32, #tpu.memory_space<vmem>>
      %dma_start3A_1199 = arith.constant 0 : i32
      %dma_start3A_1200 = tpu.memref_slice %arg5[%add3A_1192, %dma_start3A_1199] : memref<100x64xi32, #tpu.memory_space<vmem>> -> memref<1x64xi32, #tpu.memory_space<vmem>>
      %dma_start3A_1201 = tpu.memref_squeeze %dma_start3A_1200 : memref<1x64xi32, #tpu.memory_space<vmem>> -> memref<64xi32, #tpu.memory_space<vmem>>
      %dma_start3A_1202 = arith.constant 0 : i32
      %dma_start3A_1203 = arith.constant 0 : i32
      %dma_start3A_1204 = tpu.memref_slice %arg2[%dma_start3A_1202, %dma_start3A_1203] : memref<100000x128xf32, #tpu.memory_space<hbm>> -> memref<100000x128xf32, #tpu.memory_space<hbm>>
      %dma_start3A_1205 = tpu.memref_slice %arg7[%dma_start3A_1194] : memref<10x!tpu.dma_semaphore, #tpu.memory_space<semaphore_mem>> -> memref<1x!tpu.dma_semaphore, #tpu.memory_space<semaphore_mem>>
      %dma_start3A_1206 = tpu.memref_squeeze %dma_start3A_1205 : memref<1x!tpu.dma_semaphore, #tpu.memory_space<semaphore_mem>> -> memref<!tpu.dma_semaphore, #tpu.memory_space<semaphore_mem>>
      tpu.enqueue_indirect_dma source(%dma_start3A_1204 : memref<100000x128xf32, #tpu.memory_space<hbm>>) target(%dma_start3A_1198 : memref<64x128xf32, #tpu.memory_space<vmem>>) offsets(%dma_start3A_1201 : memref<64xi32, #tpu.memory_space<vmem>>) semaphore(%dma_start3A_1206 : memref<!tpu.dma_semaphore, #tpu.memory_space<semaphore_mem>>)
      %dma_wait3A_1207 = arith.constant 5 : i32
      %dma_wait3A_1208 = arith.constant 5 : i32
      %dma_wait3A_1209 = arith.constant 0 : i32
      %dma_wait3A_1210 = arith.constant 0 : i32
      %dma_wait3A_1211 = tpu.memref_slice %arg6[%dma_wait3A_1207, %dma_wait3A_1209, %dma_wait3A_1210] : memref<10x64x128xf32, #tpu.memory_space<vmem>> -> memref<1x64x128xf32, #tpu.memory_space<vmem>>
      %dma_wait3A_1212 = tpu.memref_squeeze %dma_wait3A_1211 : memref<1x64x128xf32, #tpu.memory_space<vmem>> -> memref<64x128xf32, #tpu.memory_space<vmem>>
      %dma_wait3A_1213 = arith.constant 0 : i32
      %dma_wait3A_1214 = tpu.memref_slice %arg4[%mul3A_2, %dma_wait3A_1213] : memref<204800x128xf32, #tpu.memory_space<hbm>> -> memref<64x128xf32, #tpu.memory_space<hbm>>
      %dma_wait3A_1215 = tpu.memref_slice %arg8[%dma_wait3A_1208] : memref<10x!tpu.dma_semaphore, #tpu.memory_space<semaphore_mem>> -> memref<1x!tpu.dma_semaphore, #tpu.memory_space<semaphore_mem>>
      %dma_wait3A_1216 = tpu.memref_squeeze %dma_wait3A_1215 : memref<1x!tpu.dma_semaphore, #tpu.memory_space<semaphore_mem>> -> memref<!tpu.dma_semaphore, #tpu.memory_space<semaphore_mem>>
      %dma_wait3A_1217 = arith.constant 0 : i32
      %dma_wait3A_1218 = tpu.memref_slice %arg4[%mul3A_2, %dma_wait3A_1217] : memref<204800x128xf32, #tpu.memory_space<hbm>> -> memref<64x128xf32, #tpu.memory_space<hbm>>
      %dma_wait3A_1219 = arith.constant 0 : i32
      %dma_wait3A_1220 = arith.constant 0 : i32
      %dma_wait3A_1221 = tpu.memref_slice %arg6[%dma_wait3A_1207, %dma_wait3A_1219, %dma_wait3A_1220] : memref<10x64x128xf32, #tpu.memory_space<vmem>> -> memref<1x64x128xf32, #tpu.memory_space<vmem>>
      %dma_wait3A_1222 = tpu.memref_squeeze %dma_wait3A_1221 : memref<1x64x128xf32, #tpu.memory_space<vmem>> -> memref<64x128xf32, #tpu.memory_space<vmem>>
      tpu.wait_dma2 semaphore(%dma_wait3A_1216 : memref<!tpu.dma_semaphore, #tpu.memory_space<semaphore_mem>>) src(%dma_wait3A_1222 : memref<64x128xf32, #tpu.memory_space<vmem>>) dst(%dma_wait3A_1218 : memref<64x128xf32, #tpu.memory_space<hbm>>)
      %add3A_1223 = arith.constant 1 : i32
      %add3A_1224 = arith.addi %scan3A_646, %add3A_1223 : i32
      %mul3A_1225 = arith.constant 10 : i32
      %mul3A_1226 = arith.muli %add3A_1224, %mul3A_1225 : i32
      %add3A_1227 = arith.constant 5 : i32
      %add3A_1228 = arith.addi %mul3A_1226, %add3A_1227 : i32
      %dma_start3A_1229 = arith.constant 5 : i32
      %dma_start3A_1230 = arith.constant 5 : i32
      %dma_start3A_1231 = arith.constant 0 : i32
      %dma_start3A_1232 = arith.constant 0 : i32
      %dma_start3A_1233 = tpu.memref_slice %arg6[%dma_start3A_1229, %dma_start3A_1231, %dma_start3A_1232] : memref<10x64x128xf32, #tpu.memory_space<vmem>> -> memref<1x64x128xf32, #tpu.memory_space<vmem>>
      %dma_start3A_1234 = tpu.memref_squeeze %dma_start3A_1233 : memref<1x64x128xf32, #tpu.memory_space<vmem>> -> memref<64x128xf32, #tpu.memory_space<vmem>>
      %dma_start3A_1235 = arith.constant 0 : i32
      %dma_start3A_1236 = tpu.memref_slice %arg5[%add3A_1228, %dma_start3A_1235] : memref<100x64xi32, #tpu.memory_space<vmem>> -> memref<1x64xi32, #tpu.memory_space<vmem>>
      %dma_start3A_1237 = tpu.memref_squeeze %dma_start3A_1236 : memref<1x64xi32, #tpu.memory_space<vmem>> -> memref<64xi32, #tpu.memory_space<vmem>>
      %dma_start3A_1238 = arith.constant 0 : i32
      %dma_start3A_1239 = arith.constant 0 : i32
      %dma_start3A_1240 = tpu.memref_slice %arg2[%dma_start3A_1238, %dma_start3A_1239] : memref<100000x128xf32, #tpu.memory_space<hbm>> -> memref<100000x128xf32, #tpu.memory_space<hbm>>
      %dma_start3A_1241 = tpu.memref_slice %arg7[%dma_start3A_1230] : memref<10x!tpu.dma_semaphore, #tpu.memory_space<semaphore_mem>> -> memref<1x!tpu.dma_semaphore, #tpu.memory_space<semaphore_mem>>
      %dma_start3A_1242 = tpu.memref_squeeze %dma_start3A_1241 : memref<1x!tpu.dma_semaphore, #tpu.memory_space<semaphore_mem>> -> memref<!tpu.dma_semaphore, #tpu.memory_space<semaphore_mem>>
      tpu.enqueue_indirect_dma source(%dma_start3A_1240 : memref<100000x128xf32, #tpu.memory_space<hbm>>) target(%dma_start3A_1234 : memref<64x128xf32, #tpu.memory_space<vmem>>) offsets(%dma_start3A_1237 : memref<64xi32, #tpu.memory_space<vmem>>) semaphore(%dma_start3A_1242 : memref<!tpu.dma_semaphore, #tpu.memory_space<semaphore_mem>>)
      %dma_wait3A_1243 = arith.constant 6 : i32
      %dma_wait3A_1244 = arith.constant 6 : i32
      %dma_wait3A_1245 = arith.constant 0 : i32
      %dma_wait3A_1246 = arith.constant 0 : i32
      %dma_wait3A_1247 = tpu.memref_slice %arg6[%dma_wait3A_1243, %dma_wait3A_1245, %dma_wait3A_1246] : memref<10x64x128xf32, #tpu.memory_space<vmem>> -> memref<1x64x128xf32, #tpu.memory_space<vmem>>
      %dma_wait3A_1248 = tpu.memref_squeeze %dma_wait3A_1247 : memref<1x64x128xf32, #tpu.memory_space<vmem>> -> memref<64x128xf32, #tpu.memory_space<vmem>>
      %dma_wait3A_1249 = arith.constant 0 : i32
      %dma_wait3A_1250 = tpu.memref_slice %arg4[%mul3A_2, %dma_wait3A_1249] : memref<204800x128xf32, #tpu.memory_space<hbm>> -> memref<64x128xf32, #tpu.memory_space<hbm>>
      %dma_wait3A_1251 = tpu.memref_slice %arg8[%dma_wait3A_1244] : memref<10x!tpu.dma_semaphore, #tpu.memory_space<semaphore_mem>> -> memref<1x!tpu.dma_semaphore, #tpu.memory_space<semaphore_mem>>
      %dma_wait3A_1252 = tpu.memref_squeeze %dma_wait3A_1251 : memref<1x!tpu.dma_semaphore, #tpu.memory_space<semaphore_mem>> -> memref<!tpu.dma_semaphore, #tpu.memory_space<semaphore_mem>>
      %dma_wait3A_1253 = arith.constant 0 : i32
      %dma_wait3A_1254 = tpu.memref_slice %arg4[%mul3A_2, %dma_wait3A_1253] : memref<204800x128xf32, #tpu.memory_space<hbm>> -> memref<64x128xf32, #tpu.memory_space<hbm>>
      %dma_wait3A_1255 = arith.constant 0 : i32
      %dma_wait3A_1256 = arith.constant 0 : i32
      %dma_wait3A_1257 = tpu.memref_slice %arg6[%dma_wait3A_1243, %dma_wait3A_1255, %dma_wait3A_1256] : memref<10x64x128xf32, #tpu.memory_space<vmem>> -> memref<1x64x128xf32, #tpu.memory_space<vmem>>
      %dma_wait3A_1258 = tpu.memref_squeeze %dma_wait3A_1257 : memref<1x64x128xf32, #tpu.memory_space<vmem>> -> memref<64x128xf32, #tpu.memory_space<vmem>>
      tpu.wait_dma2 semaphore(%dma_wait3A_1252 : memref<!tpu.dma_semaphore, #tpu.memory_space<semaphore_mem>>) src(%dma_wait3A_1258 : memref<64x128xf32, #tpu.memory_space<vmem>>) dst(%dma_wait3A_1254 : memref<64x128xf32, #tpu.memory_space<hbm>>)
      %add3A_1259 = arith.constant 1 : i32
      %add3A_1260 = arith.addi %scan3A_646, %add3A_1259 : i32
      %mul3A_1261 = arith.constant 10 : i32
      %mul3A_1262 = arith.muli %add3A_1260, %mul3A_1261 : i32
      %add3A_1263 = arith.constant 6 : i32
      %add3A_1264 = arith.addi %mul3A_1262, %add3A_1263 : i32
      %dma_start3A_1265 = arith.constant 6 : i32
      %dma_start3A_1266 = arith.constant 6 : i32
      %dma_start3A_1267 = arith.constant 0 : i32
      %dma_start3A_1268 = arith.constant 0 : i32
      %dma_start3A_1269 = tpu.memref_slice %arg6[%dma_start3A_1265, %dma_start3A_1267, %dma_start3A_1268] : memref<10x64x128xf32, #tpu.memory_space<vmem>> -> memref<1x64x128xf32, #tpu.memory_space<vmem>>
      %dma_start3A_1270 = tpu.memref_squeeze %dma_start3A_1269 : memref<1x64x128xf32, #tpu.memory_space<vmem>> -> memref<64x128xf32, #tpu.memory_space<vmem>>
      %dma_start3A_1271 = arith.constant 0 : i32
      %dma_start3A_1272 = tpu.memref_slice %arg5[%add3A_1264, %dma_start3A_1271] : memref<100x64xi32, #tpu.memory_space<vmem>> -> memref<1x64xi32, #tpu.memory_space<vmem>>
      %dma_start3A_1273 = tpu.memref_squeeze %dma_start3A_1272 : memref<1x64xi32, #tpu.memory_space<vmem>> -> memref<64xi32, #tpu.memory_space<vmem>>
      %dma_start3A_1274 = arith.constant 0 : i32
      %dma_start3A_1275 = arith.constant 0 : i32
      %dma_start3A_1276 = tpu.memref_slice %arg2[%dma_start3A_1274, %dma_start3A_1275] : memref<100000x128xf32, #tpu.memory_space<hbm>> -> memref<100000x128xf32, #tpu.memory_space<hbm>>
      %dma_start3A_1277 = tpu.memref_slice %arg7[%dma_start3A_1266] : memref<10x!tpu.dma_semaphore, #tpu.memory_space<semaphore_mem>> -> memref<1x!tpu.dma_semaphore, #tpu.memory_space<semaphore_mem>>
      %dma_start3A_1278 = tpu.memref_squeeze %dma_start3A_1277 : memref<1x!tpu.dma_semaphore, #tpu.memory_space<semaphore_mem>> -> memref<!tpu.dma_semaphore, #tpu.memory_space<semaphore_mem>>
      tpu.enqueue_indirect_dma source(%dma_start3A_1276 : memref<100000x128xf32, #tpu.memory_space<hbm>>) target(%dma_start3A_1270 : memref<64x128xf32, #tpu.memory_space<vmem>>) offsets(%dma_start3A_1273 : memref<64xi32, #tpu.memory_space<vmem>>) semaphore(%dma_start3A_1278 : memref<!tpu.dma_semaphore, #tpu.memory_space<semaphore_mem>>)
      %dma_wait3A_1279 = arith.constant 7 : i32
      %dma_wait3A_1280 = arith.constant 7 : i32
      %dma_wait3A_1281 = arith.constant 0 : i32
      %dma_wait3A_1282 = arith.constant 0 : i32
      %dma_wait3A_1283 = tpu.memref_slice %arg6[%dma_wait3A_1279, %dma_wait3A_1281, %dma_wait3A_1282] : memref<10x64x128xf32, #tpu.memory_space<vmem>> -> memref<1x64x128xf32, #tpu.memory_space<vmem>>
      %dma_wait3A_1284 = tpu.memref_squeeze %dma_wait3A_1283 : memref<1x64x128xf32, #tpu.memory_space<vmem>> -> memref<64x128xf32, #tpu.memory_space<vmem>>
      %dma_wait3A_1285 = arith.constant 0 : i32
      %dma_wait3A_1286 = tpu.memref_slice %arg4[%mul3A_2, %dma_wait3A_1285] : memref<204800x128xf32, #tpu.memory_space<hbm>> -> memref<64x128xf32, #tpu.memory_space<hbm>>
      %dma_wait3A_1287 = tpu.memref_slice %arg8[%dma_wait3A_1280] : memref<10x!tpu.dma_semaphore, #tpu.memory_space<semaphore_mem>> -> memref<1x!tpu.dma_semaphore, #tpu.memory_space<semaphore_mem>>
      %dma_wait3A_1288 = tpu.memref_squeeze %dma_wait3A_1287 : memref<1x!tpu.dma_semaphore, #tpu.memory_space<semaphore_mem>> -> memref<!tpu.dma_semaphore, #tpu.memory_space<semaphore_mem>>
      %dma_wait3A_1289 = arith.constant 0 : i32
      %dma_wait3A_1290 = tpu.memref_slice %arg4[%mul3A_2, %dma_wait3A_1289] : memref<204800x128xf32, #tpu.memory_space<hbm>> -> memref<64x128xf32, #tpu.memory_space<hbm>>
      %dma_wait3A_1291 = arith.constant 0 : i32
      %dma_wait3A_1292 = arith.constant 0 : i32
      %dma_wait3A_1293 = tpu.memref_slice %arg6[%dma_wait3A_1279, %dma_wait3A_1291, %dma_wait3A_1292] : memref<10x64x128xf32, #tpu.memory_space<vmem>> -> memref<1x64x128xf32, #tpu.memory_space<vmem>>
      %dma_wait3A_1294 = tpu.memref_squeeze %dma_wait3A_1293 : memref<1x64x128xf32, #tpu.memory_space<vmem>> -> memref<64x128xf32, #tpu.memory_space<vmem>>
      tpu.wait_dma2 semaphore(%dma_wait3A_1288 : memref<!tpu.dma_semaphore, #tpu.memory_space<semaphore_mem>>) src(%dma_wait3A_1294 : memref<64x128xf32, #tpu.memory_space<vmem>>) dst(%dma_wait3A_1290 : memref<64x128xf32, #tpu.memory_space<hbm>>)
      %add3A_1295 = arith.constant 1 : i32
      %add3A_1296 = arith.addi %scan3A_646, %add3A_1295 : i32
      %mul3A_1297 = arith.constant 10 : i32
      %mul3A_1298 = arith.muli %add3A_1296, %mul3A_1297 : i32
      %add3A_1299 = arith.constant 7 : i32
      %add3A_1300 = arith.addi %mul3A_1298, %add3A_1299 : i32
      %dma_start3A_1301 = arith.constant 7 : i32
      %dma_start3A_1302 = arith.constant 7 : i32
      %dma_start3A_1303 = arith.constant 0 : i32
      %dma_start3A_1304 = arith.constant 0 : i32
      %dma_start3A_1305 = tpu.memref_slice %arg6[%dma_start3A_1301, %dma_start3A_1303, %dma_start3A_1304] : memref<10x64x128xf32, #tpu.memory_space<vmem>> -> memref<1x64x128xf32, #tpu.memory_space<vmem>>
      %dma_start3A_1306 = tpu.memref_squeeze %dma_start3A_1305 : memref<1x64x128xf32, #tpu.memory_space<vmem>> -> memref<64x128xf32, #tpu.memory_space<vmem>>
      %dma_start3A_1307 = arith.constant 0 : i32
      %dma_start3A_1308 = tpu.memref_slice %arg5[%add3A_1300, %dma_start3A_1307] : memref<100x64xi32, #tpu.memory_space<vmem>> -> memref<1x64xi32, #tpu.memory_space<vmem>>
      %dma_start3A_1309 = tpu.memref_squeeze %dma_start3A_1308 : memref<1x64xi32, #tpu.memory_space<vmem>> -> memref<64xi32, #tpu.memory_space<vmem>>
      %dma_start3A_1310 = arith.constant 0 : i32
      %dma_start3A_1311 = arith.constant 0 : i32
      %dma_start3A_1312 = tpu.memref_slice %arg2[%dma_start3A_1310, %dma_start3A_1311] : memref<100000x128xf32, #tpu.memory_space<hbm>> -> memref<100000x128xf32, #tpu.memory_space<hbm>>
      %dma_start3A_1313 = tpu.memref_slice %arg7[%dma_start3A_1302] : memref<10x!tpu.dma_semaphore, #tpu.memory_space<semaphore_mem>> -> memref<1x!tpu.dma_semaphore, #tpu.memory_space<semaphore_mem>>
      %dma_start3A_1314 = tpu.memref_squeeze %dma_start3A_1313 : memref<1x!tpu.dma_semaphore, #tpu.memory_space<semaphore_mem>> -> memref<!tpu.dma_semaphore, #tpu.memory_space<semaphore_mem>>
      tpu.enqueue_indirect_dma source(%dma_start3A_1312 : memref<100000x128xf32, #tpu.memory_space<hbm>>) target(%dma_start3A_1306 : memref<64x128xf32, #tpu.memory_space<vmem>>) offsets(%dma_start3A_1309 : memref<64xi32, #tpu.memory_space<vmem>>) semaphore(%dma_start3A_1314 : memref<!tpu.dma_semaphore, #tpu.memory_space<semaphore_mem>>)
      %dma_wait3A_1315 = arith.constant 8 : i32
      %dma_wait3A_1316 = arith.constant 8 : i32
      %dma_wait3A_1317 = arith.constant 0 : i32
      %dma_wait3A_1318 = arith.constant 0 : i32
      %dma_wait3A_1319 = tpu.memref_slice %arg6[%dma_wait3A_1315, %dma_wait3A_1317, %dma_wait3A_1318] : memref<10x64x128xf32, #tpu.memory_space<vmem>> -> memref<1x64x128xf32, #tpu.memory_space<vmem>>
      %dma_wait3A_1320 = tpu.memref_squeeze %dma_wait3A_1319 : memref<1x64x128xf32, #tpu.memory_space<vmem>> -> memref<64x128xf32, #tpu.memory_space<vmem>>
      %dma_wait3A_1321 = arith.constant 0 : i32
      %dma_wait3A_1322 = tpu.memref_slice %arg4[%mul3A_2, %dma_wait3A_1321] : memref<204800x128xf32, #tpu.memory_space<hbm>> -> memref<64x128xf32, #tpu.memory_space<hbm>>
      %dma_wait3A_1323 = tpu.memref_slice %arg8[%dma_wait3A_1316] : memref<10x!tpu.dma_semaphore, #tpu.memory_space<semaphore_mem>> -> memref<1x!tpu.dma_semaphore, #tpu.memory_space<semaphore_mem>>
      %dma_wait3A_1324 = tpu.memref_squeeze %dma_wait3A_1323 : memref<1x!tpu.dma_semaphore, #tpu.memory_space<semaphore_mem>> -> memref<!tpu.dma_semaphore, #tpu.memory_space<semaphore_mem>>
      %dma_wait3A_1325 = arith.constant 0 : i32
      %dma_wait3A_1326 = tpu.memref_slice %arg4[%mul3A_2, %dma_wait3A_1325] : memref<204800x128xf32, #tpu.memory_space<hbm>> -> memref<64x128xf32, #tpu.memory_space<hbm>>
      %dma_wait3A_1327 = arith.constant 0 : i32
      %dma_wait3A_1328 = arith.constant 0 : i32
      %dma_wait3A_1329 = tpu.memref_slice %arg6[%dma_wait3A_1315, %dma_wait3A_1327, %dma_wait3A_1328] : memref<10x64x128xf32, #tpu.memory_space<vmem>> -> memref<1x64x128xf32, #tpu.memory_space<vmem>>
      %dma_wait3A_1330 = tpu.memref_squeeze %dma_wait3A_1329 : memref<1x64x128xf32, #tpu.memory_space<vmem>> -> memref<64x128xf32, #tpu.memory_space<vmem>>
      tpu.wait_dma2 semaphore(%dma_wait3A_1324 : memref<!tpu.dma_semaphore, #tpu.memory_space<semaphore_mem>>) src(%dma_wait3A_1330 : memref<64x128xf32, #tpu.memory_space<vmem>>) dst(%dma_wait3A_1326 : memref<64x128xf32, #tpu.memory_space<hbm>>)
      %add3A_1331 = arith.constant 1 : i32
      %add3A_1332 = arith.addi %scan3A_646, %add3A_1331 : i32
      %mul3A_1333 = arith.constant 10 : i32
      %mul3A_1334 = arith.muli %add3A_1332, %mul3A_1333 : i32
      %add3A_1335 = arith.constant 8 : i32
      %add3A_1336 = arith.addi %mul3A_1334, %add3A_1335 : i32
      %dma_start3A_1337 = arith.constant 8 : i32
      %dma_start3A_1338 = arith.constant 8 : i32
      %dma_start3A_1339 = arith.constant 0 : i32
      %dma_start3A_1340 = arith.constant 0 : i32
      %dma_start3A_1341 = tpu.memref_slice %arg6[%dma_start3A_1337, %dma_start3A_1339, %dma_start3A_1340] : memref<10x64x128xf32, #tpu.memory_space<vmem>> -> memref<1x64x128xf32, #tpu.memory_space<vmem>>
      %dma_start3A_1342 = tpu.memref_squeeze %dma_start3A_1341 : memref<1x64x128xf32, #tpu.memory_space<vmem>> -> memref<64x128xf32, #tpu.memory_space<vmem>>
      %dma_start3A_1343 = arith.constant 0 : i32
      %dma_start3A_1344 = tpu.memref_slice %arg5[%add3A_1336, %dma_start3A_1343] : memref<100x64xi32, #tpu.memory_space<vmem>> -> memref<1x64xi32, #tpu.memory_space<vmem>>
      %dma_start3A_1345 = tpu.memref_squeeze %dma_start3A_1344 : memref<1x64xi32, #tpu.memory_space<vmem>> -> memref<64xi32, #tpu.memory_space<vmem>>
      %dma_start3A_1346 = arith.constant 0 : i32
      %dma_start3A_1347 = arith.constant 0 : i32
      %dma_start3A_1348 = tpu.memref_slice %arg2[%dma_start3A_1346, %dma_start3A_1347] : memref<100000x128xf32, #tpu.memory_space<hbm>> -> memref<100000x128xf32, #tpu.memory_space<hbm>>
      %dma_start3A_1349 = tpu.memref_slice %arg7[%dma_start3A_1338] : memref<10x!tpu.dma_semaphore, #tpu.memory_space<semaphore_mem>> -> memref<1x!tpu.dma_semaphore, #tpu.memory_space<semaphore_mem>>
      %dma_start3A_1350 = tpu.memref_squeeze %dma_start3A_1349 : memref<1x!tpu.dma_semaphore, #tpu.memory_space<semaphore_mem>> -> memref<!tpu.dma_semaphore, #tpu.memory_space<semaphore_mem>>
      tpu.enqueue_indirect_dma source(%dma_start3A_1348 : memref<100000x128xf32, #tpu.memory_space<hbm>>) target(%dma_start3A_1342 : memref<64x128xf32, #tpu.memory_space<vmem>>) offsets(%dma_start3A_1345 : memref<64xi32, #tpu.memory_space<vmem>>) semaphore(%dma_start3A_1350 : memref<!tpu.dma_semaphore, #tpu.memory_space<semaphore_mem>>)
      %dma_wait3A_1351 = arith.constant 9 : i32
      %dma_wait3A_1352 = arith.constant 9 : i32
      %dma_wait3A_1353 = arith.constant 0 : i32
      %dma_wait3A_1354 = arith.constant 0 : i32
      %dma_wait3A_1355 = tpu.memref_slice %arg6[%dma_wait3A_1351, %dma_wait3A_1353, %dma_wait3A_1354] : memref<10x64x128xf32, #tpu.memory_space<vmem>> -> memref<1x64x128xf32, #tpu.memory_space<vmem>>
      %dma_wait3A_1356 = tpu.memref_squeeze %dma_wait3A_1355 : memref<1x64x128xf32, #tpu.memory_space<vmem>> -> memref<64x128xf32, #tpu.memory_space<vmem>>
      %dma_wait3A_1357 = arith.constant 0 : i32
      %dma_wait3A_1358 = tpu.memref_slice %arg4[%mul3A_2, %dma_wait3A_1357] : memref<204800x128xf32, #tpu.memory_space<hbm>> -> memref<64x128xf32, #tpu.memory_space<hbm>>
      %dma_wait3A_1359 = tpu.memref_slice %arg8[%dma_wait3A_1352] : memref<10x!tpu.dma_semaphore, #tpu.memory_space<semaphore_mem>> -> memref<1x!tpu.dma_semaphore, #tpu.memory_space<semaphore_mem>>
      %dma_wait3A_1360 = tpu.memref_squeeze %dma_wait3A_1359 : memref<1x!tpu.dma_semaphore, #tpu.memory_space<semaphore_mem>> -> memref<!tpu.dma_semaphore, #tpu.memory_space<semaphore_mem>>
      %dma_wait3A_1361 = arith.constant 0 : i32
      %dma_wait3A_1362 = tpu.memref_slice %arg4[%mul3A_2, %dma_wait3A_1361] : memref<204800x128xf32, #tpu.memory_space<hbm>> -> memref<64x128xf32, #tpu.memory_space<hbm>>
      %dma_wait3A_1363 = arith.constant 0 : i32
      %dma_wait3A_1364 = arith.constant 0 : i32
      %dma_wait3A_1365 = tpu.memref_slice %arg6[%dma_wait3A_1351, %dma_wait3A_1363, %dma_wait3A_1364] : memref<10x64x128xf32, #tpu.memory_space<vmem>> -> memref<1x64x128xf32, #tpu.memory_space<vmem>>
      %dma_wait3A_1366 = tpu.memref_squeeze %dma_wait3A_1365 : memref<1x64x128xf32, #tpu.memory_space<vmem>> -> memref<64x128xf32, #tpu.memory_space<vmem>>
      tpu.wait_dma2 semaphore(%dma_wait3A_1360 : memref<!tpu.dma_semaphore, #tpu.memory_space<semaphore_mem>>) src(%dma_wait3A_1366 : memref<64x128xf32, #tpu.memory_space<vmem>>) dst(%dma_wait3A_1362 : memref<64x128xf32, #tpu.memory_space<hbm>>)
      %add3A_1367 = arith.constant 1 : i32
      %add3A_1368 = arith.addi %scan3A_646, %add3A_1367 : i32
      %mul3A_1369 = arith.constant 10 : i32
      %mul3A_1370 = arith.muli %add3A_1368, %mul3A_1369 : i32
      %add3A_1371 = arith.constant 9 : i32
      %add3A_1372 = arith.addi %mul3A_1370, %add3A_1371 : i32
      %dma_start3A_1373 = arith.constant 9 : i32
      %dma_start3A_1374 = arith.constant 9 : i32
      %dma_start3A_1375 = arith.constant 0 : i32
      %dma_start3A_1376 = arith.constant 0 : i32
      %dma_start3A_1377 = tpu.memref_slice %arg6[%dma_start3A_1373, %dma_start3A_1375, %dma_start3A_1376] : memref<10x64x128xf32, #tpu.memory_space<vmem>> -> memref<1x64x128xf32, #tpu.memory_space<vmem>>
      %dma_start3A_1378 = tpu.memref_squeeze %dma_start3A_1377 : memref<1x64x128xf32, #tpu.memory_space<vmem>> -> memref<64x128xf32, #tpu.memory_space<vmem>>
      %dma_start3A_1379 = arith.constant 0 : i32
      %dma_start3A_1380 = tpu.memref_slice %arg5[%add3A_1372, %dma_start3A_1379] : memref<100x64xi32, #tpu.memory_space<vmem>> -> memref<1x64xi32, #tpu.memory_space<vmem>>
      %dma_start3A_1381 = tpu.memref_squeeze %dma_start3A_1380 : memref<1x64xi32, #tpu.memory_space<vmem>> -> memref<64xi32, #tpu.memory_space<vmem>>
      %dma_start3A_1382 = arith.constant 0 : i32
      %dma_start3A_1383 = arith.constant 0 : i32
      %dma_start3A_1384 = tpu.memref_slice %arg2[%dma_start3A_1382, %dma_start3A_1383] : memref<100000x128xf32, #tpu.memory_space<hbm>> -> memref<100000x128xf32, #tpu.memory_space<hbm>>
      %dma_start3A_1385 = tpu.memref_slice %arg7[%dma_start3A_1374] : memref<10x!tpu.dma_semaphore, #tpu.memory_space<semaphore_mem>> -> memref<1x!tpu.dma_semaphore, #tpu.memory_space<semaphore_mem>>
      %dma_start3A_1386 = tpu.memref_squeeze %dma_start3A_1385 : memref<1x!tpu.dma_semaphore, #tpu.memory_space<semaphore_mem>> -> memref<!tpu.dma_semaphore, #tpu.memory_space<semaphore_mem>>
      tpu.enqueue_indirect_dma source(%dma_start3A_1384 : memref<100000x128xf32, #tpu.memory_space<hbm>>) target(%dma_start3A_1378 : memref<64x128xf32, #tpu.memory_space<vmem>>) offsets(%dma_start3A_1381 : memref<64xi32, #tpu.memory_space<vmem>>) semaphore(%dma_start3A_1386 : memref<!tpu.dma_semaphore, #tpu.memory_space<semaphore_mem>>)
    }
    %scan3A_156 = arith.constant 9 : i32
    %dma_wait3A = arith.constant 0 : i32
    %dma_wait3A_157 = arith.constant 0 : i32
    %dma_wait3A_158 = arith.constant 0 : i32
    %dma_wait3A_159 = arith.constant 0 : i32
    %dma_wait3A_160 = arith.constant 0 : i32
    %dma_wait3A_161 = tpu.memref_slice %arg6[%dma_wait3A_157, %dma_wait3A_159, %dma_wait3A_160] : memref<10x64x128xf32, #tpu.memory_space<vmem>> -> memref<1x64x128xf32, #tpu.memory_space<vmem>>
    %dma_wait3A_162 = tpu.memref_squeeze %dma_wait3A_161 : memref<1x64x128xf32, #tpu.memory_space<vmem>> -> memref<64x128xf32, #tpu.memory_space<vmem>>
    %dma_wait3A_163 = arith.constant 0 : i32
    %dma_wait3A_164 = tpu.memref_slice %arg5[%dma_wait3A, %dma_wait3A_163] : memref<100x64xi32, #tpu.memory_space<vmem>> -> memref<1x64xi32, #tpu.memory_space<vmem>>
    %dma_wait3A_165 = tpu.memref_squeeze %dma_wait3A_164 : memref<1x64xi32, #tpu.memory_space<vmem>> -> memref<64xi32, #tpu.memory_space<vmem>>
    %dma_wait3A_166 = arith.constant 0 : i32
    %dma_wait3A_167 = arith.constant 0 : i32
    %dma_wait3A_168 = tpu.memref_slice %arg2[%dma_wait3A_166, %dma_wait3A_167] : memref<100000x128xf32, #tpu.memory_space<hbm>> -> memref<100000x128xf32, #tpu.memory_space<hbm>>
    %dma_wait3A_169 = tpu.memref_slice %arg7[%dma_wait3A_158] : memref<10x!tpu.dma_semaphore, #tpu.memory_space<semaphore_mem>> -> memref<1x!tpu.dma_semaphore, #tpu.memory_space<semaphore_mem>>
    %dma_wait3A_170 = tpu.memref_squeeze %dma_wait3A_169 : memref<1x!tpu.dma_semaphore, #tpu.memory_space<semaphore_mem>> -> memref<!tpu.dma_semaphore, #tpu.memory_space<semaphore_mem>>
    tpu.wait_indirect_dma semaphore(%dma_wait3A_170 : memref<!tpu.dma_semaphore, #tpu.memory_space<semaphore_mem>>) src(%dma_wait3A_168 : memref<100000x128xf32, #tpu.memory_space<hbm>>) dst(%dma_wait3A_162 : memref<64x128xf32, #tpu.memory_space<vmem>>)
    %add3A_171 = arith.constant 5760 : i32
    %add3A_172 = arith.addi %mul3A_2, %add3A_171 : i32
    %dma_start3A_173 = arith.constant 0 : i32
    %dma_start3A_174 = arith.constant 0 : i32
    %dma_start3A_175 = arith.constant 0 : i32
    %dma_start3A_176 = arith.constant 0 : i32
    %dma_start3A_177 = tpu.memref_slice %arg6[%dma_start3A_173, %dma_start3A_175, %dma_start3A_176] : memref<10x64x128xf32, #tpu.memory_space<vmem>> -> memref<1x64x128xf32, #tpu.memory_space<vmem>>
    %dma_start3A_178 = tpu.memref_squeeze %dma_start3A_177 : memref<1x64x128xf32, #tpu.memory_space<vmem>> -> memref<64x128xf32, #tpu.memory_space<vmem>>
    %dma_start3A_179 = arith.constant 0 : i32
    %dma_start3A_180 = tpu.memref_slice %arg4[%add3A_172, %dma_start3A_179] : memref<204800x128xf32, #tpu.memory_space<hbm>> -> memref<64x128xf32, #tpu.memory_space<hbm>>
    %dma_start3A_181 = tpu.memref_slice %arg8[%dma_start3A_174] : memref<10x!tpu.dma_semaphore, #tpu.memory_space<semaphore_mem>> -> memref<1x!tpu.dma_semaphore, #tpu.memory_space<semaphore_mem>>
    %dma_start3A_182 = tpu.memref_squeeze %dma_start3A_181 : memref<1x!tpu.dma_semaphore, #tpu.memory_space<semaphore_mem>> -> memref<!tpu.dma_semaphore, #tpu.memory_space<semaphore_mem>>
    %dma_start3A_183 = arith.constant 0 : i32
    %dma_start3A_184 = tpu.memref_slice %arg4[%add3A_172, %dma_start3A_183] : memref<204800x128xf32, #tpu.memory_space<hbm>> -> memref<64x128xf32, #tpu.memory_space<hbm>>
    %dma_start3A_185 = arith.constant 0 : i32
    %dma_start3A_186 = arith.constant 0 : i32
    %dma_start3A_187 = tpu.memref_slice %arg6[%dma_start3A_173, %dma_start3A_185, %dma_start3A_186] : memref<10x64x128xf32, #tpu.memory_space<vmem>> -> memref<1x64x128xf32, #tpu.memory_space<vmem>>
    %dma_start3A_188 = tpu.memref_squeeze %dma_start3A_187 : memref<1x64x128xf32, #tpu.memory_space<vmem>> -> memref<64x128xf32, #tpu.memory_space<vmem>>
    tpu.enqueue_dma source(%dma_start3A_188 : memref<64x128xf32, #tpu.memory_space<vmem>>) target(%dma_start3A_184 : memref<64x128xf32, #tpu.memory_space<hbm>>) target_semaphore(%dma_start3A_182 : memref<!tpu.dma_semaphore, #tpu.memory_space<semaphore_mem>>)
    %dma_wait3A_189 = arith.constant 0 : i32
    %dma_wait3A_190 = arith.constant 1 : i32
    %dma_wait3A_191 = arith.constant 1 : i32
    %dma_wait3A_192 = arith.constant 0 : i32
    %dma_wait3A_193 = arith.constant 0 : i32
    %dma_wait3A_194 = tpu.memref_slice %arg6[%dma_wait3A_190, %dma_wait3A_192, %dma_wait3A_193] : memref<10x64x128xf32, #tpu.memory_space<vmem>> -> memref<1x64x128xf32, #tpu.memory_space<vmem>>
    %dma_wait3A_195 = tpu.memref_squeeze %dma_wait3A_194 : memref<1x64x128xf32, #tpu.memory_space<vmem>> -> memref<64x128xf32, #tpu.memory_space<vmem>>
    %dma_wait3A_196 = arith.constant 0 : i32
    %dma_wait3A_197 = tpu.memref_slice %arg5[%dma_wait3A_189, %dma_wait3A_196] : memref<100x64xi32, #tpu.memory_space<vmem>> -> memref<1x64xi32, #tpu.memory_space<vmem>>
    %dma_wait3A_198 = tpu.memref_squeeze %dma_wait3A_197 : memref<1x64xi32, #tpu.memory_space<vmem>> -> memref<64xi32, #tpu.memory_space<vmem>>
    %dma_wait3A_199 = arith.constant 0 : i32
    %dma_wait3A_200 = arith.constant 0 : i32
    %dma_wait3A_201 = tpu.memref_slice %arg2[%dma_wait3A_199, %dma_wait3A_200] : memref<100000x128xf32, #tpu.memory_space<hbm>> -> memref<100000x128xf32, #tpu.memory_space<hbm>>
    %dma_wait3A_202 = tpu.memref_slice %arg7[%dma_wait3A_191] : memref<10x!tpu.dma_semaphore, #tpu.memory_space<semaphore_mem>> -> memref<1x!tpu.dma_semaphore, #tpu.memory_space<semaphore_mem>>
    %dma_wait3A_203 = tpu.memref_squeeze %dma_wait3A_202 : memref<1x!tpu.dma_semaphore, #tpu.memory_space<semaphore_mem>> -> memref<!tpu.dma_semaphore, #tpu.memory_space<semaphore_mem>>
    tpu.wait_indirect_dma semaphore(%dma_wait3A_203 : memref<!tpu.dma_semaphore, #tpu.memory_space<semaphore_mem>>) src(%dma_wait3A_201 : memref<100000x128xf32, #tpu.memory_space<hbm>>) dst(%dma_wait3A_195 : memref<64x128xf32, #tpu.memory_space<vmem>>)
    %add3A_204 = arith.constant 5824 : i32
    %add3A_205 = arith.addi %mul3A_2, %add3A_204 : i32
    %dma_start3A_206 = arith.constant 1 : i32
    %dma_start3A_207 = arith.constant 1 : i32
    %dma_start3A_208 = arith.constant 0 : i32
    %dma_start3A_209 = arith.constant 0 : i32
    %dma_start3A_210 = tpu.memref_slice %arg6[%dma_start3A_206, %dma_start3A_208, %dma_start3A_209] : memref<10x64x128xf32, #tpu.memory_space<vmem>> -> memref<1x64x128xf32, #tpu.memory_space<vmem>>
    %dma_start3A_211 = tpu.memref_squeeze %dma_start3A_210 : memref<1x64x128xf32, #tpu.memory_space<vmem>> -> memref<64x128xf32, #tpu.memory_space<vmem>>
    %dma_start3A_212 = arith.constant 0 : i32
    %dma_start3A_213 = tpu.memref_slice %arg4[%add3A_205, %dma_start3A_212] : memref<204800x128xf32, #tpu.memory_space<hbm>> -> memref<64x128xf32, #tpu.memory_space<hbm>>
    %dma_start3A_214 = tpu.memref_slice %arg8[%dma_start3A_207] : memref<10x!tpu.dma_semaphore, #tpu.memory_space<semaphore_mem>> -> memref<1x!tpu.dma_semaphore, #tpu.memory_space<semaphore_mem>>
    %dma_start3A_215 = tpu.memref_squeeze %dma_start3A_214 : memref<1x!tpu.dma_semaphore, #tpu.memory_space<semaphore_mem>> -> memref<!tpu.dma_semaphore, #tpu.memory_space<semaphore_mem>>
    %dma_start3A_216 = arith.constant 0 : i32
    %dma_start3A_217 = tpu.memref_slice %arg4[%add3A_205, %dma_start3A_216] : memref<204800x128xf32, #tpu.memory_space<hbm>> -> memref<64x128xf32, #tpu.memory_space<hbm>>
    %dma_start3A_218 = arith.constant 0 : i32
    %dma_start3A_219 = arith.constant 0 : i32
    %dma_start3A_220 = tpu.memref_slice %arg6[%dma_start3A_206, %dma_start3A_218, %dma_start3A_219] : memref<10x64x128xf32, #tpu.memory_space<vmem>> -> memref<1x64x128xf32, #tpu.memory_space<vmem>>
    %dma_start3A_221 = tpu.memref_squeeze %dma_start3A_220 : memref<1x64x128xf32, #tpu.memory_space<vmem>> -> memref<64x128xf32, #tpu.memory_space<vmem>>
    tpu.enqueue_dma source(%dma_start3A_221 : memref<64x128xf32, #tpu.memory_space<vmem>>) target(%dma_start3A_217 : memref<64x128xf32, #tpu.memory_space<hbm>>) target_semaphore(%dma_start3A_215 : memref<!tpu.dma_semaphore, #tpu.memory_space<semaphore_mem>>)
    %dma_wait3A_222 = arith.constant 0 : i32
    %dma_wait3A_223 = arith.constant 2 : i32
    %dma_wait3A_224 = arith.constant 2 : i32
    %dma_wait3A_225 = arith.constant 0 : i32
    %dma_wait3A_226 = arith.constant 0 : i32
    %dma_wait3A_227 = tpu.memref_slice %arg6[%dma_wait3A_223, %dma_wait3A_225, %dma_wait3A_226] : memref<10x64x128xf32, #tpu.memory_space<vmem>> -> memref<1x64x128xf32, #tpu.memory_space<vmem>>
    %dma_wait3A_228 = tpu.memref_squeeze %dma_wait3A_227 : memref<1x64x128xf32, #tpu.memory_space<vmem>> -> memref<64x128xf32, #tpu.memory_space<vmem>>
    %dma_wait3A_229 = arith.constant 0 : i32
    %dma_wait3A_230 = tpu.memref_slice %arg5[%dma_wait3A_222, %dma_wait3A_229] : memref<100x64xi32, #tpu.memory_space<vmem>> -> memref<1x64xi32, #tpu.memory_space<vmem>>
    %dma_wait3A_231 = tpu.memref_squeeze %dma_wait3A_230 : memref<1x64xi32, #tpu.memory_space<vmem>> -> memref<64xi32, #tpu.memory_space<vmem>>
    %dma_wait3A_232 = arith.constant 0 : i32
    %dma_wait3A_233 = arith.constant 0 : i32
    %dma_wait3A_234 = tpu.memref_slice %arg2[%dma_wait3A_232, %dma_wait3A_233] : memref<100000x128xf32, #tpu.memory_space<hbm>> -> memref<100000x128xf32, #tpu.memory_space<hbm>>
    %dma_wait3A_235 = tpu.memref_slice %arg7[%dma_wait3A_224] : memref<10x!tpu.dma_semaphore, #tpu.memory_space<semaphore_mem>> -> memref<1x!tpu.dma_semaphore, #tpu.memory_space<semaphore_mem>>
    %dma_wait3A_236 = tpu.memref_squeeze %dma_wait3A_235 : memref<1x!tpu.dma_semaphore, #tpu.memory_space<semaphore_mem>> -> memref<!tpu.dma_semaphore, #tpu.memory_space<semaphore_mem>>
    tpu.wait_indirect_dma semaphore(%dma_wait3A_236 : memref<!tpu.dma_semaphore, #tpu.memory_space<semaphore_mem>>) src(%dma_wait3A_234 : memref<100000x128xf32, #tpu.memory_space<hbm>>) dst(%dma_wait3A_228 : memref<64x128xf32, #tpu.memory_space<vmem>>)
    %add3A_237 = arith.constant 5888 : i32
    %add3A_238 = arith.addi %mul3A_2, %add3A_237 : i32
    %dma_start3A_239 = arith.constant 2 : i32
    %dma_start3A_240 = arith.constant 2 : i32
    %dma_start3A_241 = arith.constant 0 : i32
    %dma_start3A_242 = arith.constant 0 : i32
    %dma_start3A_243 = tpu.memref_slice %arg6[%dma_start3A_239, %dma_start3A_241, %dma_start3A_242] : memref<10x64x128xf32, #tpu.memory_space<vmem>> -> memref<1x64x128xf32, #tpu.memory_space<vmem>>
    %dma_start3A_244 = tpu.memref_squeeze %dma_start3A_243 : memref<1x64x128xf32, #tpu.memory_space<vmem>> -> memref<64x128xf32, #tpu.memory_space<vmem>>
    %dma_start3A_245 = arith.constant 0 : i32
    %dma_start3A_246 = tpu.memref_slice %arg4[%add3A_238, %dma_start3A_245] : memref<204800x128xf32, #tpu.memory_space<hbm>> -> memref<64x128xf32, #tpu.memory_space<hbm>>
    %dma_start3A_247 = tpu.memref_slice %arg8[%dma_start3A_240] : memref<10x!tpu.dma_semaphore, #tpu.memory_space<semaphore_mem>> -> memref<1x!tpu.dma_semaphore, #tpu.memory_space<semaphore_mem>>
    %dma_start3A_248 = tpu.memref_squeeze %dma_start3A_247 : memref<1x!tpu.dma_semaphore, #tpu.memory_space<semaphore_mem>> -> memref<!tpu.dma_semaphore, #tpu.memory_space<semaphore_mem>>
    %dma_start3A_249 = arith.constant 0 : i32
    %dma_start3A_250 = tpu.memref_slice %arg4[%add3A_238, %dma_start3A_249] : memref<204800x128xf32, #tpu.memory_space<hbm>> -> memref<64x128xf32, #tpu.memory_space<hbm>>
    %dma_start3A_251 = arith.constant 0 : i32
    %dma_start3A_252 = arith.constant 0 : i32
    %dma_start3A_253 = tpu.memref_slice %arg6[%dma_start3A_239, %dma_start3A_251, %dma_start3A_252] : memref<10x64x128xf32, #tpu.memory_space<vmem>> -> memref<1x64x128xf32, #tpu.memory_space<vmem>>
    %dma_start3A_254 = tpu.memref_squeeze %dma_start3A_253 : memref<1x64x128xf32, #tpu.memory_space<vmem>> -> memref<64x128xf32, #tpu.memory_space<vmem>>
    tpu.enqueue_dma source(%dma_start3A_254 : memref<64x128xf32, #tpu.memory_space<vmem>>) target(%dma_start3A_250 : memref<64x128xf32, #tpu.memory_space<hbm>>) target_semaphore(%dma_start3A_248 : memref<!tpu.dma_semaphore, #tpu.memory_space<semaphore_mem>>)
    %dma_wait3A_255 = arith.constant 0 : i32
    %dma_wait3A_256 = arith.constant 3 : i32
    %dma_wait3A_257 = arith.constant 3 : i32
    %dma_wait3A_258 = arith.constant 0 : i32
    %dma_wait3A_259 = arith.constant 0 : i32
    %dma_wait3A_260 = tpu.memref_slice %arg6[%dma_wait3A_256, %dma_wait3A_258, %dma_wait3A_259] : memref<10x64x128xf32, #tpu.memory_space<vmem>> -> memref<1x64x128xf32, #tpu.memory_space<vmem>>
    %dma_wait3A_261 = tpu.memref_squeeze %dma_wait3A_260 : memref<1x64x128xf32, #tpu.memory_space<vmem>> -> memref<64x128xf32, #tpu.memory_space<vmem>>
    %dma_wait3A_262 = arith.constant 0 : i32
    %dma_wait3A_263 = tpu.memref_slice %arg5[%dma_wait3A_255, %dma_wait3A_262] : memref<100x64xi32, #tpu.memory_space<vmem>> -> memref<1x64xi32, #tpu.memory_space<vmem>>
    %dma_wait3A_264 = tpu.memref_squeeze %dma_wait3A_263 : memref<1x64xi32, #tpu.memory_space<vmem>> -> memref<64xi32, #tpu.memory_space<vmem>>
    %dma_wait3A_265 = arith.constant 0 : i32
    %dma_wait3A_266 = arith.constant 0 : i32
    %dma_wait3A_267 = tpu.memref_slice %arg2[%dma_wait3A_265, %dma_wait3A_266] : memref<100000x128xf32, #tpu.memory_space<hbm>> -> memref<100000x128xf32, #tpu.memory_space<hbm>>
    %dma_wait3A_268 = tpu.memref_slice %arg7[%dma_wait3A_257] : memref<10x!tpu.dma_semaphore, #tpu.memory_space<semaphore_mem>> -> memref<1x!tpu.dma_semaphore, #tpu.memory_space<semaphore_mem>>
    %dma_wait3A_269 = tpu.memref_squeeze %dma_wait3A_268 : memref<1x!tpu.dma_semaphore, #tpu.memory_space<semaphore_mem>> -> memref<!tpu.dma_semaphore, #tpu.memory_space<semaphore_mem>>
    tpu.wait_indirect_dma semaphore(%dma_wait3A_269 : memref<!tpu.dma_semaphore, #tpu.memory_space<semaphore_mem>>) src(%dma_wait3A_267 : memref<100000x128xf32, #tpu.memory_space<hbm>>) dst(%dma_wait3A_261 : memref<64x128xf32, #tpu.memory_space<vmem>>)
    %add3A_270 = arith.constant 5952 : i32
    %add3A_271 = arith.addi %mul3A_2, %add3A_270 : i32
    %dma_start3A_272 = arith.constant 3 : i32
    %dma_start3A_273 = arith.constant 3 : i32
    %dma_start3A_274 = arith.constant 0 : i32
    %dma_start3A_275 = arith.constant 0 : i32
    %dma_start3A_276 = tpu.memref_slice %arg6[%dma_start3A_272, %dma_start3A_274, %dma_start3A_275] : memref<10x64x128xf32, #tpu.memory_space<vmem>> -> memref<1x64x128xf32, #tpu.memory_space<vmem>>
    %dma_start3A_277 = tpu.memref_squeeze %dma_start3A_276 : memref<1x64x128xf32, #tpu.memory_space<vmem>> -> memref<64x128xf32, #tpu.memory_space<vmem>>
    %dma_start3A_278 = arith.constant 0 : i32
    %dma_start3A_279 = tpu.memref_slice %arg4[%add3A_271, %dma_start3A_278] : memref<204800x128xf32, #tpu.memory_space<hbm>> -> memref<64x128xf32, #tpu.memory_space<hbm>>
    %dma_start3A_280 = tpu.memref_slice %arg8[%dma_start3A_273] : memref<10x!tpu.dma_semaphore, #tpu.memory_space<semaphore_mem>> -> memref<1x!tpu.dma_semaphore, #tpu.memory_space<semaphore_mem>>
    %dma_start3A_281 = tpu.memref_squeeze %dma_start3A_280 : memref<1x!tpu.dma_semaphore, #tpu.memory_space<semaphore_mem>> -> memref<!tpu.dma_semaphore, #tpu.memory_space<semaphore_mem>>
    %dma_start3A_282 = arith.constant 0 : i32
    %dma_start3A_283 = tpu.memref_slice %arg4[%add3A_271, %dma_start3A_282] : memref<204800x128xf32, #tpu.memory_space<hbm>> -> memref<64x128xf32, #tpu.memory_space<hbm>>
    %dma_start3A_284 = arith.constant 0 : i32
    %dma_start3A_285 = arith.constant 0 : i32
    %dma_start3A_286 = tpu.memref_slice %arg6[%dma_start3A_272, %dma_start3A_284, %dma_start3A_285] : memref<10x64x128xf32, #tpu.memory_space<vmem>> -> memref<1x64x128xf32, #tpu.memory_space<vmem>>
    %dma_start3A_287 = tpu.memref_squeeze %dma_start3A_286 : memref<1x64x128xf32, #tpu.memory_space<vmem>> -> memref<64x128xf32, #tpu.memory_space<vmem>>
    tpu.enqueue_dma source(%dma_start3A_287 : memref<64x128xf32, #tpu.memory_space<vmem>>) target(%dma_start3A_283 : memref<64x128xf32, #tpu.memory_space<hbm>>) target_semaphore(%dma_start3A_281 : memref<!tpu.dma_semaphore, #tpu.memory_space<semaphore_mem>>)
    %dma_wait3A_288 = arith.constant 0 : i32
    %dma_wait3A_289 = arith.constant 4 : i32
    %dma_wait3A_290 = arith.constant 4 : i32
    %dma_wait3A_291 = arith.constant 0 : i32
    %dma_wait3A_292 = arith.constant 0 : i32
    %dma_wait3A_293 = tpu.memref_slice %arg6[%dma_wait3A_289, %dma_wait3A_291, %dma_wait3A_292] : memref<10x64x128xf32, #tpu.memory_space<vmem>> -> memref<1x64x128xf32, #tpu.memory_space<vmem>>
    %dma_wait3A_294 = tpu.memref_squeeze %dma_wait3A_293 : memref<1x64x128xf32, #tpu.memory_space<vmem>> -> memref<64x128xf32, #tpu.memory_space<vmem>>
    %dma_wait3A_295 = arith.constant 0 : i32
    %dma_wait3A_296 = tpu.memref_slice %arg5[%dma_wait3A_288, %dma_wait3A_295] : memref<100x64xi32, #tpu.memory_space<vmem>> -> memref<1x64xi32, #tpu.memory_space<vmem>>
    %dma_wait3A_297 = tpu.memref_squeeze %dma_wait3A_296 : memref<1x64xi32, #tpu.memory_space<vmem>> -> memref<64xi32, #tpu.memory_space<vmem>>
    %dma_wait3A_298 = arith.constant 0 : i32
    %dma_wait3A_299 = arith.constant 0 : i32
    %dma_wait3A_300 = tpu.memref_slice %arg2[%dma_wait3A_298, %dma_wait3A_299] : memref<100000x128xf32, #tpu.memory_space<hbm>> -> memref<100000x128xf32, #tpu.memory_space<hbm>>
    %dma_wait3A_301 = tpu.memref_slice %arg7[%dma_wait3A_290] : memref<10x!tpu.dma_semaphore, #tpu.memory_space<semaphore_mem>> -> memref<1x!tpu.dma_semaphore, #tpu.memory_space<semaphore_mem>>
    %dma_wait3A_302 = tpu.memref_squeeze %dma_wait3A_301 : memref<1x!tpu.dma_semaphore, #tpu.memory_space<semaphore_mem>> -> memref<!tpu.dma_semaphore, #tpu.memory_space<semaphore_mem>>
    tpu.wait_indirect_dma semaphore(%dma_wait3A_302 : memref<!tpu.dma_semaphore, #tpu.memory_space<semaphore_mem>>) src(%dma_wait3A_300 : memref<100000x128xf32, #tpu.memory_space<hbm>>) dst(%dma_wait3A_294 : memref<64x128xf32, #tpu.memory_space<vmem>>)
    %add3A_303 = arith.constant 6016 : i32
    %add3A_304 = arith.addi %mul3A_2, %add3A_303 : i32
    %dma_start3A_305 = arith.constant 4 : i32
    %dma_start3A_306 = arith.constant 4 : i32
    %dma_start3A_307 = arith.constant 0 : i32
    %dma_start3A_308 = arith.constant 0 : i32
    %dma_start3A_309 = tpu.memref_slice %arg6[%dma_start3A_305, %dma_start3A_307, %dma_start3A_308] : memref<10x64x128xf32, #tpu.memory_space<vmem>> -> memref<1x64x128xf32, #tpu.memory_space<vmem>>
    %dma_start3A_310 = tpu.memref_squeeze %dma_start3A_309 : memref<1x64x128xf32, #tpu.memory_space<vmem>> -> memref<64x128xf32, #tpu.memory_space<vmem>>
    %dma_start3A_311 = arith.constant 0 : i32
    %dma_start3A_312 = tpu.memref_slice %arg4[%add3A_304, %dma_start3A_311] : memref<204800x128xf32, #tpu.memory_space<hbm>> -> memref<64x128xf32, #tpu.memory_space<hbm>>
    %dma_start3A_313 = tpu.memref_slice %arg8[%dma_start3A_306] : memref<10x!tpu.dma_semaphore, #tpu.memory_space<semaphore_mem>> -> memref<1x!tpu.dma_semaphore, #tpu.memory_space<semaphore_mem>>
    %dma_start3A_314 = tpu.memref_squeeze %dma_start3A_313 : memref<1x!tpu.dma_semaphore, #tpu.memory_space<semaphore_mem>> -> memref<!tpu.dma_semaphore, #tpu.memory_space<semaphore_mem>>
    %dma_start3A_315 = arith.constant 0 : i32
    %dma_start3A_316 = tpu.memref_slice %arg4[%add3A_304, %dma_start3A_315] : memref<204800x128xf32, #tpu.memory_space<hbm>> -> memref<64x128xf32, #tpu.memory_space<hbm>>
    %dma_start3A_317 = arith.constant 0 : i32
    %dma_start3A_318 = arith.constant 0 : i32
    %dma_start3A_319 = tpu.memref_slice %arg6[%dma_start3A_305, %dma_start3A_317, %dma_start3A_318] : memref<10x64x128xf32, #tpu.memory_space<vmem>> -> memref<1x64x128xf32, #tpu.memory_space<vmem>>
    %dma_start3A_320 = tpu.memref_squeeze %dma_start3A_319 : memref<1x64x128xf32, #tpu.memory_space<vmem>> -> memref<64x128xf32, #tpu.memory_space<vmem>>
    tpu.enqueue_dma source(%dma_start3A_320 : memref<64x128xf32, #tpu.memory_space<vmem>>) target(%dma_start3A_316 : memref<64x128xf32, #tpu.memory_space<hbm>>) target_semaphore(%dma_start3A_314 : memref<!tpu.dma_semaphore, #tpu.memory_space<semaphore_mem>>)
    %dma_wait3A_321 = arith.constant 0 : i32
    %dma_wait3A_322 = arith.constant 5 : i32
    %dma_wait3A_323 = arith.constant 5 : i32
    %dma_wait3A_324 = arith.constant 0 : i32
    %dma_wait3A_325 = arith.constant 0 : i32
    %dma_wait3A_326 = tpu.memref_slice %arg6[%dma_wait3A_322, %dma_wait3A_324, %dma_wait3A_325] : memref<10x64x128xf32, #tpu.memory_space<vmem>> -> memref<1x64x128xf32, #tpu.memory_space<vmem>>
    %dma_wait3A_327 = tpu.memref_squeeze %dma_wait3A_326 : memref<1x64x128xf32, #tpu.memory_space<vmem>> -> memref<64x128xf32, #tpu.memory_space<vmem>>
    %dma_wait3A_328 = arith.constant 0 : i32
    %dma_wait3A_329 = tpu.memref_slice %arg5[%dma_wait3A_321, %dma_wait3A_328] : memref<100x64xi32, #tpu.memory_space<vmem>> -> memref<1x64xi32, #tpu.memory_space<vmem>>
    %dma_wait3A_330 = tpu.memref_squeeze %dma_wait3A_329 : memref<1x64xi32, #tpu.memory_space<vmem>> -> memref<64xi32, #tpu.memory_space<vmem>>
    %dma_wait3A_331 = arith.constant 0 : i32
    %dma_wait3A_332 = arith.constant 0 : i32
    %dma_wait3A_333 = tpu.memref_slice %arg2[%dma_wait3A_331, %dma_wait3A_332] : memref<100000x128xf32, #tpu.memory_space<hbm>> -> memref<100000x128xf32, #tpu.memory_space<hbm>>
    %dma_wait3A_334 = tpu.memref_slice %arg7[%dma_wait3A_323] : memref<10x!tpu.dma_semaphore, #tpu.memory_space<semaphore_mem>> -> memref<1x!tpu.dma_semaphore, #tpu.memory_space<semaphore_mem>>
    %dma_wait3A_335 = tpu.memref_squeeze %dma_wait3A_334 : memref<1x!tpu.dma_semaphore, #tpu.memory_space<semaphore_mem>> -> memref<!tpu.dma_semaphore, #tpu.memory_space<semaphore_mem>>
    tpu.wait_indirect_dma semaphore(%dma_wait3A_335 : memref<!tpu.dma_semaphore, #tpu.memory_space<semaphore_mem>>) src(%dma_wait3A_333 : memref<100000x128xf32, #tpu.memory_space<hbm>>) dst(%dma_wait3A_327 : memref<64x128xf32, #tpu.memory_space<vmem>>)
    %add3A_336 = arith.constant 6080 : i32
    %add3A_337 = arith.addi %mul3A_2, %add3A_336 : i32
    %dma_start3A_338 = arith.constant 5 : i32
    %dma_start3A_339 = arith.constant 5 : i32
    %dma_start3A_340 = arith.constant 0 : i32
    %dma_start3A_341 = arith.constant 0 : i32
    %dma_start3A_342 = tpu.memref_slice %arg6[%dma_start3A_338, %dma_start3A_340, %dma_start3A_341] : memref<10x64x128xf32, #tpu.memory_space<vmem>> -> memref<1x64x128xf32, #tpu.memory_space<vmem>>
    %dma_start3A_343 = tpu.memref_squeeze %dma_start3A_342 : memref<1x64x128xf32, #tpu.memory_space<vmem>> -> memref<64x128xf32, #tpu.memory_space<vmem>>
    %dma_start3A_344 = arith.constant 0 : i32
    %dma_start3A_345 = tpu.memref_slice %arg4[%add3A_337, %dma_start3A_344] : memref<204800x128xf32, #tpu.memory_space<hbm>> -> memref<64x128xf32, #tpu.memory_space<hbm>>
    %dma_start3A_346 = tpu.memref_slice %arg8[%dma_start3A_339] : memref<10x!tpu.dma_semaphore, #tpu.memory_space<semaphore_mem>> -> memref<1x!tpu.dma_semaphore, #tpu.memory_space<semaphore_mem>>
    %dma_start3A_347 = tpu.memref_squeeze %dma_start3A_346 : memref<1x!tpu.dma_semaphore, #tpu.memory_space<semaphore_mem>> -> memref<!tpu.dma_semaphore, #tpu.memory_space<semaphore_mem>>
    %dma_start3A_348 = arith.constant 0 : i32
    %dma_start3A_349 = tpu.memref_slice %arg4[%add3A_337, %dma_start3A_348] : memref<204800x128xf32, #tpu.memory_space<hbm>> -> memref<64x128xf32, #tpu.memory_space<hbm>>
    %dma_start3A_350 = arith.constant 0 : i32
    %dma_start3A_351 = arith.constant 0 : i32
    %dma_start3A_352 = tpu.memref_slice %arg6[%dma_start3A_338, %dma_start3A_350, %dma_start3A_351] : memref<10x64x128xf32, #tpu.memory_space<vmem>> -> memref<1x64x128xf32, #tpu.memory_space<vmem>>
    %dma_start3A_353 = tpu.memref_squeeze %dma_start3A_352 : memref<1x64x128xf32, #tpu.memory_space<vmem>> -> memref<64x128xf32, #tpu.memory_space<vmem>>
    tpu.enqueue_dma source(%dma_start3A_353 : memref<64x128xf32, #tpu.memory_space<vmem>>) target(%dma_start3A_349 : memref<64x128xf32, #tpu.memory_space<hbm>>) target_semaphore(%dma_start3A_347 : memref<!tpu.dma_semaphore, #tpu.memory_space<semaphore_mem>>)
    %dma_wait3A_354 = arith.constant 0 : i32
    %dma_wait3A_355 = arith.constant 6 : i32
    %dma_wait3A_356 = arith.constant 6 : i32
    %dma_wait3A_357 = arith.constant 0 : i32
    %dma_wait3A_358 = arith.constant 0 : i32
    %dma_wait3A_359 = tpu.memref_slice %arg6[%dma_wait3A_355, %dma_wait3A_357, %dma_wait3A_358] : memref<10x64x128xf32, #tpu.memory_space<vmem>> -> memref<1x64x128xf32, #tpu.memory_space<vmem>>
    %dma_wait3A_360 = tpu.memref_squeeze %dma_wait3A_359 : memref<1x64x128xf32, #tpu.memory_space<vmem>> -> memref<64x128xf32, #tpu.memory_space<vmem>>
    %dma_wait3A_361 = arith.constant 0 : i32
    %dma_wait3A_362 = tpu.memref_slice %arg5[%dma_wait3A_354, %dma_wait3A_361] : memref<100x64xi32, #tpu.memory_space<vmem>> -> memref<1x64xi32, #tpu.memory_space<vmem>>
    %dma_wait3A_363 = tpu.memref_squeeze %dma_wait3A_362 : memref<1x64xi32, #tpu.memory_space<vmem>> -> memref<64xi32, #tpu.memory_space<vmem>>
    %dma_wait3A_364 = arith.constant 0 : i32
    %dma_wait3A_365 = arith.constant 0 : i32
    %dma_wait3A_366 = tpu.memref_slice %arg2[%dma_wait3A_364, %dma_wait3A_365] : memref<100000x128xf32, #tpu.memory_space<hbm>> -> memref<100000x128xf32, #tpu.memory_space<hbm>>
    %dma_wait3A_367 = tpu.memref_slice %arg7[%dma_wait3A_356] : memref<10x!tpu.dma_semaphore, #tpu.memory_space<semaphore_mem>> -> memref<1x!tpu.dma_semaphore, #tpu.memory_space<semaphore_mem>>
    %dma_wait3A_368 = tpu.memref_squeeze %dma_wait3A_367 : memref<1x!tpu.dma_semaphore, #tpu.memory_space<semaphore_mem>> -> memref<!tpu.dma_semaphore, #tpu.memory_space<semaphore_mem>>
    tpu.wait_indirect_dma semaphore(%dma_wait3A_368 : memref<!tpu.dma_semaphore, #tpu.memory_space<semaphore_mem>>) src(%dma_wait3A_366 : memref<100000x128xf32, #tpu.memory_space<hbm>>) dst(%dma_wait3A_360 : memref<64x128xf32, #tpu.memory_space<vmem>>)
    %add3A_369 = arith.constant 6144 : i32
    %add3A_370 = arith.addi %mul3A_2, %add3A_369 : i32
    %dma_start3A_371 = arith.constant 6 : i32
    %dma_start3A_372 = arith.constant 6 : i32
    %dma_start3A_373 = arith.constant 0 : i32
    %dma_start3A_374 = arith.constant 0 : i32
    %dma_start3A_375 = tpu.memref_slice %arg6[%dma_start3A_371, %dma_start3A_373, %dma_start3A_374] : memref<10x64x128xf32, #tpu.memory_space<vmem>> -> memref<1x64x128xf32, #tpu.memory_space<vmem>>
    %dma_start3A_376 = tpu.memref_squeeze %dma_start3A_375 : memref<1x64x128xf32, #tpu.memory_space<vmem>> -> memref<64x128xf32, #tpu.memory_space<vmem>>
    %dma_start3A_377 = arith.constant 0 : i32
    %dma_start3A_378 = tpu.memref_slice %arg4[%add3A_370, %dma_start3A_377] : memref<204800x128xf32, #tpu.memory_space<hbm>> -> memref<64x128xf32, #tpu.memory_space<hbm>>
    %dma_start3A_379 = tpu.memref_slice %arg8[%dma_start3A_372] : memref<10x!tpu.dma_semaphore, #tpu.memory_space<semaphore_mem>> -> memref<1x!tpu.dma_semaphore, #tpu.memory_space<semaphore_mem>>
    %dma_start3A_380 = tpu.memref_squeeze %dma_start3A_379 : memref<1x!tpu.dma_semaphore, #tpu.memory_space<semaphore_mem>> -> memref<!tpu.dma_semaphore, #tpu.memory_space<semaphore_mem>>
    %dma_start3A_381 = arith.constant 0 : i32
    %dma_start3A_382 = tpu.memref_slice %arg4[%add3A_370, %dma_start3A_381] : memref<204800x128xf32, #tpu.memory_space<hbm>> -> memref<64x128xf32, #tpu.memory_space<hbm>>
    %dma_start3A_383 = arith.constant 0 : i32
    %dma_start3A_384 = arith.constant 0 : i32
    %dma_start3A_385 = tpu.memref_slice %arg6[%dma_start3A_371, %dma_start3A_383, %dma_start3A_384] : memref<10x64x128xf32, #tpu.memory_space<vmem>> -> memref<1x64x128xf32, #tpu.memory_space<vmem>>
    %dma_start3A_386 = tpu.memref_squeeze %dma_start3A_385 : memref<1x64x128xf32, #tpu.memory_space<vmem>> -> memref<64x128xf32, #tpu.memory_space<vmem>>
    tpu.enqueue_dma source(%dma_start3A_386 : memref<64x128xf32, #tpu.memory_space<vmem>>) target(%dma_start3A_382 : memref<64x128xf32, #tpu.memory_space<hbm>>) target_semaphore(%dma_start3A_380 : memref<!tpu.dma_semaphore, #tpu.memory_space<semaphore_mem>>)
    %dma_wait3A_387 = arith.constant 0 : i32
    %dma_wait3A_388 = arith.constant 7 : i32
    %dma_wait3A_389 = arith.constant 7 : i32
    %dma_wait3A_390 = arith.constant 0 : i32
    %dma_wait3A_391 = arith.constant 0 : i32
    %dma_wait3A_392 = tpu.memref_slice %arg6[%dma_wait3A_388, %dma_wait3A_390, %dma_wait3A_391] : memref<10x64x128xf32, #tpu.memory_space<vmem>> -> memref<1x64x128xf32, #tpu.memory_space<vmem>>
    %dma_wait3A_393 = tpu.memref_squeeze %dma_wait3A_392 : memref<1x64x128xf32, #tpu.memory_space<vmem>> -> memref<64x128xf32, #tpu.memory_space<vmem>>
    %dma_wait3A_394 = arith.constant 0 : i32
    %dma_wait3A_395 = tpu.memref_slice %arg5[%dma_wait3A_387, %dma_wait3A_394] : memref<100x64xi32, #tpu.memory_space<vmem>> -> memref<1x64xi32, #tpu.memory_space<vmem>>
    %dma_wait3A_396 = tpu.memref_squeeze %dma_wait3A_395 : memref<1x64xi32, #tpu.memory_space<vmem>> -> memref<64xi32, #tpu.memory_space<vmem>>
    %dma_wait3A_397 = arith.constant 0 : i32
    %dma_wait3A_398 = arith.constant 0 : i32
    %dma_wait3A_399 = tpu.memref_slice %arg2[%dma_wait3A_397, %dma_wait3A_398] : memref<100000x128xf32, #tpu.memory_space<hbm>> -> memref<100000x128xf32, #tpu.memory_space<hbm>>
    %dma_wait3A_400 = tpu.memref_slice %arg7[%dma_wait3A_389] : memref<10x!tpu.dma_semaphore, #tpu.memory_space<semaphore_mem>> -> memref<1x!tpu.dma_semaphore, #tpu.memory_space<semaphore_mem>>
    %dma_wait3A_401 = tpu.memref_squeeze %dma_wait3A_400 : memref<1x!tpu.dma_semaphore, #tpu.memory_space<semaphore_mem>> -> memref<!tpu.dma_semaphore, #tpu.memory_space<semaphore_mem>>
    tpu.wait_indirect_dma semaphore(%dma_wait3A_401 : memref<!tpu.dma_semaphore, #tpu.memory_space<semaphore_mem>>) src(%dma_wait3A_399 : memref<100000x128xf32, #tpu.memory_space<hbm>>) dst(%dma_wait3A_393 : memref<64x128xf32, #tpu.memory_space<vmem>>)
    %add3A_402 = arith.constant 6208 : i32
    %add3A_403 = arith.addi %mul3A_2, %add3A_402 : i32
    %dma_start3A_404 = arith.constant 7 : i32
    %dma_start3A_405 = arith.constant 7 : i32
    %dma_start3A_406 = arith.constant 0 : i32
    %dma_start3A_407 = arith.constant 0 : i32
    %dma_start3A_408 = tpu.memref_slice %arg6[%dma_start3A_404, %dma_start3A_406, %dma_start3A_407] : memref<10x64x128xf32, #tpu.memory_space<vmem>> -> memref<1x64x128xf32, #tpu.memory_space<vmem>>
    %dma_start3A_409 = tpu.memref_squeeze %dma_start3A_408 : memref<1x64x128xf32, #tpu.memory_space<vmem>> -> memref<64x128xf32, #tpu.memory_space<vmem>>
    %dma_start3A_410 = arith.constant 0 : i32
    %dma_start3A_411 = tpu.memref_slice %arg4[%add3A_403, %dma_start3A_410] : memref<204800x128xf32, #tpu.memory_space<hbm>> -> memref<64x128xf32, #tpu.memory_space<hbm>>
    %dma_start3A_412 = tpu.memref_slice %arg8[%dma_start3A_405] : memref<10x!tpu.dma_semaphore, #tpu.memory_space<semaphore_mem>> -> memref<1x!tpu.dma_semaphore, #tpu.memory_space<semaphore_mem>>
    %dma_start3A_413 = tpu.memref_squeeze %dma_start3A_412 : memref<1x!tpu.dma_semaphore, #tpu.memory_space<semaphore_mem>> -> memref<!tpu.dma_semaphore, #tpu.memory_space<semaphore_mem>>
    %dma_start3A_414 = arith.constant 0 : i32
    %dma_start3A_415 = tpu.memref_slice %arg4[%add3A_403, %dma_start3A_414] : memref<204800x128xf32, #tpu.memory_space<hbm>> -> memref<64x128xf32, #tpu.memory_space<hbm>>
    %dma_start3A_416 = arith.constant 0 : i32
    %dma_start3A_417 = arith.constant 0 : i32
    %dma_start3A_418 = tpu.memref_slice %arg6[%dma_start3A_404, %dma_start3A_416, %dma_start3A_417] : memref<10x64x128xf32, #tpu.memory_space<vmem>> -> memref<1x64x128xf32, #tpu.memory_space<vmem>>
    %dma_start3A_419 = tpu.memref_squeeze %dma_start3A_418 : memref<1x64x128xf32, #tpu.memory_space<vmem>> -> memref<64x128xf32, #tpu.memory_space<vmem>>
    tpu.enqueue_dma source(%dma_start3A_419 : memref<64x128xf32, #tpu.memory_space<vmem>>) target(%dma_start3A_415 : memref<64x128xf32, #tpu.memory_space<hbm>>) target_semaphore(%dma_start3A_413 : memref<!tpu.dma_semaphore, #tpu.memory_space<semaphore_mem>>)
    %dma_wait3A_420 = arith.constant 0 : i32
    %dma_wait3A_421 = arith.constant 8 : i32
    %dma_wait3A_422 = arith.constant 8 : i32
    %dma_wait3A_423 = arith.constant 0 : i32
    %dma_wait3A_424 = arith.constant 0 : i32
    %dma_wait3A_425 = tpu.memref_slice %arg6[%dma_wait3A_421, %dma_wait3A_423, %dma_wait3A_424] : memref<10x64x128xf32, #tpu.memory_space<vmem>> -> memref<1x64x128xf32, #tpu.memory_space<vmem>>
    %dma_wait3A_426 = tpu.memref_squeeze %dma_wait3A_425 : memref<1x64x128xf32, #tpu.memory_space<vmem>> -> memref<64x128xf32, #tpu.memory_space<vmem>>
    %dma_wait3A_427 = arith.constant 0 : i32
    %dma_wait3A_428 = tpu.memref_slice %arg5[%dma_wait3A_420, %dma_wait3A_427] : memref<100x64xi32, #tpu.memory_space<vmem>> -> memref<1x64xi32, #tpu.memory_space<vmem>>
    %dma_wait3A_429 = tpu.memref_squeeze %dma_wait3A_428 : memref<1x64xi32, #tpu.memory_space<vmem>> -> memref<64xi32, #tpu.memory_space<vmem>>
    %dma_wait3A_430 = arith.constant 0 : i32
    %dma_wait3A_431 = arith.constant 0 : i32
    %dma_wait3A_432 = tpu.memref_slice %arg2[%dma_wait3A_430, %dma_wait3A_431] : memref<100000x128xf32, #tpu.memory_space<hbm>> -> memref<100000x128xf32, #tpu.memory_space<hbm>>
    %dma_wait3A_433 = tpu.memref_slice %arg7[%dma_wait3A_422] : memref<10x!tpu.dma_semaphore, #tpu.memory_space<semaphore_mem>> -> memref<1x!tpu.dma_semaphore, #tpu.memory_space<semaphore_mem>>
    %dma_wait3A_434 = tpu.memref_squeeze %dma_wait3A_433 : memref<1x!tpu.dma_semaphore, #tpu.memory_space<semaphore_mem>> -> memref<!tpu.dma_semaphore, #tpu.memory_space<semaphore_mem>>
    tpu.wait_indirect_dma semaphore(%dma_wait3A_434 : memref<!tpu.dma_semaphore, #tpu.memory_space<semaphore_mem>>) src(%dma_wait3A_432 : memref<100000x128xf32, #tpu.memory_space<hbm>>) dst(%dma_wait3A_426 : memref<64x128xf32, #tpu.memory_space<vmem>>)
    %add3A_435 = arith.constant 6272 : i32
    %add3A_436 = arith.addi %mul3A_2, %add3A_435 : i32
    %dma_start3A_437 = arith.constant 8 : i32
    %dma_start3A_438 = arith.constant 8 : i32
    %dma_start3A_439 = arith.constant 0 : i32
    %dma_start3A_440 = arith.constant 0 : i32
    %dma_start3A_441 = tpu.memref_slice %arg6[%dma_start3A_437, %dma_start3A_439, %dma_start3A_440] : memref<10x64x128xf32, #tpu.memory_space<vmem>> -> memref<1x64x128xf32, #tpu.memory_space<vmem>>
    %dma_start3A_442 = tpu.memref_squeeze %dma_start3A_441 : memref<1x64x128xf32, #tpu.memory_space<vmem>> -> memref<64x128xf32, #tpu.memory_space<vmem>>
    %dma_start3A_443 = arith.constant 0 : i32
    %dma_start3A_444 = tpu.memref_slice %arg4[%add3A_436, %dma_start3A_443] : memref<204800x128xf32, #tpu.memory_space<hbm>> -> memref<64x128xf32, #tpu.memory_space<hbm>>
    %dma_start3A_445 = tpu.memref_slice %arg8[%dma_start3A_438] : memref<10x!tpu.dma_semaphore, #tpu.memory_space<semaphore_mem>> -> memref<1x!tpu.dma_semaphore, #tpu.memory_space<semaphore_mem>>
    %dma_start3A_446 = tpu.memref_squeeze %dma_start3A_445 : memref<1x!tpu.dma_semaphore, #tpu.memory_space<semaphore_mem>> -> memref<!tpu.dma_semaphore, #tpu.memory_space<semaphore_mem>>
    %dma_start3A_447 = arith.constant 0 : i32
    %dma_start3A_448 = tpu.memref_slice %arg4[%add3A_436, %dma_start3A_447] : memref<204800x128xf32, #tpu.memory_space<hbm>> -> memref<64x128xf32, #tpu.memory_space<hbm>>
    %dma_start3A_449 = arith.constant 0 : i32
    %dma_start3A_450 = arith.constant 0 : i32
    %dma_start3A_451 = tpu.memref_slice %arg6[%dma_start3A_437, %dma_start3A_449, %dma_start3A_450] : memref<10x64x128xf32, #tpu.memory_space<vmem>> -> memref<1x64x128xf32, #tpu.memory_space<vmem>>
    %dma_start3A_452 = tpu.memref_squeeze %dma_start3A_451 : memref<1x64x128xf32, #tpu.memory_space<vmem>> -> memref<64x128xf32, #tpu.memory_space<vmem>>
    tpu.enqueue_dma source(%dma_start3A_452 : memref<64x128xf32, #tpu.memory_space<vmem>>) target(%dma_start3A_448 : memref<64x128xf32, #tpu.memory_space<hbm>>) target_semaphore(%dma_start3A_446 : memref<!tpu.dma_semaphore, #tpu.memory_space<semaphore_mem>>)
    %dma_wait3A_453 = arith.constant 0 : i32
    %dma_wait3A_454 = arith.constant 9 : i32
    %dma_wait3A_455 = arith.constant 9 : i32
    %dma_wait3A_456 = arith.constant 0 : i32
    %dma_wait3A_457 = arith.constant 0 : i32
    %dma_wait3A_458 = tpu.memref_slice %arg6[%dma_wait3A_454, %dma_wait3A_456, %dma_wait3A_457] : memref<10x64x128xf32, #tpu.memory_space<vmem>> -> memref<1x64x128xf32, #tpu.memory_space<vmem>>
    %dma_wait3A_459 = tpu.memref_squeeze %dma_wait3A_458 : memref<1x64x128xf32, #tpu.memory_space<vmem>> -> memref<64x128xf32, #tpu.memory_space<vmem>>
    %dma_wait3A_460 = arith.constant 0 : i32
    %dma_wait3A_461 = tpu.memref_slice %arg5[%dma_wait3A_453, %dma_wait3A_460] : memref<100x64xi32, #tpu.memory_space<vmem>> -> memref<1x64xi32, #tpu.memory_space<vmem>>
    %dma_wait3A_462 = tpu.memref_squeeze %dma_wait3A_461 : memref<1x64xi32, #tpu.memory_space<vmem>> -> memref<64xi32, #tpu.memory_space<vmem>>
    %dma_wait3A_463 = arith.constant 0 : i32
    %dma_wait3A_464 = arith.constant 0 : i32
    %dma_wait3A_465 = tpu.memref_slice %arg2[%dma_wait3A_463, %dma_wait3A_464] : memref<100000x128xf32, #tpu.memory_space<hbm>> -> memref<100000x128xf32, #tpu.memory_space<hbm>>
    %dma_wait3A_466 = tpu.memref_slice %arg7[%dma_wait3A_455] : memref<10x!tpu.dma_semaphore, #tpu.memory_space<semaphore_mem>> -> memref<1x!tpu.dma_semaphore, #tpu.memory_space<semaphore_mem>>
    %dma_wait3A_467 = tpu.memref_squeeze %dma_wait3A_466 : memref<1x!tpu.dma_semaphore, #tpu.memory_space<semaphore_mem>> -> memref<!tpu.dma_semaphore, #tpu.memory_space<semaphore_mem>>
    tpu.wait_indirect_dma semaphore(%dma_wait3A_467 : memref<!tpu.dma_semaphore, #tpu.memory_space<semaphore_mem>>) src(%dma_wait3A_465 : memref<100000x128xf32, #tpu.memory_space<hbm>>) dst(%dma_wait3A_459 : memref<64x128xf32, #tpu.memory_space<vmem>>)
    %add3A_468 = arith.constant 6336 : i32
    %add3A_469 = arith.addi %mul3A_2, %add3A_468 : i32
    %dma_start3A_470 = arith.constant 9 : i32
    %dma_start3A_471 = arith.constant 9 : i32
    %dma_start3A_472 = arith.constant 0 : i32
    %dma_start3A_473 = arith.constant 0 : i32
    %dma_start3A_474 = tpu.memref_slice %arg6[%dma_start3A_470, %dma_start3A_472, %dma_start3A_473] : memref<10x64x128xf32, #tpu.memory_space<vmem>> -> memref<1x64x128xf32, #tpu.memory_space<vmem>>
    %dma_start3A_475 = tpu.memref_squeeze %dma_start3A_474 : memref<1x64x128xf32, #tpu.memory_space<vmem>> -> memref<64x128xf32, #tpu.memory_space<vmem>>
    %dma_start3A_476 = arith.constant 0 : i32
    %dma_start3A_477 = tpu.memref_slice %arg4[%add3A_469, %dma_start3A_476] : memref<204800x128xf32, #tpu.memory_space<hbm>> -> memref<64x128xf32, #tpu.memory_space<hbm>>
    %dma_start3A_478 = tpu.memref_slice %arg8[%dma_start3A_471] : memref<10x!tpu.dma_semaphore, #tpu.memory_space<semaphore_mem>> -> memref<1x!tpu.dma_semaphore, #tpu.memory_space<semaphore_mem>>
    %dma_start3A_479 = tpu.memref_squeeze %dma_start3A_478 : memref<1x!tpu.dma_semaphore, #tpu.memory_space<semaphore_mem>> -> memref<!tpu.dma_semaphore, #tpu.memory_space<semaphore_mem>>
    %dma_start3A_480 = arith.constant 0 : i32
    %dma_start3A_481 = tpu.memref_slice %arg4[%add3A_469, %dma_start3A_480] : memref<204800x128xf32, #tpu.memory_space<hbm>> -> memref<64x128xf32, #tpu.memory_space<hbm>>
    %dma_start3A_482 = arith.constant 0 : i32
    %dma_start3A_483 = arith.constant 0 : i32
    %dma_start3A_484 = tpu.memref_slice %arg6[%dma_start3A_470, %dma_start3A_482, %dma_start3A_483] : memref<10x64x128xf32, #tpu.memory_space<vmem>> -> memref<1x64x128xf32, #tpu.memory_space<vmem>>
    %dma_start3A_485 = tpu.memref_squeeze %dma_start3A_484 : memref<1x64x128xf32, #tpu.memory_space<vmem>> -> memref<64x128xf32, #tpu.memory_space<vmem>>
    tpu.enqueue_dma source(%dma_start3A_485 : memref<64x128xf32, #tpu.memory_space<vmem>>) target(%dma_start3A_481 : memref<64x128xf32, #tpu.memory_space<hbm>>) target_semaphore(%dma_start3A_479 : memref<!tpu.dma_semaphore, #tpu.memory_space<semaphore_mem>>)
    %dma_wait3A_486 = arith.constant 0 : i32
    %dma_wait3A_487 = arith.constant 0 : i32
    %dma_wait3A_488 = arith.constant 0 : i32
    %dma_wait3A_489 = arith.constant 0 : i32
    %dma_wait3A_490 = tpu.memref_slice %arg6[%dma_wait3A_486, %dma_wait3A_488, %dma_wait3A_489] : memref<10x64x128xf32, #tpu.memory_space<vmem>> -> memref<1x64x128xf32, #tpu.memory_space<vmem>>
    %dma_wait3A_491 = tpu.memref_squeeze %dma_wait3A_490 : memref<1x64x128xf32, #tpu.memory_space<vmem>> -> memref<64x128xf32, #tpu.memory_space<vmem>>
    %dma_wait3A_492 = arith.constant 0 : i32
    %dma_wait3A_493 = tpu.memref_slice %arg4[%mul3A_2, %dma_wait3A_492] : memref<204800x128xf32, #tpu.memory_space<hbm>> -> memref<64x128xf32, #tpu.memory_space<hbm>>
    %dma_wait3A_494 = tpu.memref_slice %arg8[%dma_wait3A_487] : memref<10x!tpu.dma_semaphore, #tpu.memory_space<semaphore_mem>> -> memref<1x!tpu.dma_semaphore, #tpu.memory_space<semaphore_mem>>
    %dma_wait3A_495 = tpu.memref_squeeze %dma_wait3A_494 : memref<1x!tpu.dma_semaphore, #tpu.memory_space<semaphore_mem>> -> memref<!tpu.dma_semaphore, #tpu.memory_space<semaphore_mem>>
    %dma_wait3A_496 = arith.constant 0 : i32
    %dma_wait3A_497 = tpu.memref_slice %arg4[%mul3A_2, %dma_wait3A_496] : memref<204800x128xf32, #tpu.memory_space<hbm>> -> memref<64x128xf32, #tpu.memory_space<hbm>>
    %dma_wait3A_498 = arith.constant 0 : i32
    %dma_wait3A_499 = arith.constant 0 : i32
    %dma_wait3A_500 = tpu.memref_slice %arg6[%dma_wait3A_486, %dma_wait3A_498, %dma_wait3A_499] : memref<10x64x128xf32, #tpu.memory_space<vmem>> -> memref<1x64x128xf32, #tpu.memory_space<vmem>>
    %dma_wait3A_501 = tpu.memref_squeeze %dma_wait3A_500 : memref<1x64x128xf32, #tpu.memory_space<vmem>> -> memref<64x128xf32, #tpu.memory_space<vmem>>
    tpu.wait_dma2 semaphore(%dma_wait3A_495 : memref<!tpu.dma_semaphore, #tpu.memory_space<semaphore_mem>>) src(%dma_wait3A_501 : memref<64x128xf32, #tpu.memory_space<vmem>>) dst(%dma_wait3A_497 : memref<64x128xf32, #tpu.memory_space<hbm>>)
    %dma_wait3A_502 = arith.constant 1 : i32
    %dma_wait3A_503 = arith.constant 1 : i32
    %dma_wait3A_504 = arith.constant 0 : i32
    %dma_wait3A_505 = arith.constant 0 : i32
    %dma_wait3A_506 = tpu.memref_slice %arg6[%dma_wait3A_502, %dma_wait3A_504, %dma_wait3A_505] : memref<10x64x128xf32, #tpu.memory_space<vmem>> -> memref<1x64x128xf32, #tpu.memory_space<vmem>>
    %dma_wait3A_507 = tpu.memref_squeeze %dma_wait3A_506 : memref<1x64x128xf32, #tpu.memory_space<vmem>> -> memref<64x128xf32, #tpu.memory_space<vmem>>
    %dma_wait3A_508 = arith.constant 0 : i32
    %dma_wait3A_509 = tpu.memref_slice %arg4[%mul3A_2, %dma_wait3A_508] : memref<204800x128xf32, #tpu.memory_space<hbm>> -> memref<64x128xf32, #tpu.memory_space<hbm>>
    %dma_wait3A_510 = tpu.memref_slice %arg8[%dma_wait3A_503] : memref<10x!tpu.dma_semaphore, #tpu.memory_space<semaphore_mem>> -> memref<1x!tpu.dma_semaphore, #tpu.memory_space<semaphore_mem>>
    %dma_wait3A_511 = tpu.memref_squeeze %dma_wait3A_510 : memref<1x!tpu.dma_semaphore, #tpu.memory_space<semaphore_mem>> -> memref<!tpu.dma_semaphore, #tpu.memory_space<semaphore_mem>>
    %dma_wait3A_512 = arith.constant 0 : i32
    %dma_wait3A_513 = tpu.memref_slice %arg4[%mul3A_2, %dma_wait3A_512] : memref<204800x128xf32, #tpu.memory_space<hbm>> -> memref<64x128xf32, #tpu.memory_space<hbm>>
    %dma_wait3A_514 = arith.constant 0 : i32
    %dma_wait3A_515 = arith.constant 0 : i32
    %dma_wait3A_516 = tpu.memref_slice %arg6[%dma_wait3A_502, %dma_wait3A_514, %dma_wait3A_515] : memref<10x64x128xf32, #tpu.memory_space<vmem>> -> memref<1x64x128xf32, #tpu.memory_space<vmem>>
    %dma_wait3A_517 = tpu.memref_squeeze %dma_wait3A_516 : memref<1x64x128xf32, #tpu.memory_space<vmem>> -> memref<64x128xf32, #tpu.memory_space<vmem>>
    tpu.wait_dma2 semaphore(%dma_wait3A_511 : memref<!tpu.dma_semaphore, #tpu.memory_space<semaphore_mem>>) src(%dma_wait3A_517 : memref<64x128xf32, #tpu.memory_space<vmem>>) dst(%dma_wait3A_513 : memref<64x128xf32, #tpu.memory_space<hbm>>)
    %dma_wait3A_518 = arith.constant 2 : i32
    %dma_wait3A_519 = arith.constant 2 : i32
    %dma_wait3A_520 = arith.constant 0 : i32
    %dma_wait3A_521 = arith.constant 0 : i32
    %dma_wait3A_522 = tpu.memref_slice %arg6[%dma_wait3A_518, %dma_wait3A_520, %dma_wait3A_521] : memref<10x64x128xf32, #tpu.memory_space<vmem>> -> memref<1x64x128xf32, #tpu.memory_space<vmem>>
    %dma_wait3A_523 = tpu.memref_squeeze %dma_wait3A_522 : memref<1x64x128xf32, #tpu.memory_space<vmem>> -> memref<64x128xf32, #tpu.memory_space<vmem>>
    %dma_wait3A_524 = arith.constant 0 : i32
    %dma_wait3A_525 = tpu.memref_slice %arg4[%mul3A_2, %dma_wait3A_524] : memref<204800x128xf32, #tpu.memory_space<hbm>> -> memref<64x128xf32, #tpu.memory_space<hbm>>
    %dma_wait3A_526 = tpu.memref_slice %arg8[%dma_wait3A_519] : memref<10x!tpu.dma_semaphore, #tpu.memory_space<semaphore_mem>> -> memref<1x!tpu.dma_semaphore, #tpu.memory_space<semaphore_mem>>
    %dma_wait3A_527 = tpu.memref_squeeze %dma_wait3A_526 : memref<1x!tpu.dma_semaphore, #tpu.memory_space<semaphore_mem>> -> memref<!tpu.dma_semaphore, #tpu.memory_space<semaphore_mem>>
    %dma_wait3A_528 = arith.constant 0 : i32
    %dma_wait3A_529 = tpu.memref_slice %arg4[%mul3A_2, %dma_wait3A_528] : memref<204800x128xf32, #tpu.memory_space<hbm>> -> memref<64x128xf32, #tpu.memory_space<hbm>>
    %dma_wait3A_530 = arith.constant 0 : i32
    %dma_wait3A_531 = arith.constant 0 : i32
    %dma_wait3A_532 = tpu.memref_slice %arg6[%dma_wait3A_518, %dma_wait3A_530, %dma_wait3A_531] : memref<10x64x128xf32, #tpu.memory_space<vmem>> -> memref<1x64x128xf32, #tpu.memory_space<vmem>>
    %dma_wait3A_533 = tpu.memref_squeeze %dma_wait3A_532 : memref<1x64x128xf32, #tpu.memory_space<vmem>> -> memref<64x128xf32, #tpu.memory_space<vmem>>
    tpu.wait_dma2 semaphore(%dma_wait3A_527 : memref<!tpu.dma_semaphore, #tpu.memory_space<semaphore_mem>>) src(%dma_wait3A_533 : memref<64x128xf32, #tpu.memory_space<vmem>>) dst(%dma_wait3A_529 : memref<64x128xf32, #tpu.memory_space<hbm>>)
    %dma_wait3A_534 = arith.constant 3 : i32
    %dma_wait3A_535 = arith.constant 3 : i32
    %dma_wait3A_536 = arith.constant 0 : i32
    %dma_wait3A_537 = arith.constant 0 : i32
    %dma_wait3A_538 = tpu.memref_slice %arg6[%dma_wait3A_534, %dma_wait3A_536, %dma_wait3A_537] : memref<10x64x128xf32, #tpu.memory_space<vmem>> -> memref<1x64x128xf32, #tpu.memory_space<vmem>>
    %dma_wait3A_539 = tpu.memref_squeeze %dma_wait3A_538 : memref<1x64x128xf32, #tpu.memory_space<vmem>> -> memref<64x128xf32, #tpu.memory_space<vmem>>
    %dma_wait3A_540 = arith.constant 0 : i32
    %dma_wait3A_541 = tpu.memref_slice %arg4[%mul3A_2, %dma_wait3A_540] : memref<204800x128xf32, #tpu.memory_space<hbm>> -> memref<64x128xf32, #tpu.memory_space<hbm>>
    %dma_wait3A_542 = tpu.memref_slice %arg8[%dma_wait3A_535] : memref<10x!tpu.dma_semaphore, #tpu.memory_space<semaphore_mem>> -> memref<1x!tpu.dma_semaphore, #tpu.memory_space<semaphore_mem>>
    %dma_wait3A_543 = tpu.memref_squeeze %dma_wait3A_542 : memref<1x!tpu.dma_semaphore, #tpu.memory_space<semaphore_mem>> -> memref<!tpu.dma_semaphore, #tpu.memory_space<semaphore_mem>>
    %dma_wait3A_544 = arith.constant 0 : i32
    %dma_wait3A_545 = tpu.memref_slice %arg4[%mul3A_2, %dma_wait3A_544] : memref<204800x128xf32, #tpu.memory_space<hbm>> -> memref<64x128xf32, #tpu.memory_space<hbm>>
    %dma_wait3A_546 = arith.constant 0 : i32
    %dma_wait3A_547 = arith.constant 0 : i32
    %dma_wait3A_548 = tpu.memref_slice %arg6[%dma_wait3A_534, %dma_wait3A_546, %dma_wait3A_547] : memref<10x64x128xf32, #tpu.memory_space<vmem>> -> memref<1x64x128xf32, #tpu.memory_space<vmem>>
    %dma_wait3A_549 = tpu.memref_squeeze %dma_wait3A_548 : memref<1x64x128xf32, #tpu.memory_space<vmem>> -> memref<64x128xf32, #tpu.memory_space<vmem>>
    tpu.wait_dma2 semaphore(%dma_wait3A_543 : memref<!tpu.dma_semaphore, #tpu.memory_space<semaphore_mem>>) src(%dma_wait3A_549 : memref<64x128xf32, #tpu.memory_space<vmem>>) dst(%dma_wait3A_545 : memref<64x128xf32, #tpu.memory_space<hbm>>)
    %dma_wait3A_550 = arith.constant 4 : i32
    %dma_wait3A_551 = arith.constant 4 : i32
    %dma_wait3A_552 = arith.constant 0 : i32
    %dma_wait3A_553 = arith.constant 0 : i32
    %dma_wait3A_554 = tpu.memref_slice %arg6[%dma_wait3A_550, %dma_wait3A_552, %dma_wait3A_553] : memref<10x64x128xf32, #tpu.memory_space<vmem>> -> memref<1x64x128xf32, #tpu.memory_space<vmem>>
    %dma_wait3A_555 = tpu.memref_squeeze %dma_wait3A_554 : memref<1x64x128xf32, #tpu.memory_space<vmem>> -> memref<64x128xf32, #tpu.memory_space<vmem>>
    %dma_wait3A_556 = arith.constant 0 : i32
    %dma_wait3A_557 = tpu.memref_slice %arg4[%mul3A_2, %dma_wait3A_556] : memref<204800x128xf32, #tpu.memory_space<hbm>> -> memref<64x128xf32, #tpu.memory_space<hbm>>
    %dma_wait3A_558 = tpu.memref_slice %arg8[%dma_wait3A_551] : memref<10x!tpu.dma_semaphore, #tpu.memory_space<semaphore_mem>> -> memref<1x!tpu.dma_semaphore, #tpu.memory_space<semaphore_mem>>
    %dma_wait3A_559 = tpu.memref_squeeze %dma_wait3A_558 : memref<1x!tpu.dma_semaphore, #tpu.memory_space<semaphore_mem>> -> memref<!tpu.dma_semaphore, #tpu.memory_space<semaphore_mem>>
    %dma_wait3A_560 = arith.constant 0 : i32
    %dma_wait3A_561 = tpu.memref_slice %arg4[%mul3A_2, %dma_wait3A_560] : memref<204800x128xf32, #tpu.memory_space<hbm>> -> memref<64x128xf32, #tpu.memory_space<hbm>>
    %dma_wait3A_562 = arith.constant 0 : i32
    %dma_wait3A_563 = arith.constant 0 : i32
    %dma_wait3A_564 = tpu.memref_slice %arg6[%dma_wait3A_550, %dma_wait3A_562, %dma_wait3A_563] : memref<10x64x128xf32, #tpu.memory_space<vmem>> -> memref<1x64x128xf32, #tpu.memory_space<vmem>>
    %dma_wait3A_565 = tpu.memref_squeeze %dma_wait3A_564 : memref<1x64x128xf32, #tpu.memory_space<vmem>> -> memref<64x128xf32, #tpu.memory_space<vmem>>
    tpu.wait_dma2 semaphore(%dma_wait3A_559 : memref<!tpu.dma_semaphore, #tpu.memory_space<semaphore_mem>>) src(%dma_wait3A_565 : memref<64x128xf32, #tpu.memory_space<vmem>>) dst(%dma_wait3A_561 : memref<64x128xf32, #tpu.memory_space<hbm>>)
    %dma_wait3A_566 = arith.constant 5 : i32
    %dma_wait3A_567 = arith.constant 5 : i32
    %dma_wait3A_568 = arith.constant 0 : i32
    %dma_wait3A_569 = arith.constant 0 : i32
    %dma_wait3A_570 = tpu.memref_slice %arg6[%dma_wait3A_566, %dma_wait3A_568, %dma_wait3A_569] : memref<10x64x128xf32, #tpu.memory_space<vmem>> -> memref<1x64x128xf32, #tpu.memory_space<vmem>>
    %dma_wait3A_571 = tpu.memref_squeeze %dma_wait3A_570 : memref<1x64x128xf32, #tpu.memory_space<vmem>> -> memref<64x128xf32, #tpu.memory_space<vmem>>
    %dma_wait3A_572 = arith.constant 0 : i32
    %dma_wait3A_573 = tpu.memref_slice %arg4[%mul3A_2, %dma_wait3A_572] : memref<204800x128xf32, #tpu.memory_space<hbm>> -> memref<64x128xf32, #tpu.memory_space<hbm>>
    %dma_wait3A_574 = tpu.memref_slice %arg8[%dma_wait3A_567] : memref<10x!tpu.dma_semaphore, #tpu.memory_space<semaphore_mem>> -> memref<1x!tpu.dma_semaphore, #tpu.memory_space<semaphore_mem>>
    %dma_wait3A_575 = tpu.memref_squeeze %dma_wait3A_574 : memref<1x!tpu.dma_semaphore, #tpu.memory_space<semaphore_mem>> -> memref<!tpu.dma_semaphore, #tpu.memory_space<semaphore_mem>>
    %dma_wait3A_576 = arith.constant 0 : i32
    %dma_wait3A_577 = tpu.memref_slice %arg4[%mul3A_2, %dma_wait3A_576] : memref<204800x128xf32, #tpu.memory_space<hbm>> -> memref<64x128xf32, #tpu.memory_space<hbm>>
    %dma_wait3A_578 = arith.constant 0 : i32
    %dma_wait3A_579 = arith.constant 0 : i32
    %dma_wait3A_580 = tpu.memref_slice %arg6[%dma_wait3A_566, %dma_wait3A_578, %dma_wait3A_579] : memref<10x64x128xf32, #tpu.memory_space<vmem>> -> memref<1x64x128xf32, #tpu.memory_space<vmem>>
    %dma_wait3A_581 = tpu.memref_squeeze %dma_wait3A_580 : memref<1x64x128xf32, #tpu.memory_space<vmem>> -> memref<64x128xf32, #tpu.memory_space<vmem>>
    tpu.wait_dma2 semaphore(%dma_wait3A_575 : memref<!tpu.dma_semaphore, #tpu.memory_space<semaphore_mem>>) src(%dma_wait3A_581 : memref<64x128xf32, #tpu.memory_space<vmem>>) dst(%dma_wait3A_577 : memref<64x128xf32, #tpu.memory_space<hbm>>)
    %dma_wait3A_582 = arith.constant 6 : i32
    %dma_wait3A_583 = arith.constant 6 : i32
    %dma_wait3A_584 = arith.constant 0 : i32
    %dma_wait3A_585 = arith.constant 0 : i32
    %dma_wait3A_586 = tpu.memref_slice %arg6[%dma_wait3A_582, %dma_wait3A_584, %dma_wait3A_585] : memref<10x64x128xf32, #tpu.memory_space<vmem>> -> memref<1x64x128xf32, #tpu.memory_space<vmem>>
    %dma_wait3A_587 = tpu.memref_squeeze %dma_wait3A_586 : memref<1x64x128xf32, #tpu.memory_space<vmem>> -> memref<64x128xf32, #tpu.memory_space<vmem>>
    %dma_wait3A_588 = arith.constant 0 : i32
    %dma_wait3A_589 = tpu.memref_slice %arg4[%mul3A_2, %dma_wait3A_588] : memref<204800x128xf32, #tpu.memory_space<hbm>> -> memref<64x128xf32, #tpu.memory_space<hbm>>
    %dma_wait3A_590 = tpu.memref_slice %arg8[%dma_wait3A_583] : memref<10x!tpu.dma_semaphore, #tpu.memory_space<semaphore_mem>> -> memref<1x!tpu.dma_semaphore, #tpu.memory_space<semaphore_mem>>
    %dma_wait3A_591 = tpu.memref_squeeze %dma_wait3A_590 : memref<1x!tpu.dma_semaphore, #tpu.memory_space<semaphore_mem>> -> memref<!tpu.dma_semaphore, #tpu.memory_space<semaphore_mem>>
    %dma_wait3A_592 = arith.constant 0 : i32
    %dma_wait3A_593 = tpu.memref_slice %arg4[%mul3A_2, %dma_wait3A_592] : memref<204800x128xf32, #tpu.memory_space<hbm>> -> memref<64x128xf32, #tpu.memory_space<hbm>>
    %dma_wait3A_594 = arith.constant 0 : i32
    %dma_wait3A_595 = arith.constant 0 : i32
    %dma_wait3A_596 = tpu.memref_slice %arg6[%dma_wait3A_582, %dma_wait3A_594, %dma_wait3A_595] : memref<10x64x128xf32, #tpu.memory_space<vmem>> -> memref<1x64x128xf32, #tpu.memory_space<vmem>>
    %dma_wait3A_597 = tpu.memref_squeeze %dma_wait3A_596 : memref<1x64x128xf32, #tpu.memory_space<vmem>> -> memref<64x128xf32, #tpu.memory_space<vmem>>
    tpu.wait_dma2 semaphore(%dma_wait3A_591 : memref<!tpu.dma_semaphore, #tpu.memory_space<semaphore_mem>>) src(%dma_wait3A_597 : memref<64x128xf32, #tpu.memory_space<vmem>>) dst(%dma_wait3A_593 : memref<64x128xf32, #tpu.memory_space<hbm>>)
    %dma_wait3A_598 = arith.constant 7 : i32
    %dma_wait3A_599 = arith.constant 7 : i32
    %dma_wait3A_600 = arith.constant 0 : i32
    %dma_wait3A_601 = arith.constant 0 : i32
    %dma_wait3A_602 = tpu.memref_slice %arg6[%dma_wait3A_598, %dma_wait3A_600, %dma_wait3A_601] : memref<10x64x128xf32, #tpu.memory_space<vmem>> -> memref<1x64x128xf32, #tpu.memory_space<vmem>>
    %dma_wait3A_603 = tpu.memref_squeeze %dma_wait3A_602 : memref<1x64x128xf32, #tpu.memory_space<vmem>> -> memref<64x128xf32, #tpu.memory_space<vmem>>
    %dma_wait3A_604 = arith.constant 0 : i32
    %dma_wait3A_605 = tpu.memref_slice %arg4[%mul3A_2, %dma_wait3A_604] : memref<204800x128xf32, #tpu.memory_space<hbm>> -> memref<64x128xf32, #tpu.memory_space<hbm>>
    %dma_wait3A_606 = tpu.memref_slice %arg8[%dma_wait3A_599] : memref<10x!tpu.dma_semaphore, #tpu.memory_space<semaphore_mem>> -> memref<1x!tpu.dma_semaphore, #tpu.memory_space<semaphore_mem>>
    %dma_wait3A_607 = tpu.memref_squeeze %dma_wait3A_606 : memref<1x!tpu.dma_semaphore, #tpu.memory_space<semaphore_mem>> -> memref<!tpu.dma_semaphore, #tpu.memory_space<semaphore_mem>>
    %dma_wait3A_608 = arith.constant 0 : i32
    %dma_wait3A_609 = tpu.memref_slice %arg4[%mul3A_2, %dma_wait3A_608] : memref<204800x128xf32, #tpu.memory_space<hbm>> -> memref<64x128xf32, #tpu.memory_space<hbm>>
    %dma_wait3A_610 = arith.constant 0 : i32
    %dma_wait3A_611 = arith.constant 0 : i32
    %dma_wait3A_612 = tpu.memref_slice %arg6[%dma_wait3A_598, %dma_wait3A_610, %dma_wait3A_611] : memref<10x64x128xf32, #tpu.memory_space<vmem>> -> memref<1x64x128xf32, #tpu.memory_space<vmem>>
    %dma_wait3A_613 = tpu.memref_squeeze %dma_wait3A_612 : memref<1x64x128xf32, #tpu.memory_space<vmem>> -> memref<64x128xf32, #tpu.memory_space<vmem>>
    tpu.wait_dma2 semaphore(%dma_wait3A_607 : memref<!tpu.dma_semaphore, #tpu.memory_space<semaphore_mem>>) src(%dma_wait3A_613 : memref<64x128xf32, #tpu.memory_space<vmem>>) dst(%dma_wait3A_609 : memref<64x128xf32, #tpu.memory_space<hbm>>)
    %dma_wait3A_614 = arith.constant 8 : i32
    %dma_wait3A_615 = arith.constant 8 : i32
    %dma_wait3A_616 = arith.constant 0 : i32
    %dma_wait3A_617 = arith.constant 0 : i32
    %dma_wait3A_618 = tpu.memref_slice %arg6[%dma_wait3A_614, %dma_wait3A_616, %dma_wait3A_617] : memref<10x64x128xf32, #tpu.memory_space<vmem>> -> memref<1x64x128xf32, #tpu.memory_space<vmem>>
    %dma_wait3A_619 = tpu.memref_squeeze %dma_wait3A_618 : memref<1x64x128xf32, #tpu.memory_space<vmem>> -> memref<64x128xf32, #tpu.memory_space<vmem>>
    %dma_wait3A_620 = arith.constant 0 : i32
    %dma_wait3A_621 = tpu.memref_slice %arg4[%mul3A_2, %dma_wait3A_620] : memref<204800x128xf32, #tpu.memory_space<hbm>> -> memref<64x128xf32, #tpu.memory_space<hbm>>
    %dma_wait3A_622 = tpu.memref_slice %arg8[%dma_wait3A_615] : memref<10x!tpu.dma_semaphore, #tpu.memory_space<semaphore_mem>> -> memref<1x!tpu.dma_semaphore, #tpu.memory_space<semaphore_mem>>
    %dma_wait3A_623 = tpu.memref_squeeze %dma_wait3A_622 : memref<1x!tpu.dma_semaphore, #tpu.memory_space<semaphore_mem>> -> memref<!tpu.dma_semaphore, #tpu.memory_space<semaphore_mem>>
    %dma_wait3A_624 = arith.constant 0 : i32
    %dma_wait3A_625 = tpu.memref_slice %arg4[%mul3A_2, %dma_wait3A_624] : memref<204800x128xf32, #tpu.memory_space<hbm>> -> memref<64x128xf32, #tpu.memory_space<hbm>>
    %dma_wait3A_626 = arith.constant 0 : i32
    %dma_wait3A_627 = arith.constant 0 : i32
    %dma_wait3A_628 = tpu.memref_slice %arg6[%dma_wait3A_614, %dma_wait3A_626, %dma_wait3A_627] : memref<10x64x128xf32, #tpu.memory_space<vmem>> -> memref<1x64x128xf32, #tpu.memory_space<vmem>>
    %dma_wait3A_629 = tpu.memref_squeeze %dma_wait3A_628 : memref<1x64x128xf32, #tpu.memory_space<vmem>> -> memref<64x128xf32, #tpu.memory_space<vmem>>
    tpu.wait_dma2 semaphore(%dma_wait3A_623 : memref<!tpu.dma_semaphore, #tpu.memory_space<semaphore_mem>>) src(%dma_wait3A_629 : memref<64x128xf32, #tpu.memory_space<vmem>>) dst(%dma_wait3A_625 : memref<64x128xf32, #tpu.memory_space<hbm>>)
    %dma_wait3A_630 = arith.constant 9 : i32
    %dma_wait3A_631 = arith.constant 9 : i32
    %dma_wait3A_632 = arith.constant 0 : i32
    %dma_wait3A_633 = arith.constant 0 : i32
    %dma_wait3A_634 = tpu.memref_slice %arg6[%dma_wait3A_630, %dma_wait3A_632, %dma_wait3A_633] : memref<10x64x128xf32, #tpu.memory_space<vmem>> -> memref<1x64x128xf32, #tpu.memory_space<vmem>>
    %dma_wait3A_635 = tpu.memref_squeeze %dma_wait3A_634 : memref<1x64x128xf32, #tpu.memory_space<vmem>> -> memref<64x128xf32, #tpu.memory_space<vmem>>
    %dma_wait3A_636 = arith.constant 0 : i32
    %dma_wait3A_637 = tpu.memref_slice %arg4[%mul3A_2, %dma_wait3A_636] : memref<204800x128xf32, #tpu.memory_space<hbm>> -> memref<64x128xf32, #tpu.memory_space<hbm>>
    %dma_wait3A_638 = tpu.memref_slice %arg8[%dma_wait3A_631] : memref<10x!tpu.dma_semaphore, #tpu.memory_space<semaphore_mem>> -> memref<1x!tpu.dma_semaphore, #tpu.memory_space<semaphore_mem>>
    %dma_wait3A_639 = tpu.memref_squeeze %dma_wait3A_638 : memref<1x!tpu.dma_semaphore, #tpu.memory_space<semaphore_mem>> -> memref<!tpu.dma_semaphore, #tpu.memory_space<semaphore_mem>>
    %dma_wait3A_640 = arith.constant 0 : i32
    %dma_wait3A_641 = tpu.memref_slice %arg4[%mul3A_2, %dma_wait3A_640] : memref<204800x128xf32, #tpu.memory_space<hbm>> -> memref<64x128xf32, #tpu.memory_space<hbm>>
    %dma_wait3A_642 = arith.constant 0 : i32
    %dma_wait3A_643 = arith.constant 0 : i32
    %dma_wait3A_644 = tpu.memref_slice %arg6[%dma_wait3A_630, %dma_wait3A_642, %dma_wait3A_643] : memref<10x64x128xf32, #tpu.memory_space<vmem>> -> memref<1x64x128xf32, #tpu.memory_space<vmem>>
    %dma_wait3A_645 = tpu.memref_squeeze %dma_wait3A_644 : memref<1x64x128xf32, #tpu.memory_space<vmem>> -> memref<64x128xf32, #tpu.memory_space<vmem>>
    tpu.wait_dma2 semaphore(%dma_wait3A_639 : memref<!tpu.dma_semaphore, #tpu.memory_space<semaphore_mem>>) src(%dma_wait3A_645 : memref<64x128xf32, #tpu.memory_space<vmem>>) dst(%dma_wait3A_641 : memref<64x128xf32, #tpu.memory_space<hbm>>)
    return
  }
}

</mosaic_0001>

<sc_bundles>
// kernel: kernel.3.cloned.1.call-start
scs
__scs_entry_jumppad:
0x0: {  	(pc) =	sbr.rel $0x88, $3  }
0x1: {  	(tag) =	ssettag $0x0;
	lr =	simm.s32 $0x1  }
0x2: {  	[smem:$0x3F9F] =	sst lr;
	_ =	strace $0xD0000000  }
0x3: {  	_ = 	snop  }
0x4: {  	_ = 	snop  }
0x5: {  	_ = 	snop  }
0x6: {  	_ = 	snop  }
0x7: {  	_ = 	snop  }
__scs_overlays_trampoline_lowered:
0x8: {  	[smem:$0x3FAE] =	sst s0  }
0x9: {  	[smem:$0x3FAF] =	sst s1  }
0xa: {  	[smem:$0x3FB0] =	sst s2  }
0xb: {  	[smem:$0x3FB1] =	sst s3  }
0xc: {  	[smem:$0x3FB2] =	sst s4  }
0xd: {  	[smem:$0x3FB3] =	sst s5  }
0xe: {  	[smem:$0x3FB4] =	sst s6  }
0xf: {  	[smem:$0x3FB5] =	sst s7  }
0x10: {  	[smem:$0x3FB6] =	sst s8  }
0x11: {  	[smem:$0x3FB7] =	sst s9;
	s0 =	simm.s32 @!p0 $0x0  }
0x12: {  	s1 =	sld [smem:$0x3F9D];
	s0 =	simm.s32 @p0 $0x1  }
0x13: {  	[smem:$0x3FB8] =	sst s0;
	s0 =	simm.s32 @!p1 $0x0  }
0x14: {  	s2 =	sld [smem:$0x3F9C];
	s0 =	simm.s32 @p1 $0x1  }
0x15: {  	[smem:$0x3FB9] =	sst s0;
	s0 =	simm.s32 @!p2 $0x0  }
0x16: {  	s3 =	sld [smem:$0x3FDB];
	s0 =	simm.s32 @p2 $0x1  }
0x17: {  	s4 =	simm.s32 $0x1BF5;
	[smem:$0x3FBB] =	sst s0  }
0x18: {  	s0 =	sld [smem:$0x3F9E];
	_ =	swait.ge [sflag:s4], $0x0  }
0x19: {  	s7 =	sld [smem:$0x3F9F]  }
0x1a: {  	s8 =	sadd.s32 $0xFFFFE003, lr  }
0x1b: {  	s9 =	sadd.s32 $0xFFFFFEF7, lr;
	s5 =	simm.s32 $0xFFFFFFFF;
	p2 =	slt.u32 s8, $0xFFFFF086  }
0x1c: {  	p1 =	slt.u32 s9, $0xF7A;
	s5 =	simm.s32 @!p2 $0x0  }
0x1d: {  	s5 =	simm.s32 @p1 $0x1;
	p0 =	seq.s32 s7, s2  }
0x1e: {  	s7 =	smul.u32 @!p0 $0xF7A, s2;
	p2 =	seq.s32 @!p0 s5, $0x0  }
0x1f: {  	s9 =	smul.u32 $0xF7A, s1;
	s8 =	simm.s32 @!p0 $0x1BF5;
	p2 =	por !p2, p0  }
0x20: {  	[sflag:s8] =	ssyncset.s32 @!p0 $0xFFFFF086;
	s6 =	sadd.s32 @!p0 s3, s7;
	s7 =	simm.s32 @!p0 $0x108  }
0x21: {  	s3 =	sadd.s32 s3, s9;
	s6 =	sadd.s32 @!p0 $0x88, s6;
	s7 =	simm.s32 @p2 $0x1082  }
0x22: {  	[simem:s7], [sflag:s8] =	dma.local @!p0 [hbm:s6], $0xF7A  }
0x23: {  	s9 =	sor.u32 $0xD0000000, s2;
	s6 =	simm.s32 $0x108;
	_ =	swait.ge @!p0 [sflag:s8], $0x0  }
0x24: {  	s3 =	sadd.s32 $0x88, s3;
	s6 =	simm.s32 @!p1 $0x1082;
	[sflag:s4] =	ssyncset.s32 $0xFFFFF086  }
0x25: {  	[simem:s6], [sflag:s4] =	dma.local [hbm:s3], $0xF7A  }
0x26: {  	[smem:$0x3F9F] =	sst s1;
	(tag) =	ssettag s2;
	_ =	strace s9  }
0x27: {  	s1 =	sld [smem:$0x3FAF]  }
0x28: {  	s2 =	sld [smem:$0x3FB0]  }
0x29: {  	s4 =	sld [smem:$0x3FB2]  }
0x2a: {  	p0 =	seq.s32 s5, $0x0;
	s5 =	sld [smem:$0x3FB3]  }
0x2b: {  	s6 =	sld [smem:$0x3FB4]  }
0x2c: {  	s7 =	sld [smem:$0x3FB5]  }
0x2d: {  	s3 =	simm.s32 $0x108;
	s8 =	sld [smem:$0x3FB6]  }
0x2e: {  	s3 =	simm.s32 @!p0 $0x1082;
	s9 =	sld [smem:$0x3FB7]  }
0x2f: {  	lr =	sadd.s32 s0, s3;
	s0 =	sld [smem:$0x3FAE]  }
0x30: {  	s3 =	sld [smem:$0x3FB1]  }
0x31: {  	[smem:$0x3FBA] =	sst s10  }
0x32: {  	s10 =	sld [smem:$0x3FB8];
	_ =	sdelay $0x3  }
0x33: {  	p0 =	seq.s32 s10, $0x1;
	s10 =	sld [smem:$0x3FBA];
	_ =	sdelay $0x3  }
0x34: {  	[smem:$0x3FBA] =	sst s10  }
0x35: {  	s10 =	sld [smem:$0x3FB9];
	_ =	sdelay $0x3  }
0x36: {  	p1 =	seq.s32 s10, $0x1;
	s10 =	sld [smem:$0x3FBA];
	_ =	sdelay $0x3  }
0x37: {  	[smem:$0x3FBA] =	sst s10  }
0x38: {  	s10 =	sld [smem:$0x3FBB]  }
0x39: {  	_ = 	snop;
	(pc) =	sbr.ind lr, $3  }
0x3a: {  	_ = 	snop  }
0x3b: {  	_ = 	snop  }
0x3c: {  	p2 =	seq.s32 s10, $0x1;
	s10 =	sld [smem:$0x3FBA]  }
0x3d: {  	_ =	shalt  }
0x3e: {  	_ =	shalt  }
0x3f: {  	_ =	shalt  }
0x40: {  	_ =	shalt  }
0x41: {  	_ =	shalt  }
0x42: {  	_ =	shalt  }
0x43: {  	_ =	shalt  }
0x44: {  	_ =	shalt  }
0x45: {  	_ =	shalt  }
0x46: {  	_ =	shalt  }
0x47: {  	_ =	shalt  }
0x48: {  	_ =	shalt  }
0x49: {  	_ =	shalt  }
0x4a: {  	_ =	shalt  }
0x4b: {  	_ =	shalt  }
0x4c: {  	_ =	shalt  }
0x4d: {  	_ =	shalt  }
0x4e: {  	_ =	shalt  }
0x4f: {  	_ =	shalt  }
0x50: {  	_ =	shalt  }
0x51: {  	_ =	shalt  }
0x52: {  	_ =	shalt  }
0x53: {  	_ =	shalt  }
0x54: {  	_ =	shalt  }
0x55: {  	_ =	shalt  }
0x56: {  	_ =	shalt  }
0x57: {  	_ =	shalt  }
0x58: {  	_ =	shalt  }
0x59: {  	_ =	shalt  }
0x5a: {  	_ =	shalt  }
0x5b: {  	_ =	shalt  }
0x5c: {  	_ =	shalt  }
0x5d: {  	_ =	shalt  }
0x5e: {  	_ =	shalt  }
0x5f: {  	_ =	shalt  }
0x60: {  	_ =	shalt  }
0x61: {  	_ =	shalt  }
0x62: {  	_ =	shalt  }
0x63: {  	_ =	shalt  }
0x64: {  	_ =	shalt  }
0x65: {  	_ =	shalt  }
0x66: {  	_ =	shalt  }
0x67: {  	_ =	shalt  }
0x68: {  	_ =	shalt  }
0x69: {  	_ =	shalt  }
0x6a: {  	_ =	shalt  }
0x6b: {  	_ =	shalt  }
0x6c: {  	_ =	shalt  }
0x6d: {  	_ =	shalt  }
0x6e: {  	_ =	shalt  }
0x6f: {  	_ =	shalt  }
0x70: {  	_ =	shalt  }
0x71: {  	_ =	shalt  }
0x72: {  	_ =	shalt  }
0x73: {  	_ =	shalt  }
0x74: {  	_ =	shalt  }
0x75: {  	_ =	shalt  }
0x76: {  	_ =	shalt  }
0x77: {  	_ =	shalt  }
0x78: {  	_ =	shalt  }
0x79: {  	_ =	shalt  }
0x7a: {  	_ =	shalt  }
0x7b: {  	_ =	shalt  }
0x7c: {  	_ =	shalt  }
0x7d: {  	_ =	shalt  }
0x7e: {  	_ =	shalt  }
0x7f: {  	_ =	shalt  }
0x80: {  	_ =	shalt  }
0x81: {  	_ =	shalt  }
0x82: {  	_ =	shalt  }
0x83: {  	_ =	shalt  }
0x84: {  	_ =	shalt  }
0x85: {  	_ =	shalt  }
0x86: {  	_ =	shalt  }
0x87: {  	_ =	shalt  }
.Lfunc_end0:
.L_simem_size_0:
called_computation_lowered:
.L_overlay_start_0:
0x88: {  	s2 =	sld [smem:$0x3FD9]  }
0x89: {  	s3 =	sld [smem:$0x3FFE];
	_ =	sdelay $0x1  }
0x8a: {  	s1 =	srdreg.scid  }
0x8b: {  	s0 =	sand.u32 $0x1, s1  }
0x8c: {  	s17 =	sshll.u32 s0, $0xA;
	s2 =	sadd.s32 s3, s2  }
0x8d: {  	s2 =	sadd.s32 s2, s17  }
0x8e: {  	[smem:$0x3FC6] =	sst s2  }
0x8f: {  	_ = 	snop  }
0x90: {  	s2 =	sld [smem:$0x3FC8]  }
0x91: {  	s18 =	sld [smem:$0x3FD0];
	(tm) =	ssettm $0x1  }
0x92: {  	s4 =	sld [smem:$0x3FFB];
	_ =	sdelay $0x3  }
0x93: {  	_ =	strace s4  }
0x94: {  	s4 =	sld [smem:$0x3FFC];
	_ =	sdelay $0x3  }
0x95: {  	_ =	strace s4  }
0x96: {  	s4 =	sld [smem:$0x3FFD];
	_ =	sdelay $0x3  }
0x97: {  	_ =	strace s4  }
0x98: {  	_ =	strace $0x8FFFFFFF  }
0x99: {  	s19 =	sld [smem:$0x3FDB];
	_ =	sdelay $0x1  }
0x9a: {  	s5 =	simm.s32 $_scs_section_size  }
0x9b: {  	s6 =	simm.s32 $_size__tile_overlayer_lowered;
	s7 =	simm.s32 $_tile_overlayer_lowered  }
0x9c: {  	s22 =	simm.s32 $0x1BFF;
	s21 =	sshll.u32 s7, $0x1;
	s4 =	sadd.s32 s5, s19  }
0x9d: {  	s8 =	simm.s32 $0x0;
	s20 =	sshll.u32 s6, $0x1;
	s6 =	sadd.s32 s21, s4  }
0x9e: {  	[timem:s8], [sflag:s22] =	dma.local [hbm:s6], s20  }
0x9f: {  	_ =	swait.ge [sflag:s22], s20  }
0xa0: {  	s5 =	ssub.s32 $0x0, s20;
	[sflag:s22] =	ssyncset.done $0x0  }
0xa1: {  	[sflag:s22] =	ssyncadd.s32 s5;
	_ =	sdelay $0x1  }
0xa2: {  	s23 =	simm.s32 $0x1B8B  }
0xa3: {  	_ =	swait.ge [sflag:s23], $0x1  }
0xa4: {  	[sflag:s23] =	ssyncset.done $0x0  }
0xa5: {  	s25 =	simm.s32 $0x1B8E;
	s24 =	sld [smem:$0x3FFE];
	[sflag:s23] =	ssyncadd.s32 $0xFFFFFFFF  }
0xa6: {  	s26 =	simm.s32 $execute0_lowered;
	[smem:$0x3FD2] =	sst s25  }
0xa7: {  	s6 =	sshll.u32 s26, $0x1;
	_ =	strace $0x80000046;
	[dreg:$0x1] =	wrdreg $0xFFFFFFFF  }
0xa8: {  	s28 =	simm.s32 $_size_execute0_lowered;
	s4 =	sadd.s32 s4, s6;
	[dreg:$0x0] =	wrdreg $0x0  }
0xa9: {  	s6 =	sshll.u32 s28, $0x1;
	[dreg:$0x2] =	wrdreg s4  }
0xaa: {  	[dreg:$0x3] =	wrdreg s6  }
0xab: {  	[dreg:$0x4] =	wrdreg $0xC0  }
0xac: {  	_ =	task [dreg:s8], $0x5FFFF  }
0xad: {  	[dreg:$0x1] =	wrdreg $0xFFFFFFFF  }
0xae: {  	[dreg:$0x0] =	wrdreg $0x60  }
0xaf: {  	[dreg:$0x2] =	wrdreg s2  }
0xb0: {  	[dreg:$0x3] =	wrdreg s24  }
0xb1: {  	[dreg:$0x4] =	wrdreg s18  }
0xb2: {  	[dreg:$0x5] =	wrdreg $0x9  }
0xb3: {  	_ =	task.clear_ibuf [dreg:s8], $0x6FFFF;
	_ =	strace $0x90000046  }
0xb4: {  	s29 =	simm.s32 $0x9;
	_ =	strace $0x80000048  }
0xb5: {  	_ =	swait.ge [sflag:s29], $0x1  }
0xb6: {  	[sflag:s29] =	ssyncadd.s32 $0xFFFFFFFF  }
0xb7: {  	_ =	strace $0x90000048  }
0xb8: {  	_ =	sfence  }
0xb9: {  	s30 =	sld [smem:$0x0];
	_ =	sdelay $0x2  }
0xba: {  	s31 =	sshll.u32 s1, $0xD;
	s1 =	sshrl.u32 s1, $0x2  }
0xbb: {  	s3 =	sand.u32 $0x4000, s31;
	s1 =	sadd.s32 s1, s30  }
0xbc: {  	s0 =	sor.u32 s3, s0;
	s1 =	sshll.u32 s1, $0x11  }
0xbd: {  	s0 =	sor.u32 s1, s0  }
0xbe: {  	s0 =	sadd.s32 $0x8F2B, s0  }
0xbf: {  	[sflag:s0] =	ssyncadd.remote.s32 $0x1  }
0xc0: {  	_ =	sfence.sel $0xFFFF  }
0xc1: {  	[dreg:$0x0] =	wrdreg $0xFFFFFFFF;
	(pc) =	sbr.abs _section_cstart, $3  }
0xc2: {  	[dreg:$0x1] =	wrdreg $0xFFFFFFFF  }
0xc3: {  	_ =	task.clear_ibuf [dreg:s8], $0x2FFFF;
	_ =	strace $0x9FFFFFFF  }
0xc4: {  	(tm) =	ssettm $0x7FFFFFFF  }
0xc5: {  	_ =	shalt  }
tec
execute0_lowered:
.L_overlay_start_1:
0x0: {  	(tag) =	ssettag $0x1  }
0x1: {  	s1 =	rddreg [dreg:$0x0]  }
0x2: {  	s0 =	srdreg.scid;
	s2 =	rddreg [dreg:$0x1]  }
0x3: {  	s8 =	stileid.u32;
	s4 =	rddreg [dreg:$0x2]  }
0x4: {  	s9 =	simm.s32 $0xA;
	s0 =	sand.u32 $0x1, s0;
	s3 =	sshll.u32 s8, $0x1  }
0x5: {  	s10 =	simm.s32 $0xB;
	s11 =	simm.s32 $0xC;
	s5 =	sor.u32 s0, s3  }
0x6: {  	s12 =	simm.s32 $0xD;
	s13 =	simm.s32 $0xE;
	s6 =	smul.u32 $0xC8000, s5  }
0x7: {  	s14 =	simm.s32 $0xF;
	s3 =	simm.s32 $0x0;
	s5 =	smul.u32 $0x680, s5  }
0x8: {  	s15 =	simm.s32 $0x10;
	s7 =	ssub.s32 $0x2, s0;
	[smem:$0x7FF] =	sst s3  }
0x9: {  	s18 =	sshrl.u32 s7, $0x1;
	_ =	strace $0x80000047;
	s2 =	sadd.s32 s5, s2  }
0xa: {  	s6 =	sshrl.u32 s6, $0x3;
	s5 =	ssub.s32 s7, s18;
	s2 =	sadd.s32 $0x400, s2  }
0xb: {  	s6 =	sadd.s32 s4, s6;
	s31 =	smax.u32 s5, $0x1;
	[dreg:$0x4] =	wrdreg s2  }
0xc: {  	s17 =	simm.s32 $0x11;
	s19 =	sadd.s32 $0x16800, s6;
	[dreg:$0xf] =	wrdreg s31  }
0xd: {  	s16 =	simm.s32 $0x12;
	s20 =	sadd.s32 $0x16C00, s6;
	[dreg:$0x5] =	wrdreg s19  }
0xe: {  	s22 =	smul.u32 $0x32000, s8;
	s21 =	sadd.s32 $0x17000, s6;
	[dreg:$0x6] =	wrdreg s20  }
0xf: {  	s8 =	simm.s32 $0x9;
	s23 =	sadd.s32 $0x17400, s6;
	[dreg:$0x7] =	wrdreg s21  }
0x10: {  	s0 =	smul.u32 $0x19000, s0;
	s24 =	sadd.s32 $0x17800, s6;
	[dreg:$0x8] =	wrdreg s23  }
0x11: {  	s18 =	simm.s32 $0x40;
	s25 =	sadd.s32 $0x17C00, s6;
	[dreg:$0x9] =	wrdreg s24  }
0x12: {  	s7 =	simm.s32 $0x8;
	s26 =	sadd.s32 $0x18000, s6;
	[dreg:$0xa] =	wrdreg s25  }
0x13: {  	s2 =	sadd.s32 s22, s4;
	s28 =	sadd.s32 $0x18400, s6;
	[dreg:$0xb] =	wrdreg s26  }
0x14: {  	s29 =	sadd.s32 $0x18800, s6;
	s30 =	sadd.s32 $0x18C00, s6;
	[dreg:$0xc] =	wrdreg s28  }
0x15: {  	s6 =	simm.s32 $0x7;
	[dreg:$0xd] =	wrdreg s29;
	s0 =	sadd.s32 s0, s2  }
0x16: {  	[dreg:$0xe] =	wrdreg s30;
	s19 =	simm.s32 $0x13;
	s0 =	sadd.s32 $0x2400, s0  }
0x17: {  	s21 =	simm.s32 $0x14;
	[dreg:$0x10] =	wrdreg s0;
	s0 =	simm.s32 $0x0  }
.LBB2_1:
0x18: {  	[dreg:$0x11] =	wrdreg s0  }
0x19: {  	s23 =	rddreg [dreg:$0x4];
	s26 =	simm.s32 $0x15  }
0x1a: {  	[tilespmem:s3], [sflag:$0x15] =	stream.linear.gather [hbm4b:s23+s3], $0x3200, $0x38;
	[tilespmem:$0x17400] =	vst v63  }
0x1b: {  	_ =	swait.ge [sflag:s26], $0x3200  }
0x1c: {  	[sflag:s26] =	ssyncset.done $0x0  }
0x1d: {  	s2 =	simm.s32 $0x3400;
	[sflag:s26] =	ssyncadd.s32 $0xFFFFCE00  }
0x1e: {  	[tilespmem:s2], [sflag:$0x1] =	stream.indirect.gather [hbm4b:s1+s18], $0x80, s3, s18, $0xb8;
	[tilespmem:$0x17400] =	vst v63  }
0x1f: {  	s20 =	simm.s32 $0x80;
	s24 =	simm.s32 $0x5400  }
0x20: {  	[tilespmem:s24], [sflag:$0x2] =	stream.indirect.gather [hbm4b:s1+s18], $0x80, s20, s18, $0xb8;
	[tilespmem:$0x17400] =	vst v63  }
0x21: {  	s29 =	simm.s32 $0x100;
	s28 =	simm.s32 $0x7400  }
0x22: {  	[tilespmem:s28], [sflag:$0x3] =	stream.indirect.gather [hbm4b:s1+s18], $0x80, s29, s18, $0xb8;
	[tilespmem:$0x17400] =	vst v63  }
0x23: {  	s30 =	simm.s32 $0x180;
	s29 =	simm.s32 $0x9400  }
0x24: {  	[tilespmem:s29], [sflag:$0x4] =	stream.indirect.gather [hbm4b:s1+s18], $0x80, s30, s18, $0xb8;
	[tilespmem:$0x17400] =	vst v63  }
0x25: {  	s31 =	simm.s32 $0x200;
	s0 =	simm.s32 $0xB400  }
0x26: {  	[tilespmem:s0], [sflag:$0x5] =	stream.indirect.gather [hbm4b:s1+s18], $0x80, s31, s18, $0xb8;
	[tilespmem:$0x17400] =	vst v63  }
0x27: {  	s4 =	simm.s32 $0x280;
	s22 =	simm.s32 $0xD400  }
0x28: {  	[tilespmem:s22], [sflag:$0x6] =	stream.indirect.gather [hbm4b:s1+s18], $0x80, s4, s18, $0xb8;
	[tilespmem:$0x17400] =	vst v63  }
0x29: {  	s5 =	simm.s32 $0x300;
	s26 =	simm.s32 $0xF400  }
0x2a: {  	[tilespmem:s26], [sflag:$0x7] =	stream.indirect.gather [hbm4b:s1+s18], $0x80, s5, s18, $0xb8;
	[tilespmem:$0x17400] =	vst v63  }
0x2b: {  	s23 =	simm.s32 $0x380;
	s30 =	simm.s32 $0x11400  }
0x2c: {  	[tilespmem:s30], [sflag:$0x8] =	stream.indirect.gather [hbm4b:s1+s18], $0x80, s23, s18, $0xb8;
	[tilespmem:$0x17400] =	vst v63  }
0x2d: {  	s20 =	simm.s32 $0x13400;
	s4 =	simm.s32 $0x400  }
0x2e: {  	[tilespmem:s20], [sflag:$0x9] =	stream.indirect.gather [hbm4b:s1+s18], $0x80, s4, s18, $0xb8;
	[tilespmem:$0x17400] =	vst v63  }
0x2f: {  	s25 =	simm.s32 $0x480;
	s31 =	simm.s32 $0x1;
	s5 =	simm.s32 $0x15400  }
0x30: {  	[tilespmem:s5], [sflag:$0xA] =	stream.indirect.gather [hbm4b:s1+s18], $0x80, s25, s18, $0xb8;
	[tilespmem:$0x17400] =	vst v63  }
0x31: {  	_ =	swait.ge [sflag:s31], $0x2000  }
0x32: {  	[sflag:s31] =	ssyncset.done $0x0;
	s25 =	rddreg [dreg:$0x10]  }
0x33: {  	[sflag:s31] =	ssyncadd.s32 $0xFFFFE000;
	s4 =	sadd.s32 $0xFFFFDC00, s25;
	s31 =	simm.s32 $0x2  }
0x34: {  	[hbm4b:s4+s3] =	stream.linear.scatter [tilespmem:s2], [sflag:$0xB], $0x2000, $0x38;
	[tilespmem:$0x17400] =	vst v63  }
0x35: {  	_ =	swait.ge [sflag:s31], $0x2000  }
0x36: {  	[sflag:s31] =	ssyncset.done $0x0  }
0x37: {  	s4 =	sadd.s32 $0xFFFFE000, s25;
	[sflag:s31] =	ssyncadd.s32 $0xFFFFE000;
	s31 =	simm.s32 $0x3  }
0x38: {  	[hbm4b:s4+s3] =	stream.linear.scatter [tilespmem:s24], [sflag:$0xC], $0x2000, $0x38;
	[tilespmem:$0x17400] =	vst v63  }
0x39: {  	_ =	swait.ge [sflag:s31], $0x2000  }
0x3a: {  	[sflag:s31] =	ssyncset.done $0x0  }
0x3b: {  	s4 =	sadd.s32 $0xFFFFE400, s25;
	[sflag:s31] =	ssyncadd.s32 $0xFFFFE000;
	s31 =	simm.s32 $0x4  }
0x3c: {  	[hbm4b:s4+s3] =	stream.linear.scatter [tilespmem:s28], [sflag:$0xD], $0x2000, $0x38;
	[tilespmem:$0x17400] =	vst v63  }
0x3d: {  	_ =	swait.ge [sflag:s31], $0x2000  }
0x3e: {  	[sflag:s31] =	ssyncset.done $0x0  }
0x3f: {  	s4 =	sadd.s32 $0xFFFFE800, s25;
	[sflag:s31] =	ssyncadd.s32 $0xFFFFE000;
	s31 =	simm.s32 $0x5  }
0x40: {  	[hbm4b:s4+s3] =	stream.linear.scatter [tilespmem:s29], [sflag:$0xE], $0x2000, $0x38;
	[tilespmem:$0x17400] =	vst v63  }
0x41: {  	_ =	swait.ge [sflag:s31], $0x2000  }
0x42: {  	[sflag:s31] =	ssyncset.done $0x0  }
0x43: {  	s4 =	sadd.s32 $0xFFFFEC00, s25;
	[sflag:s31] =	ssyncadd.s32 $0xFFFFE000;
	s31 =	simm.s32 $0x6  }
0x44: {  	[hbm4b:s4+s3] =	stream.linear.scatter [tilespmem:s0], [sflag:$0xF], $0x2000, $0x38;
	[tilespmem:$0x17400] =	vst v63  }
0x45: {  	_ =	swait.ge [sflag:s31], $0x2000  }
0x46: {  	[sflag:s31] =	ssyncset.done $0x0  }
0x47: {  	s4 =	sadd.s32 $0xFFFFF000, s25;
	[sflag:s31] =	ssyncadd.s32 $0xFFFFE000  }
0x48: {  	[hbm4b:s4+s3] =	stream.linear.scatter [tilespmem:s22], [sflag:$0x10], $0x2000, $0x38;
	[tilespmem:$0x17400] =	vst v63  }
0x49: {  	_ =	swait.ge [sflag:s6], $0x2000  }
0x4a: {  	[sflag:s6] =	ssyncset.done $0x0  }
0x4b: {  	s31 =	sadd.s32 $0xFFFFF400, s25;
	[sflag:s6] =	ssyncadd.s32 $0xFFFFE000  }
0x4c: {  	[hbm4b:s31+s3] =	stream.linear.scatter [tilespmem:s26], [sflag:$0x11], $0x2000, $0x38;
	[tilespmem:$0x17400] =	vst v63  }
0x4d: {  	_ =	swait.ge [sflag:s7], $0x2000  }
0x4e: {  	[sflag:s7] =	ssyncset.done $0x0  }
0x4f: {  	s4 =	sadd.s32 $0xFFFFF800, s25;
	[sflag:s7] =	ssyncadd.s32 $0xFFFFE000  }
0x50: {  	[hbm4b:s4+s3] =	stream.linear.scatter [tilespmem:s30], [sflag:$0x12], $0x2000, $0x38;
	[tilespmem:$0x17400] =	vst v63  }
0x51: {  	_ =	swait.ge [sflag:s8], $0x2000  }
0x52: {  	[sflag:s8] =	ssyncset.done $0x0  }
0x53: {  	s31 =	sadd.s32 $0xFFFFFC00, s25;
	[sflag:s8] =	ssyncadd.s32 $0xFFFFE000  }
0x54: {  	[hbm4b:s31+s3] =	stream.linear.scatter [tilespmem:s20], [sflag:$0x13], $0x2000, $0x38;
	[tilespmem:$0x17400] =	vst v63  }
0x55: {  	_ =	swait.ge [sflag:s9], $0x2000  }
0x56: {  	[sflag:s9] =	ssyncset.done $0x0  }
0x57: {  	[sflag:s9] =	ssyncadd.s32 $0xFFFFE000  }
0x58: {  	[hbm4b:s25+s3] =	stream.linear.scatter [tilespmem:s5], [sflag:$0x14], $0x2000, $0x38;
	[tilespmem:$0x17400] =	vst v63  }
0x59: {  	_ =	swait.ge [sflag:s10], $0x2000  }
0x5a: {  	[sflag:s10] =	ssyncset.done $0x0  }
0x5b: {  	s4 =	simm.s32 $0x500;
	[sflag:s10] =	ssyncadd.s32 $0xFFFFE000  }
0x5c: {  	[tilespmem:s2], [sflag:$0x1] =	stream.indirect.gather [hbm4b:s1+s18], $0x80, s4, s18, $0xb8;
	[tilespmem:$0x17400] =	vst v63  }
0x5d: {  	_ =	swait.ge [sflag:s11], $0x2000  }
0x5e: {  	[sflag:s11] =	ssyncset.done $0x0  }
0x5f: {  	s5 =	simm.s32 $0x580;
	[sflag:s11] =	ssyncadd.s32 $0xFFFFE000  }
0x60: {  	[tilespmem:s24], [sflag:$0x2] =	stream.indirect.gather [hbm4b:s1+s18], $0x80, s5, s18, $0xb8;
	[tilespmem:$0x17400] =	vst v63  }
0x61: {  	_ =	swait.ge [sflag:s12], $0x2000  }
0x62: {  	[sflag:s12] =	ssyncset.done $0x0  }
0x63: {  	s31 =	simm.s32 $0x600;
	[sflag:s12] =	ssyncadd.s32 $0xFFFFE000  }
0x64: {  	[tilespmem:s28], [sflag:$0x3] =	stream.indirect.gather [hbm4b:s1+s18], $0x80, s31, s18, $0xb8;
	[tilespmem:$0x17400] =	vst v63  }
0x65: {  	_ =	swait.ge [sflag:s13], $0x2000  }
0x66: {  	[sflag:s13] =	ssyncset.done $0x0  }
0x67: {  	s2 =	simm.s32 $0x680;
	[sflag:s13] =	ssyncadd.s32 $0xFFFFE000  }
0x68: {  	[tilespmem:s29], [sflag:$0x4] =	stream.indirect.gather [hbm4b:s1+s18], $0x80, s2, s18, $0xb8;
	[tilespmem:$0x17400] =	vst v63  }
0x69: {  	_ =	swait.ge [sflag:s14], $0x2000  }
0x6a: {  	[sflag:s14] =	ssyncset.done $0x0  }
0x6b: {  	s4 =	simm.s32 $0x700;
	[sflag:s14] =	ssyncadd.s32 $0xFFFFE000  }
0x6c: {  	[tilespmem:s0], [sflag:$0x5] =	stream.indirect.gather [hbm4b:s1+s18], $0x80, s4, s18, $0xb8;
	[tilespmem:$0x17400] =	vst v63  }
0x6d: {  	_ =	swait.ge [sflag:s15], $0x2000  }
0x6e: {  	[sflag:s15] =	ssyncset.done $0x0  }
0x6f: {  	s5 =	simm.s32 $0x780;
	[sflag:s15] =	ssyncadd.s32 $0xFFFFE000  }
0x70: {  	[tilespmem:s22], [sflag:$0x6] =	stream.indirect.gather [hbm4b:s1+s18], $0x80, s5, s18, $0xb8;
	[tilespmem:$0x17400] =	vst v63  }
0x71: {  	_ =	swait.ge [sflag:s17], $0x2000  }
0x72: {  	[sflag:s17] =	ssyncset.done $0x0  }
0x73: {  	s24 =	simm.s32 $0x800;
	[sflag:s17] =	ssyncadd.s32 $0xFFFFE000  }
0x74: {  	[tilespmem:s26], [sflag:$0x7] =	stream.indirect.gather [hbm4b:s1+s18], $0x80, s24, s18, $0xb8;
	[tilespmem:$0x17400] =	vst v63  }
0x75: {  	_ =	swait.ge [sflag:s16], $0x2000  }
0x76: {  	[sflag:s16] =	ssyncset.done $0x0  }
0x77: {  	s29 =	simm.s32 $0x880;
	[sflag:s16] =	ssyncadd.s32 $0xFFFFE000  }
0x78: {  	[tilespmem:s30], [sflag:$0x8] =	stream.indirect.gather [hbm4b:s1+s18], $0x80, s29, s18, $0xb8;
	[tilespmem:$0x17400] =	vst v63  }
0x79: {  	_ =	swait.ge [sflag:s19], $0x2000  }
0x7a: {  	[sflag:s19] =	ssyncset.done $0x0  }
0x7b: {  	s31 =	simm.s32 $0x900;
	[sflag:s19] =	ssyncadd.s32 $0xFFFFE000  }
0x7c: {  	[tilespmem:s20], [sflag:$0x9] =	stream.indirect.gather [hbm4b:s1+s18], $0x80, s31, s18, $0xb8;
	[tilespmem:$0x17400] =	vst v63  }
0x7d: {  	_ =	swait.ge [sflag:s21], $0x2000  }
0x7e: {  	s23 =	simm.s32 $0x1400;
	[sflag:s21] =	ssyncset.done $0x0  }
0x7f: {  	s25 =	sadd.s32 $0x2800, s25;
	s28 =	simm.s32 $0x980;
	[sflag:s21] =	ssyncadd.s32 $0xFFFFE000  }
.LBB2_2:
0x80: {  	s20 =	simm.s32 $0x15400  }
0x81: {  	[tilespmem:s20], [sflag:$0xA] =	stream.indirect.gather [hbm4b:s1+s18], $0x80, s28, s18, $0xb8;
	[tilespmem:$0x17400] =	vst v63  }
0x82: {  	s0 =	simm.s32 $0x1;
	s28 =	smov.u32 s23  }
0x83: {  	p0 =	sne.s32 s23, $0xA000;
	s23 =	sadd.s32 $0x1400, s23;
	_ =	swait.ge [sflag:s0], $0x2000  }
0x84: {  	s30 =	sadd.s32 $0xFFFFDC00, s25;
	[sflag:s0] =	ssyncset.done $0x0  }
0x85: {  	s2 =	simm.s32 $0x3400;
	[sflag:s0] =	ssyncadd.s32 $0xFFFFE000;
	s0 =	simm.s32 $0x2  }
0x86: {  	[hbm4b:s30+s3] =	stream.linear.scatter [tilespmem:s2], [sflag:$0xB], $0x2000, $0x38;
	[tilespmem:$0x17400] =	vst v63  }
0x87: {  	_ =	swait.ge [sflag:s0], $0x2000  }
0x88: {  	s24 =	simm.s32 $0x5400;
	[sflag:s0] =	ssyncset.done $0x0  }
0x89: {  	s30 =	sadd.s32 $0xFFFFE000, s25;
	[sflag:s0] =	ssyncadd.s32 $0xFFFFE000;
	s0 =	simm.s32 $0x3  }
0x8a: {  	[hbm4b:s30+s3] =	stream.linear.scatter [tilespmem:s24], [sflag:$0xC], $0x2000, $0x38;
	[tilespmem:$0x17400] =	vst v63  }
0x8b: {  	_ =	swait.ge [sflag:s0], $0x2000  }
0x8c: {  	s29 =	simm.s32 $0x7400;
	[sflag:s0] =	ssyncset.done $0x0  }
0x8d: {  	s30 =	sadd.s32 $0xFFFFE400, s25;
	[sflag:s0] =	ssyncadd.s32 $0xFFFFE000;
	s0 =	simm.s32 $0x4  }
0x8e: {  	[hbm4b:s30+s3] =	stream.linear.scatter [tilespmem:s29], [sflag:$0xD], $0x2000, $0x38;
	[tilespmem:$0x17400] =	vst v63  }
0x8f: {  	_ =	swait.ge [sflag:s0], $0x2000  }
0x90: {  	s31 =	simm.s32 $0x9400;
	[sflag:s0] =	ssyncset.done $0x0  }
0x91: {  	s30 =	sadd.s32 $0xFFFFE800, s25;
	[sflag:s0] =	ssyncadd.s32 $0xFFFFE000;
	s0 =	simm.s32 $0x5  }
0x92: {  	[hbm4b:s30+s3] =	stream.linear.scatter [tilespmem:s31], [sflag:$0xE], $0x2000, $0x38;
	[tilespmem:$0x17400] =	vst v63  }
0x93: {  	_ =	swait.ge [sflag:s0], $0x2000  }
0x94: {  	s4 =	simm.s32 $0x6;
	[sflag:s0] =	ssyncset.done $0x0  }
0x95: {  	s30 =	sadd.s32 $0xFFFFEC00, s25;
	[sflag:s0] =	ssyncadd.s32 $0xFFFFE000;
	s0 =	simm.s32 $0xB400  }
0x96: {  	[hbm4b:s30+s3] =	stream.linear.scatter [tilespmem:s0], [sflag:$0xF], $0x2000, $0x38;
	[tilespmem:$0x17400] =	vst v63  }
0x97: {  	_ =	swait.ge [sflag:s4], $0x2000  }
0x98: {  	[sflag:s4] =	ssyncset.done $0x0  }
0x99: {  	s22 =	simm.s32 $0xD400;
	s30 =	sadd.s32 $0xFFFFF000, s25;
	[sflag:s4] =	ssyncadd.s32 $0xFFFFE000  }
0x9a: {  	[hbm4b:s30+s3] =	stream.linear.scatter [tilespmem:s22], [sflag:$0x10], $0x2000, $0x38;
	[tilespmem:$0x17400] =	vst v63  }
0x9b: {  	_ =	swait.ge [sflag:s6], $0x2000  }
0x9c: {  	[sflag:s6] =	ssyncset.done $0x0  }
0x9d: {  	s26 =	simm.s32 $0xF400;
	s30 =	sadd.s32 $0xFFFFF400, s25;
	[sflag:s6] =	ssyncadd.s32 $0xFFFFE000  }
0x9e: {  	[hbm4b:s30+s3] =	stream.linear.scatter [tilespmem:s26], [sflag:$0x11], $0x2000, $0x38;
	[tilespmem:$0x17400] =	vst v63  }
0x9f: {  	_ =	swait.ge [sflag:s7], $0x2000  }
0xa0: {  	[sflag:s7] =	ssyncset.done $0x0  }
0xa1: {  	s4 =	simm.s32 $0x11400;
	s30 =	sadd.s32 $0xFFFFF800, s25;
	[sflag:s7] =	ssyncadd.s32 $0xFFFFE000  }
0xa2: {  	[hbm4b:s30+s3] =	stream.linear.scatter [tilespmem:s4], [sflag:$0x12], $0x2000, $0x38;
	[tilespmem:$0x17400] =	vst v63  }
0xa3: {  	_ =	swait.ge [sflag:s8], $0x2000  }
0xa4: {  	[sflag:s8] =	ssyncset.done $0x0  }
0xa5: {  	s5 =	simm.s32 $0x13400;
	s30 =	sadd.s32 $0xFFFFFC00, s25;
	[sflag:s8] =	ssyncadd.s32 $0xFFFFE000  }
0xa6: {  	[hbm4b:s30+s3] =	stream.linear.scatter [tilespmem:s5], [sflag:$0x13], $0x2000, $0x38;
	[tilespmem:$0x17400] =	vst v63  }
0xa7: {  	_ =	swait.ge [sflag:s9], $0x2000  }
0xa8: {  	[sflag:s9] =	ssyncset.done $0x0  }
0xa9: {  	[sflag:s9] =	ssyncadd.s32 $0xFFFFE000  }
0xaa: {  	[hbm4b:s25+s3] =	stream.linear.scatter [tilespmem:s20], [sflag:$0x14], $0x2000, $0x38;
	[tilespmem:$0x17400] =	vst v63  }
0xab: {  	_ =	swait.ge [sflag:s10], $0x2000  }
0xac: {  	s28 =	sshra.s32 s28, $0x2;
	[sflag:s10] =	ssyncset.done $0x0  }
0xad: {  	s30 =	sadd.s32 $0x500, s28;
	s20 =	simm.s32 $0x3400;
	[sflag:s10] =	ssyncadd.s32 $0xFFFFE000  }
0xae: {  	[tilespmem:s2], [sflag:$0x1] =	stream.indirect.gather [hbm4b:s1+s18], $0x80, s30, s18, $0xb8;
	[tilespmem:$0x17400] =	vst v63  }
0xaf: {  	_ =	swait.ge [sflag:s11], $0x2000  }
0xb0: {  	[sflag:s11] =	ssyncset.done $0x0  }
0xb1: {  	s30 =	sadd.s32 $0x580, s28;
	s2 =	simm.s32 $0x5400;
	[sflag:s11] =	ssyncadd.s32 $0xFFFFE000  }
0xb2: {  	[tilespmem:s24], [sflag:$0x2] =	stream.indirect.gather [hbm4b:s1+s18], $0x80, s30, s18, $0xb8;
	[tilespmem:$0x17400] =	vst v63  }
0xb3: {  	_ =	swait.ge [sflag:s12], $0x2000  }
0xb4: {  	[sflag:s12] =	ssyncset.done $0x0  }
0xb5: {  	s30 =	sadd.s32 $0x600, s28;
	s24 =	simm.s32 $0x7400;
	[sflag:s12] =	ssyncadd.s32 $0xFFFFE000  }
0xb6: {  	[tilespmem:s29], [sflag:$0x3] =	stream.indirect.gather [hbm4b:s1+s18], $0x80, s30, s18, $0xb8;
	[tilespmem:$0x17400] =	vst v63  }
0xb7: {  	_ =	swait.ge [sflag:s13], $0x2000  }
0xb8: {  	[sflag:s13] =	ssyncset.done $0x0  }
0xb9: {  	s30 =	sadd.s32 $0x680, s28;
	s29 =	simm.s32 $0x9400;
	[sflag:s13] =	ssyncadd.s32 $0xFFFFE000  }
0xba: {  	[tilespmem:s31], [sflag:$0x4] =	stream.indirect.gather [hbm4b:s1+s18], $0x80, s30, s18, $0xb8;
	[tilespmem:$0x17400] =	vst v63  }
0xbb: {  	_ =	swait.ge [sflag:s14], $0x2000  }
0xbc: {  	[sflag:s14] =	ssyncset.done $0x0  }
0xbd: {  	s30 =	sadd.s32 $0x700, s28;
	s31 =	simm.s32 $0xB400;
	[sflag:s14] =	ssyncadd.s32 $0xFFFFE000  }
0xbe: {  	[tilespmem:s0], [sflag:$0x5] =	stream.indirect.gather [hbm4b:s1+s18], $0x80, s30, s18, $0xb8;
	[tilespmem:$0x17400] =	vst v63  }
0xbf: {  	_ =	swait.ge [sflag:s15], $0x2000  }
0xc0: {  	[sflag:s15] =	ssyncset.done $0x0  }
0xc1: {  	s30 =	sadd.s32 $0x780, s28;
	s0 =	simm.s32 $0xD400;
	[sflag:s15] =	ssyncadd.s32 $0xFFFFE000  }
0xc2: {  	[tilespmem:s22], [sflag:$0x6] =	stream.indirect.gather [hbm4b:s1+s18], $0x80, s30, s18, $0xb8;
	[tilespmem:$0x17400] =	vst v63  }
0xc3: {  	_ =	swait.ge [sflag:s17], $0x2000  }
0xc4: {  	[sflag:s17] =	ssyncset.done $0x0  }
0xc5: {  	s30 =	sadd.s32 $0x800, s28;
	s22 =	simm.s32 $0xF400;
	[sflag:s17] =	ssyncadd.s32 $0xFFFFE000  }
0xc6: {  	[tilespmem:s26], [sflag:$0x7] =	stream.indirect.gather [hbm4b:s1+s18], $0x80, s30, s18, $0xb8;
	[tilespmem:$0x17400] =	vst v63  }
0xc7: {  	_ =	swait.ge [sflag:s16], $0x2000  }
0xc8: {  	[sflag:s16] =	ssyncset.done $0x0  }
0xc9: {  	s30 =	sadd.s32 $0x880, s28;
	s26 =	simm.s32 $0x11400;
	[sflag:s16] =	ssyncadd.s32 $0xFFFFE000  }
0xca: {  	[tilespmem:s4], [sflag:$0x8] =	stream.indirect.gather [hbm4b:s1+s18], $0x80, s30, s18, $0xb8;
	[tilespmem:$0x17400] =	vst v63  }
0xcb: {  	_ =	swait.ge [sflag:s19], $0x2000  }
0xcc: {  	s30 =	sadd.s32 $0x900, s28;
	[sflag:s19] =	ssyncset.done $0x0  }
.Ltmp0:
0xcd: {  	s4 =	simm.s32 $0x13400;
	[sflag:s19] =	ssyncadd.s32 $0xFFFFE000;
	(pc) =	sbr.rel @p0 .LBB2_2-.Ltmp0, $4  }
0xce: {  	[tilespmem:s5], [sflag:$0x9] =	stream.indirect.gather [hbm4b:s1+s18], $0x80, s30, s18, $0xb8;
	[tilespmem:$0x17400] =	vst v63  }
0xcf: {  	_ =	swait.ge [sflag:s21], $0x2000  }
0xd0: {  	[sflag:s21] =	ssyncset.done $0x0  }
0xd1: {  	s25 =	sadd.s32 $0x2800, s25;
	s28 =	sadd.s32 $0x980, s28;
	[sflag:s21] =	ssyncadd.s32 $0xFFFFE000  }
0xd2: {  	s5 =	simm.s32 $0x15400;
	s23 =	simm.s32 $0x1  }
0xd3: {  	[tilespmem:s5], [sflag:$0xA] =	stream.indirect.gather [hbm4b:s1+s18], $0x80, s28, s18, $0xb8;
	[tilespmem:$0x17400] =	vst v63  }
0xd4: {  	_ =	swait.ge [sflag:s23], $0x2000  }
0xd5: {  	[sflag:s23] =	ssyncset.done $0x0  }
0xd6: {  	s25 =	simm.s32 $0x2;
	s30 =	rddreg [dreg:$0x5];
	[sflag:s23] =	ssyncadd.s32 $0xFFFFE000  }
0xd7: {  	[hbm4b:s30+s3] =	stream.linear.scatter [tilespmem:s20], [sflag:$0xB], $0x2000, $0x38;
	[tilespmem:$0x17400] =	vst v63  }
0xd8: {  	_ =	swait.ge [sflag:s25], $0x2000  }
0xd9: {  	[sflag:s25] =	ssyncset.done $0x0  }
0xda: {  	s30 =	simm.s32 $0x3;
	s28 =	rddreg [dreg:$0x6];
	[sflag:s25] =	ssyncadd.s32 $0xFFFFE000  }
0xdb: {  	[hbm4b:s28+s3] =	stream.linear.scatter [tilespmem:s2], [sflag:$0xC], $0x2000, $0x38;
	[tilespmem:$0x17400] =	vst v63  }
0xdc: {  	_ =	swait.ge [sflag:s30], $0x2000  }
0xdd: {  	[sflag:s30] =	ssyncset.done $0x0  }
0xde: {  	s25 =	simm.s32 $0x4;
	s20 =	rddreg [dreg:$0x7];
	[sflag:s30] =	ssyncadd.s32 $0xFFFFE000  }
0xdf: {  	[hbm4b:s20+s3] =	stream.linear.scatter [tilespmem:s24], [sflag:$0xD], $0x2000, $0x38;
	[tilespmem:$0x17400] =	vst v63  }
0xe0: {  	_ =	swait.ge [sflag:s25], $0x2000  }
0xe1: {  	[sflag:s25] =	ssyncset.done $0x0  }
0xe2: {  	s28 =	rddreg [dreg:$0x8];
	[sflag:s25] =	ssyncadd.s32 $0xFFFFE000  }
0xe3: {  	[hbm4b:s28+s3] =	stream.linear.scatter [tilespmem:s29], [sflag:$0xE], $0x2000, $0x38;
	[tilespmem:$0x17400] =	vst v63  }
0xe4: {  	s29 =	simm.s32 $0x5  }
0xe5: {  	_ =	swait.ge [sflag:s29], $0x2000  }
0xe6: {  	[sflag:s29] =	ssyncset.done $0x0  }
0xe7: {  	s30 =	rddreg [dreg:$0x9];
	[sflag:s29] =	ssyncadd.s32 $0xFFFFE000  }
0xe8: {  	[hbm4b:s30+s3] =	stream.linear.scatter [tilespmem:s31], [sflag:$0xF], $0x2000, $0x38;
	[tilespmem:$0x17400] =	vst v63  }
0xe9: {  	s31 =	simm.s32 $0x6  }
0xea: {  	_ =	swait.ge [sflag:s31], $0x2000  }
0xeb: {  	[sflag:s31] =	ssyncset.done $0x0  }
0xec: {  	s20 =	rddreg [dreg:$0xa];
	[sflag:s31] =	ssyncadd.s32 $0xFFFFE000  }
0xed: {  	[hbm4b:s20+s3] =	stream.linear.scatter [tilespmem:s0], [sflag:$0x10], $0x2000, $0x38;
	[tilespmem:$0x17400] =	vst v63  }
0xee: {  	_ =	swait.ge [sflag:s6], $0x2000  }
0xef: {  	[sflag:s6] =	ssyncset.done $0x0  }
0xf0: {  	s24 =	rddreg [dreg:$0xb];
	[sflag:s6] =	ssyncadd.s32 $0xFFFFE000  }
0xf1: {  	[hbm4b:s24+s3] =	stream.linear.scatter [tilespmem:s22], [sflag:$0x11], $0x2000, $0x38;
	[tilespmem:$0x17400] =	vst v63  }
0xf2: {  	_ =	swait.ge [sflag:s7], $0x2000  }
0xf3: {  	[sflag:s7] =	ssyncset.done $0x0  }
0xf4: {  	s25 =	rddreg [dreg:$0xc];
	[sflag:s7] =	ssyncadd.s32 $0xFFFFE000  }
0xf5: {  	[hbm4b:s25+s3] =	stream.linear.scatter [tilespmem:s26], [sflag:$0x12], $0x2000, $0x38;
	[tilespmem:$0x17400] =	vst v63  }
0xf6: {  	_ =	swait.ge [sflag:s8], $0x2000  }
0xf7: {  	[sflag:s8] =	ssyncset.done $0x0  }
0xf8: {  	s28 =	rddreg [dreg:$0xd];
	[sflag:s8] =	ssyncadd.s32 $0xFFFFE000  }
0xf9: {  	[hbm4b:s28+s3] =	stream.linear.scatter [tilespmem:s4], [sflag:$0x13], $0x2000, $0x38;
	[tilespmem:$0x17400] =	vst v63  }
0xfa: {  	_ =	swait.ge [sflag:s9], $0x2000  }
0xfb: {  	[sflag:s9] =	ssyncset.done $0x0  }
0xfc: {  	s29 =	rddreg [dreg:$0xe];
	[sflag:s9] =	ssyncadd.s32 $0xFFFFE000  }
0xfd: {  	[hbm4b:s29+s3] =	stream.linear.scatter [tilespmem:s5], [sflag:$0x14], $0x2000, $0x38;
	[tilespmem:$0x17400] =	vst v63  }
0xfe: {  	_ =	swait.ge [sflag:s10], $0x2000  }
0xff: {  	[sflag:s10] =	ssyncset.done $0x0  }
0x100: {  	[sflag:s10] =	ssyncadd.s32 $0xFFFFE000  }
0x101: {  	_ =	swait.ge [sflag:s11], $0x2000  }
0x102: {  	[sflag:s11] =	ssyncset.done $0x0  }
0x103: {  	[sflag:s11] =	ssyncadd.s32 $0xFFFFE000  }
0x104: {  	_ =	swait.ge [sflag:s12], $0x2000  }
0x105: {  	[sflag:s12] =	ssyncset.done $0x0  }
0x106: {  	[sflag:s12] =	ssyncadd.s32 $0xFFFFE000  }
0x107: {  	_ =	swait.ge [sflag:s13], $0x2000  }
0x108: {  	[sflag:s13] =	ssyncset.done $0x0  }
0x109: {  	[sflag:s13] =	ssyncadd.s32 $0xFFFFE000  }
0x10a: {  	_ =	swait.ge [sflag:s14], $0x2000  }
0x10b: {  	[sflag:s14] =	ssyncset.done $0x0  }
0x10c: {  	[sflag:s14] =	ssyncadd.s32 $0xFFFFE000  }
0x10d: {  	_ =	swait.ge [sflag:s15], $0x2000  }
0x10e: {  	[sflag:s15] =	ssyncset.done $0x0  }
0x10f: {  	[sflag:s15] =	ssyncadd.s32 $0xFFFFE000  }
0x110: {  	_ =	swait.ge [sflag:s17], $0x2000  }
0x111: {  	[sflag:s17] =	ssyncset.done $0x0  }
0x112: {  	[sflag:s17] =	ssyncadd.s32 $0xFFFFE000  }
0x113: {  	_ =	swait.ge [sflag:s16], $0x2000  }
0x114: {  	[sflag:s16] =	ssyncset.done $0x0  }
0x115: {  	[sflag:s16] =	ssyncadd.s32 $0xFFFFE000  }
0x116: {  	_ =	swait.ge [sflag:s19], $0x2000  }
0x117: {  	[sflag:s19] =	ssyncset.done $0x0  }
0x118: {  	[sflag:s19] =	ssyncadd.s32 $0xFFFFE000  }
0x119: {  	_ =	swait.ge [sflag:s21], $0x2000  }
0x11a: {  	s30 =	rddreg [dreg:$0x11]  }
0x11b: {  	s31 =	rddreg [dreg:$0xf];
	s0 =	sadd.s32 $0x1, s30  }
0x11c: {  	p0 =	sne.s32 s0, s31  }
.Ltmp1:
0x11d: {  	_ = 	snop;
	(pc) =	sbr.rel @p0 .LBB2_1-.Ltmp1, $3  }
0x11e: {  	_ =	sdelay $0x1  }
0x11f: {  	[sflag:s21] =	ssyncset.done $0x0  }
0x120: {  	[sflag:s21] =	ssyncadd.s32 $0xFFFFE000  }
0x121: {  	_ =	sfence.sel $0x180000  }
0x122: {  	[bflag:$0x0] =	sbarrier.arrive $0xFFFF  }
0x123: {  	_ =	strace $0x90000047  }
0x124: {  	s0 =	stileid.u32;
	[bflag:$0x2] =	sbarrier.arrive $0xFFFF  }
0x125: {  	p0 =	sne.s32 s0, $0x0;
	s0 =	rddreg [dreg:$0x3]  }
0x126: {  	s0 =	sadd.s32 @!p0 $0x100000, s0  }
0x127: {  	[sflag:s0] =	ssyncadd.tile.s32 @!p0 $0x1;
	_ =	shalt  }
.Lfunc_end2:
_tile_overlayer_lowered:
.L_overlay_start_2:
0x128: {  	(tag) =	ssettag $0x2  }
0x129: {  	s0 =	rddreg [dreg:$0x0];
	s2 =	stileid.u32  }
0x12a: {  	s1 =	rddreg [dreg:$0x1];
	p0 =	sne.s32 s2, $0x0  }
0x12b: {  	s3 =	rddreg [dreg:$0x2];
	[bflag:$0x3] =	sbarrier.arrive $0xFFFF;
	s2 =	simm.s32 @!p0 $0x1C15  }
0x12c: {  	[timem:s3], [sflag:s2] =	dma.local @!p0 [hbm:s0], s1  }
0x12d: {  	s0 =	simm.s32 @!p0 $0x15  }
0x12e: {  	_ =	swait.ge @!p0 [sflag:s0], s1  }
0x12f: {  	s1 =	ssub.s32 @!p0 $0x0, s1;
	[sflag:s0] =	ssyncset.done @!p0 $0x0  }
0x130: {  	[sflag:s0] =	ssyncadd.s32 @!p0 s1  }
0x131: {  	[bflag:$0x3] =	sbarrier.arrive $0xFFFF  }
0x132: {  	_ =	shalt  }

</sc_bundles>
